<compile_context>
chip_gen: v7x
topology: tpu7x:2x2x1
jax: 0.10.2.dev20260603
libtpu: 0.0.44.dev20260713+nightly
codegen_flags: <defaults>
</compile_context>

<pallas_src>
import functools

import jax
import jax.numpy as jnp
from jax import lax
from jax.experimental import pallas as pl
from jax.experimental.pallas import tpu as pltpu
from jax.experimental.pallas import tpu_sc as plsc

N = 10000
D = 128
K = 3
E = 320000

NC = 2
NS = 16
NW = NC * NS
NP = 10240
RPT = NP // NW
EPW = E // NW
C = 80
CH = EPW // C
DEGW = 16

_mesh = plsc.VectorSubcoreMesh(
    core_axis_name="c", subcore_axis_name="s", num_cores=NC, num_subcores=NS
)



@functools.partial(
    pl.kernel,
    out_type=jax.ShapeDtypeStruct((NC, NP, DEGW), jnp.float32),
    mesh=_mesh,
    scratch_types=[
        pltpu.VMEM((C,), jnp.int32),
        pltpu.VMEM((C,), jnp.int32),
        pltpu.VMEM((C, DEGW), jnp.float32),
        pltpu.VMEM((RPT, DEGW), jnp.float32),
        pltpu.VMEM_SHARED((NP, DEGW), jnp.float32),
        pltpu.SemaphoreType.DMA,
        pltpu.SemaphoreType.DMA,
    ],
)
def _deg_kernel(dst_hbm, out_hbm, dstv0, dstv1, onesv, zb, acc, sem0, sem1):
    c = lax.axis_index("c")
    s = lax.axis_index("s")
    wid = c * NS + s

    def fill(i, _):
        zb[i, pl.ds(0, 16)] = jnp.zeros((16,), jnp.float32)
        return 0

    lax.fori_loop(0, RPT, fill, 0)

    def fill1(i, _):
        onesv[i, pl.ds(0, 16)] = jnp.ones((16,), jnp.float32)
        return 0

    lax.fori_loop(0, C, fill1, 0)

    pltpu.sync_copy(zb, acc.at[pl.ds(s * RPT, RPT), :])
    plsc.subcore_barrier()

    ebase = wid * EPW
    sems = (sem0, sem1)
    dstv = (dstv0, dstv1)

    def start(j, b):
        base = pl.multiple_of(ebase + j * C, C)
        pltpu.async_copy(dst_hbm.at[pl.ds(base, C)], dstv[b], sems[b])

    def finish(j, b):
        pltpu.make_async_copy(
            dst_hbm.at[pl.ds(0, C)], dstv[b], sems[b]
        ).wait()
        pltpu.sync_copy(onesv, acc.at[dstv[b]], add=True)

    start(0, 0)

    def body(jj, _):
        j0 = 2 * jj
        start(j0 + 1, 1)
        finish(j0, 0)
        start(j0 + 2, 0)
        finish(j0 + 1, 1)
        return 0

    lax.fori_loop(0, (CH - 3) // 2, body, 0)
    j0 = CH - 3
    start(j0 + 1, 1)
    finish(j0, 0)
    start(j0 + 2, 0)
    finish(j0 + 1, 1)
    finish(j0 + 2, 0)

    plsc.subcore_barrier()
    pltpu.sync_copy(
        acc.at[pl.ds(s * RPT, RPT), :], out_hbm.at[c, pl.ds(s * RPT, RPT), :]
    )



@functools.partial(
    pl.kernel,
    out_type=jax.ShapeDtypeStruct((NC, NP, D), jnp.float32),
    mesh=_mesh,
    scratch_types=[
        pltpu.VMEM((C,), jnp.int32),
        pltpu.VMEM((C,), jnp.int32),
        pltpu.VMEM((C,), jnp.int32),
        pltpu.VMEM((C,), jnp.int32),
        pltpu.VMEM((C, D), jnp.float32),
        pltpu.VMEM((C, D), jnp.float32),
        pltpu.VMEM((128, D), jnp.float32),
        pltpu.VMEM_SHARED((NP, D), jnp.float32),
        pltpu.SemaphoreType.DMA,
        pltpu.SemaphoreType.DMA,
    ],
)
def _spmv_kernel(src_hbm, dst_hbm, tab_hbm, out_hbm, srcv0, srcv1, dstv0, dstv1,
                 rows0, rows1, zb, acc, sem0, sem1):
    c = lax.axis_index("c")
    s = lax.axis_index("s")
    wid = c * NS + s

    def fill(i, _):
        for k in range(D // 16):
            zb[i, pl.ds(k * 16, 16)] = jnp.zeros((16,), jnp.float32)
        return 0

    lax.fori_loop(0, 128, fill, 0)

    for t in range(RPT // 128):
        pltpu.sync_copy(zb, acc.at[pl.ds(s * RPT + t * 128, 128), :])
    plsc.subcore_barrier()

    ebase = wid * EPW
    sems = (sem0, sem1)
    srcv = (srcv0, srcv1)
    dstv = (dstv0, dstv1)
    rows = (rows0, rows1)

    def start(j, b):
        base = pl.multiple_of(ebase + j * C, C)
        pltpu.sync_copy(src_hbm.at[pl.ds(base, C)], srcv[b])
        pltpu.sync_copy(dst_hbm.at[pl.ds(base, C)], dstv[b])
        pltpu.async_copy(tab_hbm.at[srcv[b]], rows[b], sems[b])

    def finish(j, b):
        pltpu.make_async_copy(
            tab_hbm.at[srcv[b]], rows[b], sems[b]
        ).wait()
        pltpu.sync_copy(rows[b], acc.at[dstv[b]], add=True)

    start(0, 0)

    def body(jj, _):
        j0 = 2 * jj
        start(j0 + 1, 1)
        finish(j0, 0)
        start(j0 + 2, 0)
        finish(j0 + 1, 1)
        return 0

    lax.fori_loop(0, (CH - 3) // 2, body, 0)
    j0 = CH - 3
    start(j0 + 1, 1)
    finish(j0, 0)
    start(j0 + 2, 0)
    finish(j0 + 1, 1)
    finish(j0 + 2, 0)
    plsc.subcore_barrier()
    for t in range(RPT // 128):
        pltpu.sync_copy(
            acc.at[pl.ds(s * RPT + t * 128, 128), :],
            out_hbm.at[c, pl.ds(s * RPT + t * 128, 128), :],
        )



BR = 1024


def _scale_body(degp_ref, x_ref, dinv_ref, h0_ref):
    deg = degp_ref[0, :, 0:1] + degp_ref[1, :, 0:1]
    dinv = lax.rsqrt(jnp.maximum(deg, 1.0))
    dinv_ref[...] = dinv
    h0_ref[...] = x_ref[...] * dinv


def _combine_body(q_ref, dinv_ref, tx1_ref, h1_ref):
    dinv = dinv_ref[...]
    tx1 = -dinv * (q_ref[0] + q_ref[1])
    tx1_ref[...] = tx1
    h1_ref[...] = dinv * tx1


def _final_body(x_ref, tx1_ref, r_ref, dinv_ref, fc_ref, w_ref, b_ref, out_ref):
    tx2 = -2.0 * dinv_ref[...] * (r_ref[0] + r_ref[1]) - x_ref[...]
    acc = jnp.dot(fc_ref[:, 0:1] * x_ref[...], w_ref[0],
                  preferred_element_type=jnp.float32)
    acc = acc + jnp.dot(fc_ref[:, 1:2] * tx1_ref[...], w_ref[1],
                        preferred_element_type=jnp.float32)
    acc = acc + jnp.dot(fc_ref[:, 2:3] * tx2, w_ref[2],
                        preferred_element_type=jnp.float32)
    out_ref[...] = acc + b_ref[...]


def _row_spec(width):
    return pl.BlockSpec((BR, width), lambda i: (i, 0))


def _part_spec(width):
    return pl.BlockSpec((NC, BR, width), lambda i: (0, i, 0))


_scale_call = pl.pallas_call(
    _scale_body,
    grid=(NP // BR,),
    in_specs=[_part_spec(DEGW), _row_spec(D)],
    out_specs=[_row_spec(1), _row_spec(D)],
    out_shape=[
        jax.ShapeDtypeStruct((NP, 1), jnp.float32),
        jax.ShapeDtypeStruct((NP, D), jnp.float32),
    ],
)

_combine_call = pl.pallas_call(
    _combine_body,
    grid=(NP // BR,),
    in_specs=[_part_spec(D), _row_spec(1)],
    out_specs=[_row_spec(D), _row_spec(D)],
    out_shape=[
        jax.ShapeDtypeStruct((NP, D), jnp.float32),
        jax.ShapeDtypeStruct((NP, D), jnp.float32),
    ],
)

_final_call = pl.pallas_call(
    _final_body,
    grid=(NP // BR,),
    in_specs=[
        _row_spec(D),
        _row_spec(D),
        _part_spec(D),
        _row_spec(1),
        _row_spec(K),
        pl.BlockSpec((K, D, D), lambda i: (0, 0, 0)),
        pl.BlockSpec((1, D), lambda i: (0, 0)),
    ],
    out_specs=_row_spec(D),
    out_shape=jax.ShapeDtypeStruct((NP, D), jnp.float32),
)


def kernel(x, edge_index, filter_coeff, W, b):
    src = edge_index[0].astype(jnp.int32)
    dst = edge_index[1].astype(jnp.int32)
    x_p = jnp.pad(x, ((0, NP - N), (0, 0)))
    fc_p = jnp.pad(filter_coeff.T, ((0, NP - N), (0, 0)))

    degp = _deg_kernel(dst)
    dinv, h0 = _scale_call(degp, x_p)
    q = _spmv_kernel(src, dst, h0)
    tx1, h1 = _combine_call(q, dinv)
    r = _spmv_kernel(src, dst, h1)
    out_p = _final_call(x_p, tx1, r, dinv, fc_p, W, b[None, :])
    return out_p[:N]

# --- scband reference (transcript-rebuilt; emitter-appended) ---
"""Pipeline reference for scband-graphi-t-spectra-lspe-layer-17703855194488 (READ-ONLY COPY).

The authoritative reference and input builder live on the scoring server;
editing this copy changes nothing except your own understanding.
"""

import jax, jax.numpy as jnp
import numpy as np

N = 10000
D = 128
K = 3
E = 320000


def setup_inputs(seed: int = 0) -> dict:
    key = jax.random.key(seed)
    k1, k2, k3, k4 = jax.random.split(key, 4)
    x = jax.random.normal(k1, (N, D), dtype=jnp.float32)
    edge_index = jax.random.randint(k2, (2, E), 0, N)
    filter_coeff = jax.random.uniform(k3, (K, N), dtype=jnp.float32)
    # glorot init for Chebyshev weight [K, in, out]
    stdv = float(np.sqrt(6.0 / (D + D)))
    W = jax.random.uniform(k4, (K, D, D), minval=-stdv, maxval=stdv, dtype=jnp.float32)
    b = jnp.zeros((D,), dtype=jnp.float32)
    return {"x": x, "edge_index": edge_index, "filter_coeff": filter_coeff, "W": W, "b": b}


def reference(x, edge_index, filter_coeff, W, b):
    src = edge_index[0]
    dst = edge_index[1]
    # in-degrees of original graph, clipped to >= 1 (as in get_laplacian_sp)
    deg = jax.ops.segment_sum(jnp.ones((E,), dtype=jnp.float32), dst, num_segments=N)
    deg = jnp.clip(deg, 1.0, None)
    dinv = deg ** -0.5
    # scaled Laplacian L_hat = 2*(I - N A N)/lambda_max - I with lambda_max=2 -> -N A N (off-diagonal)
    w = -(dinv[src] * dinv[dst])

    def spmv(h):
        # cheb_msg2 + cheb_reduce: out[v] = sum_{(u->v)} w_e * h[u]
        return jax.ops.segment_sum(h[src] * w[:, None], dst, num_segments=N)

    Tx0 = x
    out = jnp.matmul(filter_coeff[0][:, None] * Tx0, W[0])
    Tx1 = spmv(x)
    out = out + jnp.matmul(filter_coeff[1][:, None] * Tx1, W[1])
    for k in range(2, K):
        Tx2 = 2.0 * spmv(Tx1) - Tx0
        out = out + jnp.matmul(filter_coeff[k][:, None] * Tx2, W[k])
        Tx0, Tx1 = Tx1, Tx2
    out = out + b
    return out

if __name__ == "__main__":
    import jax
    _d = setup_inputs()
    print(jax.jit(kernel)(*tuple(_d.values())))

</pallas_src>

<mosaic_0001>
#map = affine_map<(d0, d1) -> (0)>
#map1 = affine_map<(d0, d1) -> (0, 0, 0)>
module attributes {stable_mosaic.version = 14 : i64} {
  func.func @_deg_kernel(%arg0: i32, %arg1: i32, %arg2: memref<320000xi32, #tpu.memory_space<hbm>>, %arg3: memref<2x10240x16xf32, #tpu.memory_space<hbm>>, %arg4: memref<80xi32, #tpu.memory_space<vmem>>, %arg5: memref<80xi32, #tpu.memory_space<vmem>>, %arg6: memref<80x16xf32, #tpu.memory_space<vmem>>, %arg7: memref<320x16xf32, #tpu.memory_space<vmem>>, %arg8: memref<10240x16xf32, #tpu.memory_space<vmem_shared>>, %arg9: memref<!tpu.dma_semaphore, #tpu.memory_space<semaphore_mem>>, %arg10: memref<!tpu.dma_semaphore, #tpu.memory_space<semaphore_mem>>) attributes {dimension_semantics = [#tpu.dimension_semantics<core_parallel>, #tpu.dimension_semantics<subcore_parallel>], iteration_bounds = array<i64: 2, 16>, scalar_prefetch = 0 : i64, scratch_operands = 7 : i64, tpu.core_type = #tpu.core_type<sc_vector_subcore>, window_params = [{transform_indices = #map}, {transform_indices = #map1}]} {
    %mul3A = arith.constant 16 : i32
    %mul3A_0 = arith.muli %arg0, %mul3A : i32
    %add3A = arith.addi %mul3A_0, %arg1 : i32
    %scan3A = arith.constant 0 : i32
    %scan3A_1 = arith.constant 0 : i32
    %scan3A_2 = arith.constant 320 : i32
    %scan3A_3 = arith.addi %scan3A_1, %scan3A_2 : i32
    %scan3A_4 = arith.constant 1 : i32
    %scan3A_5 = scf.for %scan3A_54 = %scan3A_1 to %scan3A_3 step %scan3A_4 iter_args(%scan3A_55 = %scan3A) -> (i32)  : i32 {
      %broadcast_in_dim3A = arith.constant 0.000000e+00 : f32
      %broadcast_in_dim3A_56 = vector.broadcast %broadcast_in_dim3A : f32 to vector<16xf32>
      %swap3A = arith.index_cast %scan3A_54 : i32 to index
      %swap3A_57 = arith.constant 0 : index
      %swap3A_58 = tpu.vector_load %arg7[%swap3A, %swap3A_57] {strides = array<i32>} : memref<320x16xf32, #tpu.memory_space<vmem>>, vector<1x16xf32>,
      %swap3A_59 = vector.shape_cast %swap3A_58 : vector<1x16xf32> to vector<16xf32>
      %swap3A_60 = vector.shape_cast %broadcast_in_dim3A_56 : vector<16xf32> to vector<1x16xf32>
      tpu.vector_store %arg7[%swap3A, %swap3A_57], %swap3A_60 {strides = array<i32>} : memref<320x16xf32, #tpu.memory_space<vmem>>, vector<1x16xf32>,
      %scan3A_61 = arith.constant 0 : i32
      scf.yield %scan3A_61 : i32
    }
    %scan3A_6 = arith.constant 320 : i32
    %scan3A_7 = arith.constant 0 : i32
    %scan3A_8 = arith.constant 0 : i32
    %scan3A_9 = arith.constant 80 : i32
    %scan3A_10 = arith.addi %scan3A_8, %scan3A_9 : i32
    %scan3A_11 = arith.constant 1 : i32
    %scan3A_12 = scf.for %scan3A_54 = %scan3A_8 to %scan3A_10 step %scan3A_11 iter_args(%scan3A_55 = %scan3A_7) -> (i32)  : i32 {
      %broadcast_in_dim3A = arith.constant 1.000000e+00 : f32
      %broadcast_in_dim3A_56 = vector.broadcast %broadcast_in_dim3A : f32 to vector<16xf32>
      %swap3A = arith.index_cast %scan3A_54 : i32 to index
      %swap3A_57 = arith.constant 0 : index
      %swap3A_58 = tpu.vector_load %arg6[%swap3A, %swap3A_57] {strides = array<i32>} : memref<80x16xf32, #tpu.memory_space<vmem>>, vector<1x16xf32>,
      %swap3A_59 = vector.shape_cast %swap3A_58 : vector<1x16xf32> to vector<16xf32>
      %swap3A_60 = vector.shape_cast %broadcast_in_dim3A_56 : vector<16xf32> to vector<1x16xf32>
      tpu.vector_store %arg6[%swap3A, %swap3A_57], %swap3A_60 {strides = array<i32>} : memref<80x16xf32, #tpu.memory_space<vmem>>, vector<1x16xf32>,
      %scan3A_61 = arith.constant 0 : i32
      scf.yield %scan3A_61 : i32
    }
    %scan3A_13 = arith.constant 80 : i32
    %mul3A_14 = arith.constant 320 : i32
    %mul3A_15 = arith.muli %arg1, %mul3A_14 : i32
    "tpu.region"() ({
      %run_scoped3A = tpu.sem_alloc : memref<!tpu.dma_semaphore, #tpu.memory_space<semaphore_mem>>
      %dma_start3A_54 = arith.constant 0 : i32
      %dma_start3A_55 = tpu.memref_slice %arg8[%mul3A_15, %dma_start3A_54] : memref<10240x16xf32, #tpu.memory_space<vmem_shared>> -> memref<320x16xf32, #tpu.memory_space<vmem_shared>>
      %dma_start3A_56 = arith.constant 0 : i32
      %dma_start3A_57 = tpu.memref_slice %arg8[%mul3A_15, %dma_start3A_56] : memref<10240x16xf32, #tpu.memory_space<vmem_shared>> -> memref<320x16xf32, #tpu.memory_space<vmem_shared>>
      tpu.enqueue_dma source(%arg7 : memref<320x16xf32, #tpu.memory_space<vmem>>) target(%dma_start3A_57 : memref<320x16xf32, #tpu.memory_space<vmem_shared>>) target_semaphore(%run_scoped3A : memref<!tpu.dma_semaphore, #tpu.memory_space<semaphore_mem>>)
      %dma_wait3A_58 = arith.constant 0 : i32
      %dma_wait3A_59 = tpu.memref_slice %arg8[%mul3A_15, %dma_wait3A_58] : memref<10240x16xf32, #tpu.memory_space<vmem_shared>> -> memref<320x16xf32, #tpu.memory_space<vmem_shared>>
      %dma_wait3A_60 = arith.constant 0 : i32
      %dma_wait3A_61 = tpu.memref_slice %arg8[%mul3A_15, %dma_wait3A_60] : memref<10240x16xf32, #tpu.memory_space<vmem_shared>> -> memref<320x16xf32, #tpu.memory_space<vmem_shared>>
      tpu.wait_dma2 semaphore(%run_scoped3A : memref<!tpu.dma_semaphore, #tpu.memory_space<semaphore_mem>>) src(%arg7 : memref<320x16xf32, #tpu.memory_space<vmem>>) dst(%dma_wait3A_61 : memref<320x16xf32, #tpu.memory_space<vmem_shared>>)
      tpu.yield
    }) : () -> ()
    %barrier3A = arith.constant 0 : index
    tpu.barrier barrier_id(%barrier3A)
    %mul3A_16 = arith.constant 10000 : i32
    %mul3A_17 = arith.muli %add3A, %mul3A_16 : i32
    %add3A_18 = arith.constant 0 : i32
    %add3A_19 = arith.addi %mul3A_17, %add3A_18 : i32
    %multiple_of3A = tpu.assume_multiple %add3A_19, 80 : i32
    %dma_start3A = tpu.memref_slice %arg2[%multiple_of3A] : memref<320000xi32, #tpu.memory_space<hbm>> -> memref<80xi32, #tpu.memory_space<hbm>>
    %dma_start3A_20 = tpu.memref_slice %arg2[%multiple_of3A] : memref<320000xi32, #tpu.memory_space<hbm>> -> memref<80xi32, #tpu.memory_space<hbm>>
    tpu.enqueue_dma source(%dma_start3A_20 : memref<80xi32, #tpu.memory_space<hbm>>) target(%arg4 : memref<80xi32, #tpu.memory_space<vmem>>) target_semaphore(%arg9 : memref<!tpu.dma_semaphore, #tpu.memory_space<semaphore_mem>>)
    %scan3A_21 = arith.constant 0 : i32
    %scan3A_22 = arith.constant 0 : i32
    %scan3A_23 = arith.constant 61 : i32
    %scan3A_24 = arith.addi %scan3A_22, %scan3A_23 : i32
    %scan3A_25 = arith.constant 1 : i32
    %scan3A_26 = scf.for %scan3A_54 = %scan3A_22 to %scan3A_24 step %scan3A_25 iter_args(%scan3A_55 = %scan3A_21) -> (i32)  : i32 {
      %mul3A_56 = arith.constant 2 : i32
      %mul3A_57 = arith.muli %mul3A_56, %scan3A_54 : i32
      %add3A_58 = arith.constant 1 : i32
      %add3A_59 = arith.addi %mul3A_57, %add3A_58 : i32
      %mul3A_60 = arith.constant 80 : i32
      %mul3A_61 = arith.muli %add3A_59, %mul3A_60 : i32
      %add3A_62 = arith.addi %mul3A_17, %mul3A_61 : i32
      %multiple_of3A_63 = tpu.assume_multiple %add3A_62, 80 : i32
      %dma_start3A_64 = tpu.memref_slice %arg2[%multiple_of3A_63] : memref<320000xi32, #tpu.memory_space<hbm>> -> memref<80xi32, #tpu.memory_space<hbm>>
      %dma_start3A_65 = tpu.memref_slice %arg2[%multiple_of3A_63] : memref<320000xi32, #tpu.memory_space<hbm>> -> memref<80xi32, #tpu.memory_space<hbm>>
      tpu.enqueue_dma source(%dma_start3A_65 : memref<80xi32, #tpu.memory_space<hbm>>) target(%arg5 : memref<80xi32, #tpu.memory_space<vmem>>) target_semaphore(%arg10 : memref<!tpu.dma_semaphore, #tpu.memory_space<semaphore_mem>>)
      %dma_wait3A_66 = arith.constant 0 : i32
      %dma_wait3A_67 = tpu.memref_slice %arg2[%dma_wait3A_66] : memref<320000xi32, #tpu.memory_space<hbm>> -> memref<80xi32, #tpu.memory_space<hbm>>
      %dma_wait3A_68 = arith.constant 0 : i32
      %dma_wait3A_69 = tpu.memref_slice %arg2[%dma_wait3A_68] : memref<320000xi32, #tpu.memory_space<hbm>> -> memref<80xi32, #tpu.memory_space<hbm>>
      tpu.wait_dma2 semaphore(%arg9 : memref<!tpu.dma_semaphore, #tpu.memory_space<semaphore_mem>>) src(%dma_wait3A_69 : memref<80xi32, #tpu.memory_space<hbm>>) dst(%arg4 : memref<80xi32, #tpu.memory_space<vmem>>)
      "tpu.region"() ({
        %run_scoped3A = tpu.sem_alloc : memref<!tpu.dma_semaphore, #tpu.memory_space<semaphore_mem>>
        %dma_start3A_85 = arith.constant 0 : i32
        %dma_start3A_86 = arith.constant 0 : i32
        %dma_start3A_87 = tpu.memref_slice %arg8[%dma_start3A_85, %dma_start3A_86] : memref<10240x16xf32, #tpu.memory_space<vmem_shared>> -> memref<10240x16xf32, #tpu.memory_space<vmem_shared>>
        tpu.enqueue_indirect_dma source(%arg6 : memref<80x16xf32, #tpu.memory_space<vmem>>) target(%dma_start3A_87 : memref<10240x16xf32, #tpu.memory_space<vmem_shared>>) offsets(%arg4 : memref<80xi32, #tpu.memory_space<vmem>>) semaphore(%run_scoped3A : memref<!tpu.dma_semaphore, #tpu.memory_space<semaphore_mem>>) {add = true}
        %dma_wait3A_88 = arith.constant 0 : i32
        %dma_wait3A_89 = arith.constant 0 : i32
        %dma_wait3A_90 = tpu.memref_slice %arg8[%dma_wait3A_88, %dma_wait3A_89] : memref<10240x16xf32, #tpu.memory_space<vmem_shared>> -> memref<10240x16xf32, #tpu.memory_space<vmem_shared>>
        tpu.wait_indirect_dma semaphore(%run_scoped3A : memref<!tpu.dma_semaphore, #tpu.memory_space<semaphore_mem>>) src(%arg6 : memref<80x16xf32, #tpu.memory_space<vmem>>) dst(%dma_wait3A_90 : memref<10240x16xf32, #tpu.memory_space<vmem_shared>>)
        tpu.yield
      }) : () -> ()
      %add3A_70 = arith.constant 2 : i32
      %add3A_71 = arith.addi %mul3A_57, %add3A_70 : i32
      %mul3A_72 = arith.constant 80 : i32
      %mul3A_73 = arith.muli %add3A_71, %mul3A_72 : i32
      %add3A_74 = arith.addi %mul3A_17, %mul3A_73 : i32
      %multiple_of3A_75 = tpu.assume_multiple %add3A_74, 80 : i32
      %dma_start3A_76 = tpu.memref_slice %arg2[%multiple_of3A_75] : memref<320000xi32, #tpu.memory_space<hbm>> -> memref<80xi32, #tpu.memory_space<hbm>>
      %dma_start3A_77 = tpu.memref_slice %arg2[%multiple_of3A_75] : memref<320000xi32, #tpu.memory_space<hbm>> -> memref<80xi32, #tpu.memory_space<hbm>>
      tpu.enqueue_dma source(%dma_start3A_77 : memref<80xi32, #tpu.memory_space<hbm>>) target(%arg4 : memref<80xi32, #tpu.memory_space<vmem>>) target_semaphore(%arg9 : memref<!tpu.dma_semaphore, #tpu.memory_space<semaphore_mem>>)
      %add3A_78 = arith.constant 1 : i32
      %add3A_79 = arith.addi %mul3A_57, %add3A_78 : i32
      %dma_wait3A_80 = arith.constant 0 : i32
      %dma_wait3A_81 = tpu.memref_slice %arg2[%dma_wait3A_80] : memref<320000xi32, #tpu.memory_space<hbm>> -> memref<80xi32, #tpu.memory_space<hbm>>
      %dma_wait3A_82 = arith.constant 0 : i32
      %dma_wait3A_83 = tpu.memref_slice %arg2[%dma_wait3A_82] : memref<320000xi32, #tpu.memory_space<hbm>> -> memref<80xi32, #tpu.memory_space<hbm>>
      tpu.wait_dma2 semaphore(%arg10 : memref<!tpu.dma_semaphore, #tpu.memory_space<semaphore_mem>>) src(%dma_wait3A_83 : memref<80xi32, #tpu.memory_space<hbm>>) dst(%arg5 : memref<80xi32, #tpu.memory_space<vmem>>)
      "tpu.region"() ({
        %run_scoped3A = tpu.sem_alloc : memref<!tpu.dma_semaphore, #tpu.memory_space<semaphore_mem>>
        %dma_start3A_85 = arith.constant 0 : i32
        %dma_start3A_86 = arith.constant 0 : i32
        %dma_start3A_87 = tpu.memref_slice %arg8[%dma_start3A_85, %dma_start3A_86] : memref<10240x16xf32, #tpu.memory_space<vmem_shared>> -> memref<10240x16xf32, #tpu.memory_space<vmem_shared>>
        tpu.enqueue_indirect_dma source(%arg6 : memref<80x16xf32, #tpu.memory_space<vmem>>) target(%dma_start3A_87 : memref<10240x16xf32, #tpu.memory_space<vmem_shared>>) offsets(%arg5 : memref<80xi32, #tpu.memory_space<vmem>>) semaphore(%run_scoped3A : memref<!tpu.dma_semaphore, #tpu.memory_space<semaphore_mem>>) {add = true}
        %dma_wait3A_88 = arith.constant 0 : i32
        %dma_wait3A_89 = arith.constant 0 : i32
        %dma_wait3A_90 = tpu.memref_slice %arg8[%dma_wait3A_88, %dma_wait3A_89] : memref<10240x16xf32, #tpu.memory_space<vmem_shared>> -> memref<10240x16xf32, #tpu.memory_space<vmem_shared>>
        tpu.wait_indirect_dma semaphore(%run_scoped3A : memref<!tpu.dma_semaphore, #tpu.memory_space<semaphore_mem>>) src(%arg6 : memref<80x16xf32, #tpu.memory_space<vmem>>) dst(%dma_wait3A_90 : memref<10240x16xf32, #tpu.memory_space<vmem_shared>>)
        tpu.yield
      }) : () -> ()
      %scan3A_84 = arith.constant 0 : i32
      scf.yield %scan3A_84 : i32
    }
    %scan3A_27 = arith.constant 61 : i32
    %add3A_28 = arith.constant 9840 : i32
    %add3A_29 = arith.addi %mul3A_17, %add3A_28 : i32
    %multiple_of3A_30 = tpu.assume_multiple %add3A_29, 80 : i32
    %dma_start3A_31 = tpu.memref_slice %arg2[%multiple_of3A_30] : memref<320000xi32, #tpu.memory_space<hbm>> -> memref<80xi32, #tpu.memory_space<hbm>>
    %dma_start3A_32 = tpu.memref_slice %arg2[%multiple_of3A_30] : memref<320000xi32, #tpu.memory_space<hbm>> -> memref<80xi32, #tpu.memory_space<hbm>>
    tpu.enqueue_dma source(%dma_start3A_32 : memref<80xi32, #tpu.memory_space<hbm>>) target(%arg5 : memref<80xi32, #tpu.memory_space<vmem>>) target_semaphore(%arg10 : memref<!tpu.dma_semaphore, #tpu.memory_space<semaphore_mem>>)
    %dma_wait3A = arith.constant 0 : i32
    %dma_wait3A_33 = tpu.memref_slice %arg2[%dma_wait3A] : memref<320000xi32, #tpu.memory_space<hbm>> -> memref<80xi32, #tpu.memory_space<hbm>>
    %dma_wait3A_34 = arith.constant 0 : i32
    %dma_wait3A_35 = tpu.memref_slice %arg2[%dma_wait3A_34] : memref<320000xi32, #tpu.memory_space<hbm>> -> memref<80xi32, #tpu.memory_space<hbm>>
    tpu.wait_dma2 semaphore(%arg9 : memref<!tpu.dma_semaphore, #tpu.memory_space<semaphore_mem>>) src(%dma_wait3A_35 : memref<80xi32, #tpu.memory_space<hbm>>) dst(%arg4 : memref<80xi32, #tpu.memory_space<vmem>>)
    "tpu.region"() ({
      %run_scoped3A = tpu.sem_alloc : memref<!tpu.dma_semaphore, #tpu.memory_space<semaphore_mem>>
      %dma_start3A_54 = arith.constant 0 : i32
      %dma_start3A_55 = arith.constant 0 : i32
      %dma_start3A_56 = tpu.memref_slice %arg8[%dma_start3A_54, %dma_start3A_55] : memref<10240x16xf32, #tpu.memory_space<vmem_shared>> -> memref<10240x16xf32, #tpu.memory_space<vmem_shared>>
      tpu.enqueue_indirect_dma source(%arg6 : memref<80x16xf32, #tpu.memory_space<vmem>>) target(%dma_start3A_56 : memref<10240x16xf32, #tpu.memory_space<vmem_shared>>) offsets(%arg4 : memref<80xi32, #tpu.memory_space<vmem>>) semaphore(%run_scoped3A : memref<!tpu.dma_semaphore, #tpu.memory_space<semaphore_mem>>) {add = true}
      %dma_wait3A_57 = arith.constant 0 : i32
      %dma_wait3A_58 = arith.constant 0 : i32
      %dma_wait3A_59 = tpu.memref_slice %arg8[%dma_wait3A_57, %dma_wait3A_58] : memref<10240x16xf32, #tpu.memory_space<vmem_shared>> -> memref<10240x16xf32, #tpu.memory_space<vmem_shared>>
      tpu.wait_indirect_dma semaphore(%run_scoped3A : memref<!tpu.dma_semaphore, #tpu.memory_space<semaphore_mem>>) src(%arg6 : memref<80x16xf32, #tpu.memory_space<vmem>>) dst(%dma_wait3A_59 : memref<10240x16xf32, #tpu.memory_space<vmem_shared>>)
      tpu.yield
    }) : () -> ()
    %add3A_36 = arith.constant 9920 : i32
    %add3A_37 = arith.addi %mul3A_17, %add3A_36 : i32
    %multiple_of3A_38 = tpu.assume_multiple %add3A_37, 80 : i32
    %dma_start3A_39 = tpu.memref_slice %arg2[%multiple_of3A_38] : memref<320000xi32, #tpu.memory_space<hbm>> -> memref<80xi32, #tpu.memory_space<hbm>>
    %dma_start3A_40 = tpu.memref_slice %arg2[%multiple_of3A_38] : memref<320000xi32, #tpu.memory_space<hbm>> -> memref<80xi32, #tpu.memory_space<hbm>>
    tpu.enqueue_dma source(%dma_start3A_40 : memref<80xi32, #tpu.memory_space<hbm>>) target(%arg4 : memref<80xi32, #tpu.memory_space<vmem>>) target_semaphore(%arg9 : memref<!tpu.dma_semaphore, #tpu.memory_space<semaphore_mem>>)
    %dma_wait3A_41 = arith.constant 0 : i32
    %dma_wait3A_42 = tpu.memref_slice %arg2[%dma_wait3A_41] : memref<320000xi32, #tpu.memory_space<hbm>> -> memref<80xi32, #tpu.memory_space<hbm>>
    %dma_wait3A_43 = arith.constant 0 : i32
    %dma_wait3A_44 = tpu.memref_slice %arg2[%dma_wait3A_43] : memref<320000xi32, #tpu.memory_space<hbm>> -> memref<80xi32, #tpu.memory_space<hbm>>
    tpu.wait_dma2 semaphore(%arg10 : memref<!tpu.dma_semaphore, #tpu.memory_space<semaphore_mem>>) src(%dma_wait3A_44 : memref<80xi32, #tpu.memory_space<hbm>>) dst(%arg5 : memref<80xi32, #tpu.memory_space<vmem>>)
    "tpu.region"() ({
      %run_scoped3A = tpu.sem_alloc : memref<!tpu.dma_semaphore, #tpu.memory_space<semaphore_mem>>
      %dma_start3A_54 = arith.constant 0 : i32
      %dma_start3A_55 = arith.constant 0 : i32
      %dma_start3A_56 = tpu.memref_slice %arg8[%dma_start3A_54, %dma_start3A_55] : memref<10240x16xf32, #tpu.memory_space<vmem_shared>> -> memref<10240x16xf32, #tpu.memory_space<vmem_shared>>
      tpu.enqueue_indirect_dma source(%arg6 : memref<80x16xf32, #tpu.memory_space<vmem>>) target(%dma_start3A_56 : memref<10240x16xf32, #tpu.memory_space<vmem_shared>>) offsets(%arg5 : memref<80xi32, #tpu.memory_space<vmem>>) semaphore(%run_scoped3A : memref<!tpu.dma_semaphore, #tpu.memory_space<semaphore_mem>>) {add = true}
      %dma_wait3A_57 = arith.constant 0 : i32
      %dma_wait3A_58 = arith.constant 0 : i32
      %dma_wait3A_59 = tpu.memref_slice %arg8[%dma_wait3A_57, %dma_wait3A_58] : memref<10240x16xf32, #tpu.memory_space<vmem_shared>> -> memref<10240x16xf32, #tpu.memory_space<vmem_shared>>
      tpu.wait_indirect_dma semaphore(%run_scoped3A : memref<!tpu.dma_semaphore, #tpu.memory_space<semaphore_mem>>) src(%arg6 : memref<80x16xf32, #tpu.memory_space<vmem>>) dst(%dma_wait3A_59 : memref<10240x16xf32, #tpu.memory_space<vmem_shared>>)
      tpu.yield
    }) : () -> ()
    %dma_wait3A_45 = arith.constant 0 : i32
    %dma_wait3A_46 = tpu.memref_slice %arg2[%dma_wait3A_45] : memref<320000xi32, #tpu.memory_space<hbm>> -> memref<80xi32, #tpu.memory_space<hbm>>
    %dma_wait3A_47 = arith.constant 0 : i32
    %dma_wait3A_48 = tpu.memref_slice %arg2[%dma_wait3A_47] : memref<320000xi32, #tpu.memory_space<hbm>> -> memref<80xi32, #tpu.memory_space<hbm>>
    tpu.wait_dma2 semaphore(%arg9 : memref<!tpu.dma_semaphore, #tpu.memory_space<semaphore_mem>>) src(%dma_wait3A_48 : memref<80xi32, #tpu.memory_space<hbm>>) dst(%arg4 : memref<80xi32, #tpu.memory_space<vmem>>)
    "tpu.region"() ({
      %run_scoped3A = tpu.sem_alloc : memref<!tpu.dma_semaphore, #tpu.memory_space<semaphore_mem>>
      %dma_start3A_54 = arith.constant 0 : i32
      %dma_start3A_55 = arith.constant 0 : i32
      %dma_start3A_56 = tpu.memref_slice %arg8[%dma_start3A_54, %dma_start3A_55] : memref<10240x16xf32, #tpu.memory_space<vmem_shared>> -> memref<10240x16xf32, #tpu.memory_space<vmem_shared>>
      tpu.enqueue_indirect_dma source(%arg6 : memref<80x16xf32, #tpu.memory_space<vmem>>) target(%dma_start3A_56 : memref<10240x16xf32, #tpu.memory_space<vmem_shared>>) offsets(%arg4 : memref<80xi32, #tpu.memory_space<vmem>>) semaphore(%run_scoped3A : memref<!tpu.dma_semaphore, #tpu.memory_space<semaphore_mem>>) {add = true}
      %dma_wait3A_57 = arith.constant 0 : i32
      %dma_wait3A_58 = arith.constant 0 : i32
      %dma_wait3A_59 = tpu.memref_slice %arg8[%dma_wait3A_57, %dma_wait3A_58] : memref<10240x16xf32, #tpu.memory_space<vmem_shared>> -> memref<10240x16xf32, #tpu.memory_space<vmem_shared>>
      tpu.wait_indirect_dma semaphore(%run_scoped3A : memref<!tpu.dma_semaphore, #tpu.memory_space<semaphore_mem>>) src(%arg6 : memref<80x16xf32, #tpu.memory_space<vmem>>) dst(%dma_wait3A_59 : memref<10240x16xf32, #tpu.memory_space<vmem_shared>>)
      tpu.yield
    }) : () -> ()
    %barrier3A_49 = arith.constant 0 : index
    tpu.barrier barrier_id(%barrier3A_49)
    %mul3A_50 = arith.constant 320 : i32
    %mul3A_51 = arith.muli %arg1, %mul3A_50 : i32
    %mul3A_52 = arith.constant 320 : i32
    %mul3A_53 = arith.muli %arg1, %mul3A_52 : i32
    "tpu.region"() ({
      %run_scoped3A = tpu.sem_alloc : memref<!tpu.dma_semaphore, #tpu.memory_space<semaphore_mem>>
      %dma_start3A_54 = arith.constant 0 : i32
      %dma_start3A_55 = tpu.memref_slice %arg3[%arg0, %mul3A_53, %dma_start3A_54] : memref<2x10240x16xf32, #tpu.memory_space<hbm>> -> memref<1x320x16xf32, #tpu.memory_space<hbm>>
      %dma_start3A_56 = tpu.memref_squeeze %dma_start3A_55 : memref<1x320x16xf32, #tpu.memory_space<hbm>> -> memref<320x16xf32, #tpu.memory_space<hbm>>
      %dma_start3A_57 = arith.constant 0 : i32
      %dma_start3A_58 = tpu.memref_slice %arg8[%mul3A_51, %dma_start3A_57] : memref<10240x16xf32, #tpu.memory_space<vmem_shared>> -> memref<320x16xf32, #tpu.memory_space<vmem_shared>>
      tpu.enqueue_dma source(%dma_start3A_58 : memref<320x16xf32, #tpu.memory_space<vmem_shared>>) target(%dma_start3A_56 : memref<320x16xf32, #tpu.memory_space<hbm>>) target_semaphore(%run_scoped3A : memref<!tpu.dma_semaphore, #tpu.memory_space<semaphore_mem>>)
      %dma_wait3A_59 = arith.constant 0 : i32
      %dma_wait3A_60 = tpu.memref_slice %arg3[%arg0, %mul3A_53, %dma_wait3A_59] : memref<2x10240x16xf32, #tpu.memory_space<hbm>> -> memref<1x320x16xf32, #tpu.memory_space<hbm>>
      %dma_wait3A_61 = tpu.memref_squeeze %dma_wait3A_60 : memref<1x320x16xf32, #tpu.memory_space<hbm>> -> memref<320x16xf32, #tpu.memory_space<hbm>>
      %dma_wait3A_62 = arith.constant 0 : i32
      %dma_wait3A_63 = tpu.memref_slice %arg8[%mul3A_51, %dma_wait3A_62] : memref<10240x16xf32, #tpu.memory_space<vmem_shared>> -> memref<320x16xf32, #tpu.memory_space<vmem_shared>>
      tpu.wait_dma2 semaphore(%run_scoped3A : memref<!tpu.dma_semaphore, #tpu.memory_space<semaphore_mem>>) src(%dma_wait3A_63 : memref<320x16xf32, #tpu.memory_space<vmem_shared>>) dst(%dma_wait3A_61 : memref<320x16xf32, #tpu.memory_space<hbm>>)
      tpu.yield
    }) : () -> ()
    return
  }
}

#map = affine_map<(d0, d1) -> (0)>
#map1 = affine_map<(d0, d1) -> (0, 0)>
#map2 = affine_map<(d0, d1) -> (0, 0, 0)>
module attributes {stable_mosaic.version = 14 : i64} {
  func.func @_spmv_kernel(%arg0: i32, %arg1: i32, %arg2: memref<320000xi32, #tpu.memory_space<hbm>>, %arg3: memref<320000xi32, #tpu.memory_space<hbm>>, %arg4: memref<10240x128xf32, #tpu.memory_space<hbm>>, %arg5: memref<2x10240x128xf32, #tpu.memory_space<hbm>>, %arg6: memref<80xi32, #tpu.memory_space<vmem>>, %arg7: memref<80xi32, #tpu.memory_space<vmem>>, %arg8: memref<80xi32, #tpu.memory_space<vmem>>, %arg9: memref<80xi32, #tpu.memory_space<vmem>>, %arg10: memref<80x128xf32, #tpu.memory_space<vmem>>, %arg11: memref<80x128xf32, #tpu.memory_space<vmem>>, %arg12: memref<128x128xf32, #tpu.memory_space<vmem>>, %arg13: memref<10240x128xf32, #tpu.memory_space<vmem_shared>>, %arg14: memref<!tpu.dma_semaphore, #tpu.memory_space<semaphore_mem>>, %arg15: memref<!tpu.dma_semaphore, #tpu.memory_space<semaphore_mem>>) attributes {dimension_semantics = [#tpu.dimension_semantics<core_parallel>, #tpu.dimension_semantics<subcore_parallel>], iteration_bounds = array<i64: 2, 16>, scalar_prefetch = 0 : i64, scratch_operands = 10 : i64, tpu.core_type = #tpu.core_type<sc_vector_subcore>, window_params = [{transform_indices = #map}, {transform_indices = #map}, {transform_indices = #map1}, {transform_indices = #map2}]} {
    %mul3A = arith.constant 16 : i32
    %mul3A_0 = arith.muli %arg0, %mul3A : i32
    %add3A = arith.addi %mul3A_0, %arg1 : i32
    %scan3A = arith.constant 0 : i32
    %scan3A_1 = arith.constant 0 : i32
    %scan3A_2 = arith.constant 128 : i32
    %scan3A_3 = arith.addi %scan3A_1, %scan3A_2 : i32
    %scan3A_4 = arith.constant 1 : i32
    %scan3A_5 = scf.for %scan3A_65 = %scan3A_1 to %scan3A_3 step %scan3A_4 iter_args(%scan3A_66 = %scan3A) -> (i32)  : i32 {
      %broadcast_in_dim3A = arith.constant 0.000000e+00 : f32
      %broadcast_in_dim3A_67 = vector.broadcast %broadcast_in_dim3A : f32 to vector<16xf32>
      %swap3A = arith.index_cast %scan3A_65 : i32 to index
      %swap3A_68 = arith.constant 0 : index
      %swap3A_69 = tpu.vector_load %arg12[%swap3A, %swap3A_68] {strides = array<i32>} : memref<128x128xf32, #tpu.memory_space<vmem>>, vector<1x16xf32>,
      %swap3A_70 = vector.shape_cast %swap3A_69 : vector<1x16xf32> to vector<16xf32>
      %swap3A_71 = vector.shape_cast %broadcast_in_dim3A_67 : vector<16xf32> to vector<1x16xf32>
      tpu.vector_store %arg12[%swap3A, %swap3A_68], %swap3A_71 {strides = array<i32>} : memref<128x128xf32, #tpu.memory_space<vmem>>, vector<1x16xf32>,
      %broadcast_in_dim3A_72 = arith.constant 0.000000e+00 : f32
      %broadcast_in_dim3A_73 = vector.broadcast %broadcast_in_dim3A_72 : f32 to vector<16xf32>
      %swap3A_74 = arith.index_cast %scan3A_65 : i32 to index
      %swap3A_75 = arith.constant 16 : index
      %swap3A_76 = tpu.vector_load %arg12[%swap3A_74, %swap3A_75] {strides = array<i32>} : memref<128x128xf32, #tpu.memory_space<vmem>>, vector<1x16xf32>,
      %swap3A_77 = vector.shape_cast %swap3A_76 : vector<1x16xf32> to vector<16xf32>
      %swap3A_78 = vector.shape_cast %broadcast_in_dim3A_73 : vector<16xf32> to vector<1x16xf32>
      tpu.vector_store %arg12[%swap3A_74, %swap3A_75], %swap3A_78 {strides = array<i32>} : memref<128x128xf32, #tpu.memory_space<vmem>>, vector<1x16xf32>,
      %broadcast_in_dim3A_79 = arith.constant 0.000000e+00 : f32
      %broadcast_in_dim3A_80 = vector.broadcast %broadcast_in_dim3A_79 : f32 to vector<16xf32>
      %swap3A_81 = arith.index_cast %scan3A_65 : i32 to index
      %swap3A_82 = arith.constant 32 : index
      %swap3A_83 = tpu.vector_load %arg12[%swap3A_81, %swap3A_82] {strides = array<i32>} : memref<128x128xf32, #tpu.memory_space<vmem>>, vector<1x16xf32>,
      %swap3A_84 = vector.shape_cast %swap3A_83 : vector<1x16xf32> to vector<16xf32>
      %swap3A_85 = vector.shape_cast %broadcast_in_dim3A_80 : vector<16xf32> to vector<1x16xf32>
      tpu.vector_store %arg12[%swap3A_81, %swap3A_82], %swap3A_85 {strides = array<i32>} : memref<128x128xf32, #tpu.memory_space<vmem>>, vector<1x16xf32>,
      %broadcast_in_dim3A_86 = arith.constant 0.000000e+00 : f32
      %broadcast_in_dim3A_87 = vector.broadcast %broadcast_in_dim3A_86 : f32 to vector<16xf32>
      %swap3A_88 = arith.index_cast %scan3A_65 : i32 to index
      %swap3A_89 = arith.constant 48 : index
      %swap3A_90 = tpu.vector_load %arg12[%swap3A_88, %swap3A_89] {strides = array<i32>} : memref<128x128xf32, #tpu.memory_space<vmem>>, vector<1x16xf32>,
      %swap3A_91 = vector.shape_cast %swap3A_90 : vector<1x16xf32> to vector<16xf32>
      %swap3A_92 = vector.shape_cast %broadcast_in_dim3A_87 : vector<16xf32> to vector<1x16xf32>
      tpu.vector_store %arg12[%swap3A_88, %swap3A_89], %swap3A_92 {strides = array<i32>} : memref<128x128xf32, #tpu.memory_space<vmem>>, vector<1x16xf32>,
      %broadcast_in_dim3A_93 = arith.constant 0.000000e+00 : f32
      %broadcast_in_dim3A_94 = vector.broadcast %broadcast_in_dim3A_93 : f32 to vector<16xf32>
      %swap3A_95 = arith.index_cast %scan3A_65 : i32 to index
      %swap3A_96 = arith.constant 64 : index
      %swap3A_97 = tpu.vector_load %arg12[%swap3A_95, %swap3A_96] {strides = array<i32>} : memref<128x128xf32, #tpu.memory_space<vmem>>, vector<1x16xf32>,
      %swap3A_98 = vector.shape_cast %swap3A_97 : vector<1x16xf32> to vector<16xf32>
      %swap3A_99 = vector.shape_cast %broadcast_in_dim3A_94 : vector<16xf32> to vector<1x16xf32>
      tpu.vector_store %arg12[%swap3A_95, %swap3A_96], %swap3A_99 {strides = array<i32>} : memref<128x128xf32, #tpu.memory_space<vmem>>, vector<1x16xf32>,
      %broadcast_in_dim3A_100 = arith.constant 0.000000e+00 : f32
      %broadcast_in_dim3A_101 = vector.broadcast %broadcast_in_dim3A_100 : f32 to vector<16xf32>
      %swap3A_102 = arith.index_cast %scan3A_65 : i32 to index
      %swap3A_103 = arith.constant 80 : index
      %swap3A_104 = tpu.vector_load %arg12[%swap3A_102, %swap3A_103] {strides = array<i32>} : memref<128x128xf32, #tpu.memory_space<vmem>>, vector<1x16xf32>,
      %swap3A_105 = vector.shape_cast %swap3A_104 : vector<1x16xf32> to vector<16xf32>
      %swap3A_106 = vector.shape_cast %broadcast_in_dim3A_101 : vector<16xf32> to vector<1x16xf32>
      tpu.vector_store %arg12[%swap3A_102, %swap3A_103], %swap3A_106 {strides = array<i32>} : memref<128x128xf32, #tpu.memory_space<vmem>>, vector<1x16xf32>,
      %broadcast_in_dim3A_107 = arith.constant 0.000000e+00 : f32
      %broadcast_in_dim3A_108 = vector.broadcast %broadcast_in_dim3A_107 : f32 to vector<16xf32>
      %swap3A_109 = arith.index_cast %scan3A_65 : i32 to index
      %swap3A_110 = arith.constant 96 : index
      %swap3A_111 = tpu.vector_load %arg12[%swap3A_109, %swap3A_110] {strides = array<i32>} : memref<128x128xf32, #tpu.memory_space<vmem>>, vector<1x16xf32>,
      %swap3A_112 = vector.shape_cast %swap3A_111 : vector<1x16xf32> to vector<16xf32>
      %swap3A_113 = vector.shape_cast %broadcast_in_dim3A_108 : vector<16xf32> to vector<1x16xf32>
      tpu.vector_store %arg12[%swap3A_109, %swap3A_110], %swap3A_113 {strides = array<i32>} : memref<128x128xf32, #tpu.memory_space<vmem>>, vector<1x16xf32>,
      %broadcast_in_dim3A_114 = arith.constant 0.000000e+00 : f32
      %broadcast_in_dim3A_115 = vector.broadcast %broadcast_in_dim3A_114 : f32 to vector<16xf32>
      %swap3A_116 = arith.index_cast %scan3A_65 : i32 to index
      %swap3A_117 = arith.constant 112 : index
      %swap3A_118 = tpu.vector_load %arg12[%swap3A_116, %swap3A_117] {strides = array<i32>} : memref<128x128xf32, #tpu.memory_space<vmem>>, vector<1x16xf32>,
      %swap3A_119 = vector.shape_cast %swap3A_118 : vector<1x16xf32> to vector<16xf32>
      %swap3A_120 = vector.shape_cast %broadcast_in_dim3A_115 : vector<16xf32> to vector<1x16xf32>
      tpu.vector_store %arg12[%swap3A_116, %swap3A_117], %swap3A_120 {strides = array<i32>} : memref<128x128xf32, #tpu.memory_space<vmem>>, vector<1x16xf32>,
      %scan3A_121 = arith.constant 0 : i32
      scf.yield %scan3A_121 : i32
    }
    %scan3A_6 = arith.constant 128 : i32
    %mul3A_7 = arith.constant 320 : i32
    %mul3A_8 = arith.muli %arg1, %mul3A_7 : i32
    %add3A_9 = arith.constant 0 : i32
    %add3A_10 = arith.addi %mul3A_8, %add3A_9 : i32
    "tpu.region"() ({
      %run_scoped3A = tpu.sem_alloc : memref<!tpu.dma_semaphore, #tpu.memory_space<semaphore_mem>>
      %dma_start3A_65 = arith.constant 0 : i32
      %dma_start3A_66 = tpu.memref_slice %arg13[%add3A_10, %dma_start3A_65] : memref<10240x128xf32, #tpu.memory_space<vmem_shared>> -> memref<128x128xf32, #tpu.memory_space<vmem_shared>>
      %dma_start3A_67 = arith.constant 0 : i32
      %dma_start3A_68 = tpu.memref_slice %arg13[%add3A_10, %dma_start3A_67] : memref<10240x128xf32, #tpu.memory_space<vmem_shared>> -> memref<128x128xf32, #tpu.memory_space<vmem_shared>>
      tpu.enqueue_dma source(%arg12 : memref<128x128xf32, #tpu.memory_space<vmem>>) target(%dma_start3A_68 : memref<128x128xf32, #tpu.memory_space<vmem_shared>>) target_semaphore(%run_scoped3A : memref<!tpu.dma_semaphore, #tpu.memory_space<semaphore_mem>>)
      %dma_wait3A_69 = arith.constant 0 : i32
      %dma_wait3A_70 = tpu.memref_slice %arg13[%add3A_10, %dma_wait3A_69] : memref<10240x128xf32, #tpu.memory_space<vmem_shared>> -> memref<128x128xf32, #tpu.memory_space<vmem_shared>>
      %dma_wait3A_71 = arith.constant 0 : i32
      %dma_wait3A_72 = tpu.memref_slice %arg13[%add3A_10, %dma_wait3A_71] : memref<10240x128xf32, #tpu.memory_space<vmem_shared>> -> memref<128x128xf32, #tpu.memory_space<vmem_shared>>
      tpu.wait_dma2 semaphore(%run_scoped3A : memref<!tpu.dma_semaphore, #tpu.memory_space<semaphore_mem>>) src(%arg12 : memref<128x128xf32, #tpu.memory_space<vmem>>) dst(%dma_wait3A_72 : memref<128x128xf32, #tpu.memory_space<vmem_shared>>)
      tpu.yield
    }) : () -> ()
    %mul3A_11 = arith.constant 320 : i32
    %mul3A_12 = arith.muli %arg1, %mul3A_11 : i32
    %add3A_13 = arith.constant 128 : i32
    %add3A_14 = arith.addi %mul3A_12, %add3A_13 : i32
    "tpu.region"() ({
      %run_scoped3A = tpu.sem_alloc : memref<!tpu.dma_semaphore, #tpu.memory_space<semaphore_mem>>
      %dma_start3A_65 = arith.constant 0 : i32
      %dma_start3A_66 = tpu.memref_slice %arg13[%add3A_14, %dma_start3A_65] : memref<10240x128xf32, #tpu.memory_space<vmem_shared>> -> memref<128x128xf32, #tpu.memory_space<vmem_shared>>
      %dma_start3A_67 = arith.constant 0 : i32
      %dma_start3A_68 = tpu.memref_slice %arg13[%add3A_14, %dma_start3A_67] : memref<10240x128xf32, #tpu.memory_space<vmem_shared>> -> memref<128x128xf32, #tpu.memory_space<vmem_shared>>
      tpu.enqueue_dma source(%arg12 : memref<128x128xf32, #tpu.memory_space<vmem>>) target(%dma_start3A_68 : memref<128x128xf32, #tpu.memory_space<vmem_shared>>) target_semaphore(%run_scoped3A : memref<!tpu.dma_semaphore, #tpu.memory_space<semaphore_mem>>)
      %dma_wait3A_69 = arith.constant 0 : i32
      %dma_wait3A_70 = tpu.memref_slice %arg13[%add3A_14, %dma_wait3A_69] : memref<10240x128xf32, #tpu.memory_space<vmem_shared>> -> memref<128x128xf32, #tpu.memory_space<vmem_shared>>
      %dma_wait3A_71 = arith.constant 0 : i32
      %dma_wait3A_72 = tpu.memref_slice %arg13[%add3A_14, %dma_wait3A_71] : memref<10240x128xf32, #tpu.memory_space<vmem_shared>> -> memref<128x128xf32, #tpu.memory_space<vmem_shared>>
      tpu.wait_dma2 semaphore(%run_scoped3A : memref<!tpu.dma_semaphore, #tpu.memory_space<semaphore_mem>>) src(%arg12 : memref<128x128xf32, #tpu.memory_space<vmem>>) dst(%dma_wait3A_72 : memref<128x128xf32, #tpu.memory_space<vmem_shared>>)
      tpu.yield
    }) : () -> ()
    %barrier3A = arith.constant 0 : index
    tpu.barrier barrier_id(%barrier3A)
    %mul3A_15 = arith.constant 10000 : i32
    %mul3A_16 = arith.muli %add3A, %mul3A_15 : i32
    %add3A_17 = arith.constant 0 : i32
    %add3A_18 = arith.addi %mul3A_16, %add3A_17 : i32
    %multiple_of3A = tpu.assume_multiple %add3A_18, 80 : i32
    "tpu.region"() ({
      %run_scoped3A = tpu.sem_alloc : memref<!tpu.dma_semaphore, #tpu.memory_space<semaphore_mem>>
      %dma_start3A_65 = tpu.memref_slice %arg2[%multiple_of3A] : memref<320000xi32, #tpu.memory_space<hbm>> -> memref<80xi32, #tpu.memory_space<hbm>>
      %dma_start3A_66 = tpu.memref_slice %arg2[%multiple_of3A] : memref<320000xi32, #tpu.memory_space<hbm>> -> memref<80xi32, #tpu.memory_space<hbm>>
      tpu.enqueue_dma source(%dma_start3A_66 : memref<80xi32, #tpu.memory_space<hbm>>) target(%arg6 : memref<80xi32, #tpu.memory_space<vmem>>) target_semaphore(%run_scoped3A : memref<!tpu.dma_semaphore, #tpu.memory_space<semaphore_mem>>)
      %dma_wait3A_67 = tpu.memref_slice %arg2[%multiple_of3A] : memref<320000xi32, #tpu.memory_space<hbm>> -> memref<80xi32, #tpu.memory_space<hbm>>
      %dma_wait3A_68 = tpu.memref_slice %arg2[%multiple_of3A] : memref<320000xi32, #tpu.memory_space<hbm>> -> memref<80xi32, #tpu.memory_space<hbm>>
      tpu.wait_dma2 semaphore(%run_scoped3A : memref<!tpu.dma_semaphore, #tpu.memory_space<semaphore_mem>>) src(%dma_wait3A_68 : memref<80xi32, #tpu.memory_space<hbm>>) dst(%arg6 : memref<80xi32, #tpu.memory_space<vmem>>)
      tpu.yield
    }) : () -> ()
    "tpu.region"() ({
      %run_scoped3A = tpu.sem_alloc : memref<!tpu.dma_semaphore, #tpu.memory_space<semaphore_mem>>
      %dma_start3A_65 = tpu.memref_slice %arg3[%multiple_of3A] : memref<320000xi32, #tpu.memory_space<hbm>> -> memref<80xi32, #tpu.memory_space<hbm>>
      %dma_start3A_66 = tpu.memref_slice %arg3[%multiple_of3A] : memref<320000xi32, #tpu.memory_space<hbm>> -> memref<80xi32, #tpu.memory_space<hbm>>
      tpu.enqueue_dma source(%dma_start3A_66 : memref<80xi32, #tpu.memory_space<hbm>>) target(%arg8 : memref<80xi32, #tpu.memory_space<vmem>>) target_semaphore(%run_scoped3A : memref<!tpu.dma_semaphore, #tpu.memory_space<semaphore_mem>>)
      %dma_wait3A_67 = tpu.memref_slice %arg3[%multiple_of3A] : memref<320000xi32, #tpu.memory_space<hbm>> -> memref<80xi32, #tpu.memory_space<hbm>>
      %dma_wait3A_68 = tpu.memref_slice %arg3[%multiple_of3A] : memref<320000xi32, #tpu.memory_space<hbm>> -> memref<80xi32, #tpu.memory_space<hbm>>
      tpu.wait_dma2 semaphore(%run_scoped3A : memref<!tpu.dma_semaphore, #tpu.memory_space<semaphore_mem>>) src(%dma_wait3A_68 : memref<80xi32, #tpu.memory_space<hbm>>) dst(%arg8 : memref<80xi32, #tpu.memory_space<vmem>>)
      tpu.yield
    }) : () -> ()
    %dma_start3A = arith.constant 0 : i32
    %dma_start3A_19 = arith.constant 0 : i32
    %dma_start3A_20 = tpu.memref_slice %arg4[%dma_start3A, %dma_start3A_19] : memref<10240x128xf32, #tpu.memory_space<hbm>> -> memref<10240x128xf32, #tpu.memory_space<hbm>>
    tpu.enqueue_indirect_dma source(%dma_start3A_20 : memref<10240x128xf32, #tpu.memory_space<hbm>>) target(%arg10 : memref<80x128xf32, #tpu.memory_space<vmem>>) offsets(%arg6 : memref<80xi32, #tpu.memory_space<vmem>>) semaphore(%arg14 : memref<!tpu.dma_semaphore, #tpu.memory_space<semaphore_mem>>)
    %scan3A_21 = arith.constant 0 : i32
    %scan3A_22 = arith.constant 0 : i32
    %scan3A_23 = arith.constant 61 : i32
    %scan3A_24 = arith.addi %scan3A_22, %scan3A_23 : i32
    %scan3A_25 = arith.constant 1 : i32
    %scan3A_26 = scf.for %scan3A_65 = %scan3A_22 to %scan3A_24 step %scan3A_25 iter_args(%scan3A_66 = %scan3A_21) -> (i32)  : i32 {
      %mul3A_67 = arith.constant 2 : i32
      %mul3A_68 = arith.muli %mul3A_67, %scan3A_65 : i32
      %add3A_69 = arith.constant 1 : i32
      %add3A_70 = arith.addi %mul3A_68, %add3A_69 : i32
      %mul3A_71 = arith.constant 80 : i32
      %mul3A_72 = arith.muli %add3A_70, %mul3A_71 : i32
      %add3A_73 = arith.addi %mul3A_16, %mul3A_72 : i32
      %multiple_of3A_74 = tpu.assume_multiple %add3A_73, 80 : i32
      "tpu.region"() ({
        %run_scoped3A = tpu.sem_alloc : memref<!tpu.dma_semaphore, #tpu.memory_space<semaphore_mem>>
        %dma_start3A_96 = tpu.memref_slice %arg2[%multiple_of3A_74] : memref<320000xi32, #tpu.memory_space<hbm>> -> memref<80xi32, #tpu.memory_space<hbm>>
        %dma_start3A_97 = tpu.memref_slice %arg2[%multiple_of3A_74] : memref<320000xi32, #tpu.memory_space<hbm>> -> memref<80xi32, #tpu.memory_space<hbm>>
        tpu.enqueue_dma source(%dma_start3A_97 : memref<80xi32, #tpu.memory_space<hbm>>) target(%arg7 : memref<80xi32, #tpu.memory_space<vmem>>) target_semaphore(%run_scoped3A : memref<!tpu.dma_semaphore, #tpu.memory_space<semaphore_mem>>)
        %dma_wait3A_98 = tpu.memref_slice %arg2[%multiple_of3A_74] : memref<320000xi32, #tpu.memory_space<hbm>> -> memref<80xi32, #tpu.memory_space<hbm>>
        %dma_wait3A_99 = tpu.memref_slice %arg2[%multiple_of3A_74] : memref<320000xi32, #tpu.memory_space<hbm>> -> memref<80xi32, #tpu.memory_space<hbm>>
        tpu.wait_dma2 semaphore(%run_scoped3A : memref<!tpu.dma_semaphore, #tpu.memory_space<semaphore_mem>>) src(%dma_wait3A_99 : memref<80xi32, #tpu.memory_space<hbm>>) dst(%arg7 : memref<80xi32, #tpu.memory_space<vmem>>)
        tpu.yield
      }) : () -> ()
      "tpu.region"() ({
        %run_scoped3A = tpu.sem_alloc : memref<!tpu.dma_semaphore, #tpu.memory_space<semaphore_mem>>
        %dma_start3A_96 = tpu.memref_slice %arg3[%multiple_of3A_74] : memref<320000xi32, #tpu.memory_space<hbm>> -> memref<80xi32, #tpu.memory_space<hbm>>
        %dma_start3A_97 = tpu.memref_slice %arg3[%multiple_of3A_74] : memref<320000xi32, #tpu.memory_space<hbm>> -> memref<80xi32, #tpu.memory_space<hbm>>
        tpu.enqueue_dma source(%dma_start3A_97 : memref<80xi32, #tpu.memory_space<hbm>>) target(%arg9 : memref<80xi32, #tpu.memory_space<vmem>>) target_semaphore(%run_scoped3A : memref<!tpu.dma_semaphore, #tpu.memory_space<semaphore_mem>>)
        %dma_wait3A_98 = tpu.memref_slice %arg3[%multiple_of3A_74] : memref<320000xi32, #tpu.memory_space<hbm>> -> memref<80xi32, #tpu.memory_space<hbm>>
        %dma_wait3A_99 = tpu.memref_slice %arg3[%multiple_of3A_74] : memref<320000xi32, #tpu.memory_space<hbm>> -> memref<80xi32, #tpu.memory_space<hbm>>
        tpu.wait_dma2 semaphore(%run_scoped3A : memref<!tpu.dma_semaphore, #tpu.memory_space<semaphore_mem>>) src(%dma_wait3A_99 : memref<80xi32, #tpu.memory_space<hbm>>) dst(%arg9 : memref<80xi32, #tpu.memory_space<vmem>>)
        tpu.yield
      }) : () -> ()
      %dma_start3A_75 = arith.constant 0 : i32
      %dma_start3A_76 = arith.constant 0 : i32
      %dma_start3A_77 = tpu.memref_slice %arg4[%dma_start3A_75, %dma_start3A_76] : memref<10240x128xf32, #tpu.memory_space<hbm>> -> memref<10240x128xf32, #tpu.memory_space<hbm>>
      tpu.enqueue_indirect_dma source(%dma_start3A_77 : memref<10240x128xf32, #tpu.memory_space<hbm>>) target(%arg11 : memref<80x128xf32, #tpu.memory_space<vmem>>) offsets(%arg7 : memref<80xi32, #tpu.memory_space<vmem>>) semaphore(%arg15 : memref<!tpu.dma_semaphore, #tpu.memory_space<semaphore_mem>>)
      %dma_wait3A_78 = arith.constant 0 : i32
      %dma_wait3A_79 = arith.constant 0 : i32
      %dma_wait3A_80 = tpu.memref_slice %arg4[%dma_wait3A_78, %dma_wait3A_79] : memref<10240x128xf32, #tpu.memory_space<hbm>> -> memref<10240x128xf32, #tpu.memory_space<hbm>>
      tpu.wait_indirect_dma semaphore(%arg14 : memref<!tpu.dma_semaphore, #tpu.memory_space<semaphore_mem>>) src(%dma_wait3A_80 : memref<10240x128xf32, #tpu.memory_space<hbm>>) dst(%arg10 : memref<80x128xf32, #tpu.memory_space<vmem>>)
      "tpu.region"() ({
        %run_scoped3A = tpu.sem_alloc : memref<!tpu.dma_semaphore, #tpu.memory_space<semaphore_mem>>
        %dma_start3A_96 = arith.constant 0 : i32
        %dma_start3A_97 = arith.constant 0 : i32
        %dma_start3A_98 = tpu.memref_slice %arg13[%dma_start3A_96, %dma_start3A_97] : memref<10240x128xf32, #tpu.memory_space<vmem_shared>> -> memref<10240x128xf32, #tpu.memory_space<vmem_shared>>
        tpu.enqueue_indirect_dma source(%arg10 : memref<80x128xf32, #tpu.memory_space<vmem>>) target(%dma_start3A_98 : memref<10240x128xf32, #tpu.memory_space<vmem_shared>>) offsets(%arg8 : memref<80xi32, #tpu.memory_space<vmem>>) semaphore(%run_scoped3A : memref<!tpu.dma_semaphore, #tpu.memory_space<semaphore_mem>>) {add = true}
        %dma_wait3A_99 = arith.constant 0 : i32
        %dma_wait3A_100 = arith.constant 0 : i32
        %dma_wait3A_101 = tpu.memref_slice %arg13[%dma_wait3A_99, %dma_wait3A_100] : memref<10240x128xf32, #tpu.memory_space<vmem_shared>> -> memref<10240x128xf32, #tpu.memory_space<vmem_shared>>
        tpu.wait_indirect_dma semaphore(%run_scoped3A : memref<!tpu.dma_semaphore, #tpu.memory_space<semaphore_mem>>) src(%arg10 : memref<80x128xf32, #tpu.memory_space<vmem>>) dst(%dma_wait3A_101 : memref<10240x128xf32, #tpu.memory_space<vmem_shared>>)
        tpu.yield
      }) : () -> ()
      %add3A_81 = arith.constant 2 : i32
      %add3A_82 = arith.addi %mul3A_68, %add3A_81 : i32
      %mul3A_83 = arith.constant 80 : i32
      %mul3A_84 = arith.muli %add3A_82, %mul3A_83 : i32
      %add3A_85 = arith.addi %mul3A_16, %mul3A_84 : i32
      %multiple_of3A_86 = tpu.assume_multiple %add3A_85, 80 : i32
      "tpu.region"() ({
        %run_scoped3A = tpu.sem_alloc : memref<!tpu.dma_semaphore, #tpu.memory_space<semaphore_mem>>
        %dma_start3A_96 = tpu.memref_slice %arg2[%multiple_of3A_86] : memref<320000xi32, #tpu.memory_space<hbm>> -> memref<80xi32, #tpu.memory_space<hbm>>
        %dma_start3A_97 = tpu.memref_slice %arg2[%multiple_of3A_86] : memref<320000xi32, #tpu.memory_space<hbm>> -> memref<80xi32, #tpu.memory_space<hbm>>
        tpu.enqueue_dma source(%dma_start3A_97 : memref<80xi32, #tpu.memory_space<hbm>>) target(%arg6 : memref<80xi32, #tpu.memory_space<vmem>>) target_semaphore(%run_scoped3A : memref<!tpu.dma_semaphore, #tpu.memory_space<semaphore_mem>>)
        %dma_wait3A_98 = tpu.memref_slice %arg2[%multiple_of3A_86] : memref<320000xi32, #tpu.memory_space<hbm>> -> memref<80xi32, #tpu.memory_space<hbm>>
        %dma_wait3A_99 = tpu.memref_slice %arg2[%multiple_of3A_86] : memref<320000xi32, #tpu.memory_space<hbm>> -> memref<80xi32, #tpu.memory_space<hbm>>
        tpu.wait_dma2 semaphore(%run_scoped3A : memref<!tpu.dma_semaphore, #tpu.memory_space<semaphore_mem>>) src(%dma_wait3A_99 : memref<80xi32, #tpu.memory_space<hbm>>) dst(%arg6 : memref<80xi32, #tpu.memory_space<vmem>>)
        tpu.yield
      }) : () -> ()
      "tpu.region"() ({
        %run_scoped3A = tpu.sem_alloc : memref<!tpu.dma_semaphore, #tpu.memory_space<semaphore_mem>>
        %dma_start3A_96 = tpu.memref_slice %arg3[%multiple_of3A_86] : memref<320000xi32, #tpu.memory_space<hbm>> -> memref<80xi32, #tpu.memory_space<hbm>>
        %dma_start3A_97 = tpu.memref_slice %arg3[%multiple_of3A_86] : memref<320000xi32, #tpu.memory_space<hbm>> -> memref<80xi32, #tpu.memory_space<hbm>>
        tpu.enqueue_dma source(%dma_start3A_97 : memref<80xi32, #tpu.memory_space<hbm>>) target(%arg8 : memref<80xi32, #tpu.memory_space<vmem>>) target_semaphore(%run_scoped3A : memref<!tpu.dma_semaphore, #tpu.memory_space<semaphore_mem>>)
        %dma_wait3A_98 = tpu.memref_slice %arg3[%multiple_of3A_86] : memref<320000xi32, #tpu.memory_space<hbm>> -> memref<80xi32, #tpu.memory_space<hbm>>
        %dma_wait3A_99 = tpu.memref_slice %arg3[%multiple_of3A_86] : memref<320000xi32, #tpu.memory_space<hbm>> -> memref<80xi32, #tpu.memory_space<hbm>>
        tpu.wait_dma2 semaphore(%run_scoped3A : memref<!tpu.dma_semaphore, #tpu.memory_space<semaphore_mem>>) src(%dma_wait3A_99 : memref<80xi32, #tpu.memory_space<hbm>>) dst(%arg8 : memref<80xi32, #tpu.memory_space<vmem>>)
        tpu.yield
      }) : () -> ()
      %dma_start3A_87 = arith.constant 0 : i32
      %dma_start3A_88 = arith.constant 0 : i32
      %dma_start3A_89 = tpu.memref_slice %arg4[%dma_start3A_87, %dma_start3A_88] : memref<10240x128xf32, #tpu.memory_space<hbm>> -> memref<10240x128xf32, #tpu.memory_space<hbm>>
      tpu.enqueue_indirect_dma source(%dma_start3A_89 : memref<10240x128xf32, #tpu.memory_space<hbm>>) target(%arg10 : memref<80x128xf32, #tpu.memory_space<vmem>>) offsets(%arg6 : memref<80xi32, #tpu.memory_space<vmem>>) semaphore(%arg14 : memref<!tpu.dma_semaphore, #tpu.memory_space<semaphore_mem>>)
      %add3A_90 = arith.constant 1 : i32
      %add3A_91 = arith.addi %mul3A_68, %add3A_90 : i32
      %dma_wait3A_92 = arith.constant 0 : i32
      %dma_wait3A_93 = arith.constant 0 : i32
      %dma_wait3A_94 = tpu.memref_slice %arg4[%dma_wait3A_92, %dma_wait3A_93] : memref<10240x128xf32, #tpu.memory_space<hbm>> -> memref<10240x128xf32, #tpu.memory_space<hbm>>
      tpu.wait_indirect_dma semaphore(%arg15 : memref<!tpu.dma_semaphore, #tpu.memory_space<semaphore_mem>>) src(%dma_wait3A_94 : memref<10240x128xf32, #tpu.memory_space<hbm>>) dst(%arg11 : memref<80x128xf32, #tpu.memory_space<vmem>>)
      "tpu.region"() ({
        %run_scoped3A = tpu.sem_alloc : memref<!tpu.dma_semaphore, #tpu.memory_space<semaphore_mem>>
        %dma_start3A_96 = arith.constant 0 : i32
        %dma_start3A_97 = arith.constant 0 : i32
        %dma_start3A_98 = tpu.memref_slice %arg13[%dma_start3A_96, %dma_start3A_97] : memref<10240x128xf32, #tpu.memory_space<vmem_shared>> -> memref<10240x128xf32, #tpu.memory_space<vmem_shared>>
        tpu.enqueue_indirect_dma source(%arg11 : memref<80x128xf32, #tpu.memory_space<vmem>>) target(%dma_start3A_98 : memref<10240x128xf32, #tpu.memory_space<vmem_shared>>) offsets(%arg9 : memref<80xi32, #tpu.memory_space<vmem>>) semaphore(%run_scoped3A : memref<!tpu.dma_semaphore, #tpu.memory_space<semaphore_mem>>) {add = true}
        %dma_wait3A_99 = arith.constant 0 : i32
        %dma_wait3A_100 = arith.constant 0 : i32
        %dma_wait3A_101 = tpu.memref_slice %arg13[%dma_wait3A_99, %dma_wait3A_100] : memref<10240x128xf32, #tpu.memory_space<vmem_shared>> -> memref<10240x128xf32, #tpu.memory_space<vmem_shared>>
        tpu.wait_indirect_dma semaphore(%run_scoped3A : memref<!tpu.dma_semaphore, #tpu.memory_space<semaphore_mem>>) src(%arg11 : memref<80x128xf32, #tpu.memory_space<vmem>>) dst(%dma_wait3A_101 : memref<10240x128xf32, #tpu.memory_space<vmem_shared>>)
        tpu.yield
      }) : () -> ()
      %scan3A_95 = arith.constant 0 : i32
      scf.yield %scan3A_95 : i32
    }
    %scan3A_27 = arith.constant 61 : i32
    %add3A_28 = arith.constant 9840 : i32
    %add3A_29 = arith.addi %mul3A_16, %add3A_28 : i32
    %multiple_of3A_30 = tpu.assume_multiple %add3A_29, 80 : i32
    "tpu.region"() ({
      %run_scoped3A = tpu.sem_alloc : memref<!tpu.dma_semaphore, #tpu.memory_space<semaphore_mem>>
      %dma_start3A_65 = tpu.memref_slice %arg2[%multiple_of3A_30] : memref<320000xi32, #tpu.memory_space<hbm>> -> memref<80xi32, #tpu.memory_space<hbm>>
      %dma_start3A_66 = tpu.memref_slice %arg2[%multiple_of3A_30] : memref<320000xi32, #tpu.memory_space<hbm>> -> memref<80xi32, #tpu.memory_space<hbm>>
      tpu.enqueue_dma source(%dma_start3A_66 : memref<80xi32, #tpu.memory_space<hbm>>) target(%arg7 : memref<80xi32, #tpu.memory_space<vmem>>) target_semaphore(%run_scoped3A : memref<!tpu.dma_semaphore, #tpu.memory_space<semaphore_mem>>)
      %dma_wait3A_67 = tpu.memref_slice %arg2[%multiple_of3A_30] : memref<320000xi32, #tpu.memory_space<hbm>> -> memref<80xi32, #tpu.memory_space<hbm>>
      %dma_wait3A_68 = tpu.memref_slice %arg2[%multiple_of3A_30] : memref<320000xi32, #tpu.memory_space<hbm>> -> memref<80xi32, #tpu.memory_space<hbm>>
      tpu.wait_dma2 semaphore(%run_scoped3A : memref<!tpu.dma_semaphore, #tpu.memory_space<semaphore_mem>>) src(%dma_wait3A_68 : memref<80xi32, #tpu.memory_space<hbm>>) dst(%arg7 : memref<80xi32, #tpu.memory_space<vmem>>)
      tpu.yield
    }) : () -> ()
    "tpu.region"() ({
      %run_scoped3A = tpu.sem_alloc : memref<!tpu.dma_semaphore, #tpu.memory_space<semaphore_mem>>
      %dma_start3A_65 = tpu.memref_slice %arg3[%multiple_of3A_30] : memref<320000xi32, #tpu.memory_space<hbm>> -> memref<80xi32, #tpu.memory_space<hbm>>
      %dma_start3A_66 = tpu.memref_slice %arg3[%multiple_of3A_30] : memref<320000xi32, #tpu.memory_space<hbm>> -> memref<80xi32, #tpu.memory_space<hbm>>
      tpu.enqueue_dma source(%dma_start3A_66 : memref<80xi32, #tpu.memory_space<hbm>>) target(%arg9 : memref<80xi32, #tpu.memory_space<vmem>>) target_semaphore(%run_scoped3A : memref<!tpu.dma_semaphore, #tpu.memory_space<semaphore_mem>>)
      %dma_wait3A_67 = tpu.memref_slice %arg3[%multiple_of3A_30] : memref<320000xi32, #tpu.memory_space<hbm>> -> memref<80xi32, #tpu.memory_space<hbm>>
      %dma_wait3A_68 = tpu.memref_slice %arg3[%multiple_of3A_30] : memref<320000xi32, #tpu.memory_space<hbm>> -> memref<80xi32, #tpu.memory_space<hbm>>
      tpu.wait_dma2 semaphore(%run_scoped3A : memref<!tpu.dma_semaphore, #tpu.memory_space<semaphore_mem>>) src(%dma_wait3A_68 : memref<80xi32, #tpu.memory_space<hbm>>) dst(%arg9 : memref<80xi32, #tpu.memory_space<vmem>>)
      tpu.yield
    }) : () -> ()
    %dma_start3A_31 = arith.constant 0 : i32
    %dma_start3A_32 = arith.constant 0 : i32
    %dma_start3A_33 = tpu.memref_slice %arg4[%dma_start3A_31, %dma_start3A_32] : memref<10240x128xf32, #tpu.memory_space<hbm>> -> memref<10240x128xf32, #tpu.memory_space<hbm>>
    tpu.enqueue_indirect_dma source(%dma_start3A_33 : memref<10240x128xf32, #tpu.memory_space<hbm>>) target(%arg11 : memref<80x128xf32, #tpu.memory_space<vmem>>) offsets(%arg7 : memref<80xi32, #tpu.memory_space<vmem>>) semaphore(%arg15 : memref<!tpu.dma_semaphore, #tpu.memory_space<semaphore_mem>>)
    %dma_wait3A = arith.constant 0 : i32
    %dma_wait3A_34 = arith.constant 0 : i32
    %dma_wait3A_35 = tpu.memref_slice %arg4[%dma_wait3A, %dma_wait3A_34] : memref<10240x128xf32, #tpu.memory_space<hbm>> -> memref<10240x128xf32, #tpu.memory_space<hbm>>
    tpu.wait_indirect_dma semaphore(%arg14 : memref<!tpu.dma_semaphore, #tpu.memory_space<semaphore_mem>>) src(%dma_wait3A_35 : memref<10240x128xf32, #tpu.memory_space<hbm>>) dst(%arg10 : memref<80x128xf32, #tpu.memory_space<vmem>>)
    "tpu.region"() ({
      %run_scoped3A = tpu.sem_alloc : memref<!tpu.dma_semaphore, #tpu.memory_space<semaphore_mem>>
      %dma_start3A_65 = arith.constant 0 : i32
      %dma_start3A_66 = arith.constant 0 : i32
      %dma_start3A_67 = tpu.memref_slice %arg13[%dma_start3A_65, %dma_start3A_66] : memref<10240x128xf32, #tpu.memory_space<vmem_shared>> -> memref<10240x128xf32, #tpu.memory_space<vmem_shared>>
      tpu.enqueue_indirect_dma source(%arg10 : memref<80x128xf32, #tpu.memory_space<vmem>>) target(%dma_start3A_67 : memref<10240x128xf32, #tpu.memory_space<vmem_shared>>) offsets(%arg8 : memref<80xi32, #tpu.memory_space<vmem>>) semaphore(%run_scoped3A : memref<!tpu.dma_semaphore, #tpu.memory_space<semaphore_mem>>) {add = true}
      %dma_wait3A_68 = arith.constant 0 : i32
      %dma_wait3A_69 = arith.constant 0 : i32
      %dma_wait3A_70 = tpu.memref_slice %arg13[%dma_wait3A_68, %dma_wait3A_69] : memref<10240x128xf32, #tpu.memory_space<vmem_shared>> -> memref<10240x128xf32, #tpu.memory_space<vmem_shared>>
      tpu.wait_indirect_dma semaphore(%run_scoped3A : memref<!tpu.dma_semaphore, #tpu.memory_space<semaphore_mem>>) src(%arg10 : memref<80x128xf32, #tpu.memory_space<vmem>>) dst(%dma_wait3A_70 : memref<10240x128xf32, #tpu.memory_space<vmem_shared>>)
      tpu.yield
    }) : () -> ()
    %add3A_36 = arith.constant 9920 : i32
    %add3A_37 = arith.addi %mul3A_16, %add3A_36 : i32
    %multiple_of3A_38 = tpu.assume_multiple %add3A_37, 80 : i32
    "tpu.region"() ({
      %run_scoped3A = tpu.sem_alloc : memref<!tpu.dma_semaphore, #tpu.memory_space<semaphore_mem>>
      %dma_start3A_65 = tpu.memref_slice %arg2[%multiple_of3A_38] : memref<320000xi32, #tpu.memory_space<hbm>> -> memref<80xi32, #tpu.memory_space<hbm>>
      %dma_start3A_66 = tpu.memref_slice %arg2[%multiple_of3A_38] : memref<320000xi32, #tpu.memory_space<hbm>> -> memref<80xi32, #tpu.memory_space<hbm>>
      tpu.enqueue_dma source(%dma_start3A_66 : memref<80xi32, #tpu.memory_space<hbm>>) target(%arg6 : memref<80xi32, #tpu.memory_space<vmem>>) target_semaphore(%run_scoped3A : memref<!tpu.dma_semaphore, #tpu.memory_space<semaphore_mem>>)
      %dma_wait3A_67 = tpu.memref_slice %arg2[%multiple_of3A_38] : memref<320000xi32, #tpu.memory_space<hbm>> -> memref<80xi32, #tpu.memory_space<hbm>>
      %dma_wait3A_68 = tpu.memref_slice %arg2[%multiple_of3A_38] : memref<320000xi32, #tpu.memory_space<hbm>> -> memref<80xi32, #tpu.memory_space<hbm>>
      tpu.wait_dma2 semaphore(%run_scoped3A : memref<!tpu.dma_semaphore, #tpu.memory_space<semaphore_mem>>) src(%dma_wait3A_68 : memref<80xi32, #tpu.memory_space<hbm>>) dst(%arg6 : memref<80xi32, #tpu.memory_space<vmem>>)
      tpu.yield
    }) : () -> ()
    "tpu.region"() ({
      %run_scoped3A = tpu.sem_alloc : memref<!tpu.dma_semaphore, #tpu.memory_space<semaphore_mem>>
      %dma_start3A_65 = tpu.memref_slice %arg3[%multiple_of3A_38] : memref<320000xi32, #tpu.memory_space<hbm>> -> memref<80xi32, #tpu.memory_space<hbm>>
      %dma_start3A_66 = tpu.memref_slice %arg3[%multiple_of3A_38] : memref<320000xi32, #tpu.memory_space<hbm>> -> memref<80xi32, #tpu.memory_space<hbm>>
      tpu.enqueue_dma source(%dma_start3A_66 : memref<80xi32, #tpu.memory_space<hbm>>) target(%arg8 : memref<80xi32, #tpu.memory_space<vmem>>) target_semaphore(%run_scoped3A : memref<!tpu.dma_semaphore, #tpu.memory_space<semaphore_mem>>)
      %dma_wait3A_67 = tpu.memref_slice %arg3[%multiple_of3A_38] : memref<320000xi32, #tpu.memory_space<hbm>> -> memref<80xi32, #tpu.memory_space<hbm>>
      %dma_wait3A_68 = tpu.memref_slice %arg3[%multiple_of3A_38] : memref<320000xi32, #tpu.memory_space<hbm>> -> memref<80xi32, #tpu.memory_space<hbm>>
      tpu.wait_dma2 semaphore(%run_scoped3A : memref<!tpu.dma_semaphore, #tpu.memory_space<semaphore_mem>>) src(%dma_wait3A_68 : memref<80xi32, #tpu.memory_space<hbm>>) dst(%arg8 : memref<80xi32, #tpu.memory_space<vmem>>)
      tpu.yield
    }) : () -> ()
    %dma_start3A_39 = arith.constant 0 : i32
    %dma_start3A_40 = arith.constant 0 : i32
    %dma_start3A_41 = tpu.memref_slice %arg4[%dma_start3A_39, %dma_start3A_40] : memref<10240x128xf32, #tpu.memory_space<hbm>> -> memref<10240x128xf32, #tpu.memory_space<hbm>>
    tpu.enqueue_indirect_dma source(%dma_start3A_41 : memref<10240x128xf32, #tpu.memory_space<hbm>>) target(%arg10 : memref<80x128xf32, #tpu.memory_space<vmem>>) offsets(%arg6 : memref<80xi32, #tpu.memory_space<vmem>>) semaphore(%arg14 : memref<!tpu.dma_semaphore, #tpu.memory_space<semaphore_mem>>)
    %dma_wait3A_42 = arith.constant 0 : i32
    %dma_wait3A_43 = arith.constant 0 : i32
    %dma_wait3A_44 = tpu.memref_slice %arg4[%dma_wait3A_42, %dma_wait3A_43] : memref<10240x128xf32, #tpu.memory_space<hbm>> -> memref<10240x128xf32, #tpu.memory_space<hbm>>
    tpu.wait_indirect_dma semaphore(%arg15 : memref<!tpu.dma_semaphore, #tpu.memory_space<semaphore_mem>>) src(%dma_wait3A_44 : memref<10240x128xf32, #tpu.memory_space<hbm>>) dst(%arg11 : memref<80x128xf32, #tpu.memory_space<vmem>>)
    "tpu.region"() ({
      %run_scoped3A = tpu.sem_alloc : memref<!tpu.dma_semaphore, #tpu.memory_space<semaphore_mem>>
      %dma_start3A_65 = arith.constant 0 : i32
      %dma_start3A_66 = arith.constant 0 : i32
      %dma_start3A_67 = tpu.memref_slice %arg13[%dma_start3A_65, %dma_start3A_66] : memref<10240x128xf32, #tpu.memory_space<vmem_shared>> -> memref<10240x128xf32, #tpu.memory_space<vmem_shared>>
      tpu.enqueue_indirect_dma source(%arg11 : memref<80x128xf32, #tpu.memory_space<vmem>>) target(%dma_start3A_67 : memref<10240x128xf32, #tpu.memory_space<vmem_shared>>) offsets(%arg9 : memref<80xi32, #tpu.memory_space<vmem>>) semaphore(%run_scoped3A : memref<!tpu.dma_semaphore, #tpu.memory_space<semaphore_mem>>) {add = true}
      %dma_wait3A_68 = arith.constant 0 : i32
      %dma_wait3A_69 = arith.constant 0 : i32
      %dma_wait3A_70 = tpu.memref_slice %arg13[%dma_wait3A_68, %dma_wait3A_69] : memref<10240x128xf32, #tpu.memory_space<vmem_shared>> -> memref<10240x128xf32, #tpu.memory_space<vmem_shared>>
      tpu.wait_indirect_dma semaphore(%run_scoped3A : memref<!tpu.dma_semaphore, #tpu.memory_space<semaphore_mem>>) src(%arg11 : memref<80x128xf32, #tpu.memory_space<vmem>>) dst(%dma_wait3A_70 : memref<10240x128xf32, #tpu.memory_space<vmem_shared>>)
      tpu.yield
    }) : () -> ()
    %dma_wait3A_45 = arith.constant 0 : i32
    %dma_wait3A_46 = arith.constant 0 : i32
    %dma_wait3A_47 = tpu.memref_slice %arg4[%dma_wait3A_45, %dma_wait3A_46] : memref<10240x128xf32, #tpu.memory_space<hbm>> -> memref<10240x128xf32, #tpu.memory_space<hbm>>
    tpu.wait_indirect_dma semaphore(%arg14 : memref<!tpu.dma_semaphore, #tpu.memory_space<semaphore_mem>>) src(%dma_wait3A_47 : memref<10240x128xf32, #tpu.memory_space<hbm>>) dst(%arg10 : memref<80x128xf32, #tpu.memory_space<vmem>>)
    "tpu.region"() ({
      %run_scoped3A = tpu.sem_alloc : memref<!tpu.dma_semaphore, #tpu.memory_space<semaphore_mem>>
      %dma_start3A_65 = arith.constant 0 : i32
      %dma_start3A_66 = arith.constant 0 : i32
      %dma_start3A_67 = tpu.memref_slice %arg13[%dma_start3A_65, %dma_start3A_66] : memref<10240x128xf32, #tpu.memory_space<vmem_shared>> -> memref<10240x128xf32, #tpu.memory_space<vmem_shared>>
      tpu.enqueue_indirect_dma source(%arg10 : memref<80x128xf32, #tpu.memory_space<vmem>>) target(%dma_start3A_67 : memref<10240x128xf32, #tpu.memory_space<vmem_shared>>) offsets(%arg8 : memref<80xi32, #tpu.memory_space<vmem>>) semaphore(%run_scoped3A : memref<!tpu.dma_semaphore, #tpu.memory_space<semaphore_mem>>) {add = true}
      %dma_wait3A_68 = arith.constant 0 : i32
      %dma_wait3A_69 = arith.constant 0 : i32
      %dma_wait3A_70 = tpu.memref_slice %arg13[%dma_wait3A_68, %dma_wait3A_69] : memref<10240x128xf32, #tpu.memory_space<vmem_shared>> -> memref<10240x128xf32, #tpu.memory_space<vmem_shared>>
      tpu.wait_indirect_dma semaphore(%run_scoped3A : memref<!tpu.dma_semaphore, #tpu.memory_space<semaphore_mem>>) src(%arg10 : memref<80x128xf32, #tpu.memory_space<vmem>>) dst(%dma_wait3A_70 : memref<10240x128xf32, #tpu.memory_space<vmem_shared>>)
      tpu.yield
    }) : () -> ()
    %barrier3A_48 = arith.constant 0 : index
    tpu.barrier barrier_id(%barrier3A_48)
    %mul3A_49 = arith.constant 320 : i32
    %mul3A_50 = arith.muli %arg1, %mul3A_49 : i32
    %add3A_51 = arith.constant 0 : i32
    %add3A_52 = arith.addi %mul3A_50, %add3A_51 : i32
    %mul3A_53 = arith.constant 320 : i32
    %mul3A_54 = arith.muli %arg1, %mul3A_53 : i32
    %add3A_55 = arith.constant 0 : i32
    %add3A_56 = arith.addi %mul3A_54, %add3A_55 : i32
    "tpu.region"() ({
      %run_scoped3A = tpu.sem_alloc : memref<!tpu.dma_semaphore, #tpu.memory_space<semaphore_mem>>
      %dma_start3A_65 = arith.constant 0 : i32
      %dma_start3A_66 = tpu.memref_slice %arg5[%arg0, %add3A_56, %dma_start3A_65] : memref<2x10240x128xf32, #tpu.memory_space<hbm>> -> memref<1x128x128xf32, #tpu.memory_space<hbm>>
      %dma_start3A_67 = tpu.memref_squeeze %dma_start3A_66 : memref<1x128x128xf32, #tpu.memory_space<hbm>> -> memref<128x128xf32, #tpu.memory_space<hbm>>
      %dma_start3A_68 = arith.constant 0 : i32
      %dma_start3A_69 = tpu.memref_slice %arg13[%add3A_52, %dma_start3A_68] : memref<10240x128xf32, #tpu.memory_space<vmem_shared>> -> memref<128x128xf32, #tpu.memory_space<vmem_shared>>
      tpu.enqueue_dma source(%dma_start3A_69 : memref<128x128xf32, #tpu.memory_space<vmem_shared>>) target(%dma_start3A_67 : memref<128x128xf32, #tpu.memory_space<hbm>>) target_semaphore(%run_scoped3A : memref<!tpu.dma_semaphore, #tpu.memory_space<semaphore_mem>>)
      %dma_wait3A_70 = arith.constant 0 : i32
      %dma_wait3A_71 = tpu.memref_slice %arg5[%arg0, %add3A_56, %dma_wait3A_70] : memref<2x10240x128xf32, #tpu.memory_space<hbm>> -> memref<1x128x128xf32, #tpu.memory_space<hbm>>
      %dma_wait3A_72 = tpu.memref_squeeze %dma_wait3A_71 : memref<1x128x128xf32, #tpu.memory_space<hbm>> -> memref<128x128xf32, #tpu.memory_space<hbm>>
      %dma_wait3A_73 = arith.constant 0 : i32
      %dma_wait3A_74 = tpu.memref_slice %arg13[%add3A_52, %dma_wait3A_73] : memref<10240x128xf32, #tpu.memory_space<vmem_shared>> -> memref<128x128xf32, #tpu.memory_space<vmem_shared>>
      tpu.wait_dma2 semaphore(%run_scoped3A : memref<!tpu.dma_semaphore, #tpu.memory_space<semaphore_mem>>) src(%dma_wait3A_74 : memref<128x128xf32, #tpu.memory_space<vmem_shared>>) dst(%dma_wait3A_72 : memref<128x128xf32, #tpu.memory_space<hbm>>)
      tpu.yield
    }) : () -> ()
    %mul3A_57 = arith.constant 320 : i32
    %mul3A_58 = arith.muli %arg1, %mul3A_57 : i32
    %add3A_59 = arith.constant 128 : i32
    %add3A_60 = arith.addi %mul3A_58, %add3A_59 : i32
    %mul3A_61 = arith.constant 320 : i32
    %mul3A_62 = arith.muli %arg1, %mul3A_61 : i32
    %add3A_63 = arith.constant 128 : i32
    %add3A_64 = arith.addi %mul3A_62, %add3A_63 : i32
    "tpu.region"() ({
      %run_scoped3A = tpu.sem_alloc : memref<!tpu.dma_semaphore, #tpu.memory_space<semaphore_mem>>
      %dma_start3A_65 = arith.constant 0 : i32
      %dma_start3A_66 = tpu.memref_slice %arg5[%arg0, %add3A_64, %dma_start3A_65] : memref<2x10240x128xf32, #tpu.memory_space<hbm>> -> memref<1x128x128xf32, #tpu.memory_space<hbm>>
      %dma_start3A_67 = tpu.memref_squeeze %dma_start3A_66 : memref<1x128x128xf32, #tpu.memory_space<hbm>> -> memref<128x128xf32, #tpu.memory_space<hbm>>
      %dma_start3A_68 = arith.constant 0 : i32
      %dma_start3A_69 = tpu.memref_slice %arg13[%add3A_60, %dma_start3A_68] : memref<10240x128xf32, #tpu.memory_space<vmem_shared>> -> memref<128x128xf32, #tpu.memory_space<vmem_shared>>
      tpu.enqueue_dma source(%dma_start3A_69 : memref<128x128xf32, #tpu.memory_space<vmem_shared>>) target(%dma_start3A_67 : memref<128x128xf32, #tpu.memory_space<hbm>>) target_semaphore(%run_scoped3A : memref<!tpu.dma_semaphore, #tpu.memory_space<semaphore_mem>>)
      %dma_wait3A_70 = arith.constant 0 : i32
      %dma_wait3A_71 = tpu.memref_slice %arg5[%arg0, %add3A_64, %dma_wait3A_70] : memref<2x10240x128xf32, #tpu.memory_space<hbm>> -> memref<1x128x128xf32, #tpu.memory_space<hbm>>
      %dma_wait3A_72 = tpu.memref_squeeze %dma_wait3A_71 : memref<1x128x128xf32, #tpu.memory_space<hbm>> -> memref<128x128xf32, #tpu.memory_space<hbm>>
      %dma_wait3A_73 = arith.constant 0 : i32
      %dma_wait3A_74 = tpu.memref_slice %arg13[%add3A_60, %dma_wait3A_73] : memref<10240x128xf32, #tpu.memory_space<vmem_shared>> -> memref<128x128xf32, #tpu.memory_space<vmem_shared>>
      tpu.wait_dma2 semaphore(%run_scoped3A : memref<!tpu.dma_semaphore, #tpu.memory_space<semaphore_mem>>) src(%dma_wait3A_74 : memref<128x128xf32, #tpu.memory_space<vmem_shared>>) dst(%dma_wait3A_72 : memref<128x128xf32, #tpu.memory_space<hbm>>)
      tpu.yield
    }) : () -> ()
    return
  }
}

#map = affine_map<(d0, d1) -> (0)>
#map1 = affine_map<(d0, d1) -> (0, 0)>
#map2 = affine_map<(d0, d1) -> (0, 0, 0)>
module attributes {stable_mosaic.version = 14 : i64} {
  func.func @_spmv_kernel(%arg0: i32, %arg1: i32, %arg2: memref<320000xi32, #tpu.memory_space<hbm>>, %arg3: memref<320000xi32, #tpu.memory_space<hbm>>, %arg4: memref<10240x128xf32, #tpu.memory_space<hbm>>, %arg5: memref<2x10240x128xf32, #tpu.memory_space<hbm>>, %arg6: memref<80xi32, #tpu.memory_space<vmem>>, %arg7: memref<80xi32, #tpu.memory_space<vmem>>, %arg8: memref<80xi32, #tpu.memory_space<vmem>>, %arg9: memref<80xi32, #tpu.memory_space<vmem>>, %arg10: memref<80x128xf32, #tpu.memory_space<vmem>>, %arg11: memref<80x128xf32, #tpu.memory_space<vmem>>, %arg12: memref<128x128xf32, #tpu.memory_space<vmem>>, %arg13: memref<10240x128xf32, #tpu.memory_space<vmem_shared>>, %arg14: memref<!tpu.dma_semaphore, #tpu.memory_space<semaphore_mem>>, %arg15: memref<!tpu.dma_semaphore, #tpu.memory_space<semaphore_mem>>) attributes {dimension_semantics = [#tpu.dimension_semantics<core_parallel>, #tpu.dimension_semantics<subcore_parallel>], iteration_bounds = array<i64: 2, 16>, scalar_prefetch = 0 : i64, scratch_operands = 10 : i64, tpu.core_type = #tpu.core_type<sc_vector_subcore>, window_params = [{transform_indices = #map}, {transform_indices = #map}, {transform_indices = #map1}, {transform_indices = #map2}]} {
    %mul3A = arith.constant 16 : i32
    %mul3A_0 = arith.muli %arg0, %mul3A : i32
    %add3A = arith.addi %mul3A_0, %arg1 : i32
    %scan3A = arith.constant 0 : i32
    %scan3A_1 = arith.constant 0 : i32
    %scan3A_2 = arith.constant 128 : i32
    %scan3A_3 = arith.addi %scan3A_1, %scan3A_2 : i32
    %scan3A_4 = arith.constant 1 : i32
    %scan3A_5 = scf.for %scan3A_65 = %scan3A_1 to %scan3A_3 step %scan3A_4 iter_args(%scan3A_66 = %scan3A) -> (i32)  : i32 {
      %broadcast_in_dim3A = arith.constant 0.000000e+00 : f32
      %broadcast_in_dim3A_67 = vector.broadcast %broadcast_in_dim3A : f32 to vector<16xf32>
      %swap3A = arith.index_cast %scan3A_65 : i32 to index
      %swap3A_68 = arith.constant 0 : index
      %swap3A_69 = tpu.vector_load %arg12[%swap3A, %swap3A_68] {strides = array<i32>} : memref<128x128xf32, #tpu.memory_space<vmem>>, vector<1x16xf32>,
      %swap3A_70 = vector.shape_cast %swap3A_69 : vector<1x16xf32> to vector<16xf32>
      %swap3A_71 = vector.shape_cast %broadcast_in_dim3A_67 : vector<16xf32> to vector<1x16xf32>
      tpu.vector_store %arg12[%swap3A, %swap3A_68], %swap3A_71 {strides = array<i32>} : memref<128x128xf32, #tpu.memory_space<vmem>>, vector<1x16xf32>,
      %broadcast_in_dim3A_72 = arith.constant 0.000000e+00 : f32
      %broadcast_in_dim3A_73 = vector.broadcast %broadcast_in_dim3A_72 : f32 to vector<16xf32>
      %swap3A_74 = arith.index_cast %scan3A_65 : i32 to index
      %swap3A_75 = arith.constant 16 : index
      %swap3A_76 = tpu.vector_load %arg12[%swap3A_74, %swap3A_75] {strides = array<i32>} : memref<128x128xf32, #tpu.memory_space<vmem>>, vector<1x16xf32>,
      %swap3A_77 = vector.shape_cast %swap3A_76 : vector<1x16xf32> to vector<16xf32>
      %swap3A_78 = vector.shape_cast %broadcast_in_dim3A_73 : vector<16xf32> to vector<1x16xf32>
      tpu.vector_store %arg12[%swap3A_74, %swap3A_75], %swap3A_78 {strides = array<i32>} : memref<128x128xf32, #tpu.memory_space<vmem>>, vector<1x16xf32>,
      %broadcast_in_dim3A_79 = arith.constant 0.000000e+00 : f32
      %broadcast_in_dim3A_80 = vector.broadcast %broadcast_in_dim3A_79 : f32 to vector<16xf32>
      %swap3A_81 = arith.index_cast %scan3A_65 : i32 to index
      %swap3A_82 = arith.constant 32 : index
      %swap3A_83 = tpu.vector_load %arg12[%swap3A_81, %swap3A_82] {strides = array<i32>} : memref<128x128xf32, #tpu.memory_space<vmem>>, vector<1x16xf32>,
      %swap3A_84 = vector.shape_cast %swap3A_83 : vector<1x16xf32> to vector<16xf32>
      %swap3A_85 = vector.shape_cast %broadcast_in_dim3A_80 : vector<16xf32> to vector<1x16xf32>
      tpu.vector_store %arg12[%swap3A_81, %swap3A_82], %swap3A_85 {strides = array<i32>} : memref<128x128xf32, #tpu.memory_space<vmem>>, vector<1x16xf32>,
      %broadcast_in_dim3A_86 = arith.constant 0.000000e+00 : f32
      %broadcast_in_dim3A_87 = vector.broadcast %broadcast_in_dim3A_86 : f32 to vector<16xf32>
      %swap3A_88 = arith.index_cast %scan3A_65 : i32 to index
      %swap3A_89 = arith.constant 48 : index
      %swap3A_90 = tpu.vector_load %arg12[%swap3A_88, %swap3A_89] {strides = array<i32>} : memref<128x128xf32, #tpu.memory_space<vmem>>, vector<1x16xf32>,
      %swap3A_91 = vector.shape_cast %swap3A_90 : vector<1x16xf32> to vector<16xf32>
      %swap3A_92 = vector.shape_cast %broadcast_in_dim3A_87 : vector<16xf32> to vector<1x16xf32>
      tpu.vector_store %arg12[%swap3A_88, %swap3A_89], %swap3A_92 {strides = array<i32>} : memref<128x128xf32, #tpu.memory_space<vmem>>, vector<1x16xf32>,
      %broadcast_in_dim3A_93 = arith.constant 0.000000e+00 : f32
      %broadcast_in_dim3A_94 = vector.broadcast %broadcast_in_dim3A_93 : f32 to vector<16xf32>
      %swap3A_95 = arith.index_cast %scan3A_65 : i32 to index
      %swap3A_96 = arith.constant 64 : index
      %swap3A_97 = tpu.vector_load %arg12[%swap3A_95, %swap3A_96] {strides = array<i32>} : memref<128x128xf32, #tpu.memory_space<vmem>>, vector<1x16xf32>,
      %swap3A_98 = vector.shape_cast %swap3A_97 : vector<1x16xf32> to vector<16xf32>
      %swap3A_99 = vector.shape_cast %broadcast_in_dim3A_94 : vector<16xf32> to vector<1x16xf32>
      tpu.vector_store %arg12[%swap3A_95, %swap3A_96], %swap3A_99 {strides = array<i32>} : memref<128x128xf32, #tpu.memory_space<vmem>>, vector<1x16xf32>,
      %broadcast_in_dim3A_100 = arith.constant 0.000000e+00 : f32
      %broadcast_in_dim3A_101 = vector.broadcast %broadcast_in_dim3A_100 : f32 to vector<16xf32>
      %swap3A_102 = arith.index_cast %scan3A_65 : i32 to index
      %swap3A_103 = arith.constant 80 : index
      %swap3A_104 = tpu.vector_load %arg12[%swap3A_102, %swap3A_103] {strides = array<i32>} : memref<128x128xf32, #tpu.memory_space<vmem>>, vector<1x16xf32>,
      %swap3A_105 = vector.shape_cast %swap3A_104 : vector<1x16xf32> to vector<16xf32>
      %swap3A_106 = vector.shape_cast %broadcast_in_dim3A_101 : vector<16xf32> to vector<1x16xf32>
      tpu.vector_store %arg12[%swap3A_102, %swap3A_103], %swap3A_106 {strides = array<i32>} : memref<128x128xf32, #tpu.memory_space<vmem>>, vector<1x16xf32>,
      %broadcast_in_dim3A_107 = arith.constant 0.000000e+00 : f32
      %broadcast_in_dim3A_108 = vector.broadcast %broadcast_in_dim3A_107 : f32 to vector<16xf32>
      %swap3A_109 = arith.index_cast %scan3A_65 : i32 to index
      %swap3A_110 = arith.constant 96 : index
      %swap3A_111 = tpu.vector_load %arg12[%swap3A_109, %swap3A_110] {strides = array<i32>} : memref<128x128xf32, #tpu.memory_space<vmem>>, vector<1x16xf32>,
      %swap3A_112 = vector.shape_cast %swap3A_111 : vector<1x16xf32> to vector<16xf32>
      %swap3A_113 = vector.shape_cast %broadcast_in_dim3A_108 : vector<16xf32> to vector<1x16xf32>
      tpu.vector_store %arg12[%swap3A_109, %swap3A_110], %swap3A_113 {strides = array<i32>} : memref<128x128xf32, #tpu.memory_space<vmem>>, vector<1x16xf32>,
      %broadcast_in_dim3A_114 = arith.constant 0.000000e+00 : f32
      %broadcast_in_dim3A_115 = vector.broadcast %broadcast_in_dim3A_114 : f32 to vector<16xf32>
      %swap3A_116 = arith.index_cast %scan3A_65 : i32 to index
      %swap3A_117 = arith.constant 112 : index
      %swap3A_118 = tpu.vector_load %arg12[%swap3A_116, %swap3A_117] {strides = array<i32>} : memref<128x128xf32, #tpu.memory_space<vmem>>, vector<1x16xf32>,
      %swap3A_119 = vector.shape_cast %swap3A_118 : vector<1x16xf32> to vector<16xf32>
      %swap3A_120 = vector.shape_cast %broadcast_in_dim3A_115 : vector<16xf32> to vector<1x16xf32>
      tpu.vector_store %arg12[%swap3A_116, %swap3A_117], %swap3A_120 {strides = array<i32>} : memref<128x128xf32, #tpu.memory_space<vmem>>, vector<1x16xf32>,
      %scan3A_121 = arith.constant 0 : i32
      scf.yield %scan3A_121 : i32
    }
    %scan3A_6 = arith.constant 128 : i32
    %mul3A_7 = arith.constant 320 : i32
    %mul3A_8 = arith.muli %arg1, %mul3A_7 : i32
    %add3A_9 = arith.constant 0 : i32
    %add3A_10 = arith.addi %mul3A_8, %add3A_9 : i32
    "tpu.region"() ({
      %run_scoped3A = tpu.sem_alloc : memref<!tpu.dma_semaphore, #tpu.memory_space<semaphore_mem>>
      %dma_start3A_65 = arith.constant 0 : i32
      %dma_start3A_66 = tpu.memref_slice %arg13[%add3A_10, %dma_start3A_65] : memref<10240x128xf32, #tpu.memory_space<vmem_shared>> -> memref<128x128xf32, #tpu.memory_space<vmem_shared>>
      %dma_start3A_67 = arith.constant 0 : i32
      %dma_start3A_68 = tpu.memref_slice %arg13[%add3A_10, %dma_start3A_67] : memref<10240x128xf32, #tpu.memory_space<vmem_shared>> -> memref<128x128xf32, #tpu.memory_space<vmem_shared>>
      tpu.enqueue_dma source(%arg12 : memref<128x128xf32, #tpu.memory_space<vmem>>) target(%dma_start3A_68 : memref<128x128xf32, #tpu.memory_space<vmem_shared>>) target_semaphore(%run_scoped3A : memref<!tpu.dma_semaphore, #tpu.memory_space<semaphore_mem>>)
      %dma_wait3A_69 = arith.constant 0 : i32
      %dma_wait3A_70 = tpu.memref_slice %arg13[%add3A_10, %dma_wait3A_69] : memref<10240x128xf32, #tpu.memory_space<vmem_shared>> -> memref<128x128xf32, #tpu.memory_space<vmem_shared>>
      %dma_wait3A_71 = arith.constant 0 : i32
      %dma_wait3A_72 = tpu.memref_slice %arg13[%add3A_10, %dma_wait3A_71] : memref<10240x128xf32, #tpu.memory_space<vmem_shared>> -> memref<128x128xf32, #tpu.memory_space<vmem_shared>>
      tpu.wait_dma2 semaphore(%run_scoped3A : memref<!tpu.dma_semaphore, #tpu.memory_space<semaphore_mem>>) src(%arg12 : memref<128x128xf32, #tpu.memory_space<vmem>>) dst(%dma_wait3A_72 : memref<128x128xf32, #tpu.memory_space<vmem_shared>>)
      tpu.yield
    }) : () -> ()
    %mul3A_11 = arith.constant 320 : i32
    %mul3A_12 = arith.muli %arg1, %mul3A_11 : i32
    %add3A_13 = arith.constant 128 : i32
    %add3A_14 = arith.addi %mul3A_12, %add3A_13 : i32
    "tpu.region"() ({
      %run_scoped3A = tpu.sem_alloc : memref<!tpu.dma_semaphore, #tpu.memory_space<semaphore_mem>>
      %dma_start3A_65 = arith.constant 0 : i32
      %dma_start3A_66 = tpu.memref_slice %arg13[%add3A_14, %dma_start3A_65] : memref<10240x128xf32, #tpu.memory_space<vmem_shared>> -> memref<128x128xf32, #tpu.memory_space<vmem_shared>>
      %dma_start3A_67 = arith.constant 0 : i32
      %dma_start3A_68 = tpu.memref_slice %arg13[%add3A_14, %dma_start3A_67] : memref<10240x128xf32, #tpu.memory_space<vmem_shared>> -> memref<128x128xf32, #tpu.memory_space<vmem_shared>>
      tpu.enqueue_dma source(%arg12 : memref<128x128xf32, #tpu.memory_space<vmem>>) target(%dma_start3A_68 : memref<128x128xf32, #tpu.memory_space<vmem_shared>>) target_semaphore(%run_scoped3A : memref<!tpu.dma_semaphore, #tpu.memory_space<semaphore_mem>>)
      %dma_wait3A_69 = arith.constant 0 : i32
      %dma_wait3A_70 = tpu.memref_slice %arg13[%add3A_14, %dma_wait3A_69] : memref<10240x128xf32, #tpu.memory_space<vmem_shared>> -> memref<128x128xf32, #tpu.memory_space<vmem_shared>>
      %dma_wait3A_71 = arith.constant 0 : i32
      %dma_wait3A_72 = tpu.memref_slice %arg13[%add3A_14, %dma_wait3A_71] : memref<10240x128xf32, #tpu.memory_space<vmem_shared>> -> memref<128x128xf32, #tpu.memory_space<vmem_shared>>
      tpu.wait_dma2 semaphore(%run_scoped3A : memref<!tpu.dma_semaphore, #tpu.memory_space<semaphore_mem>>) src(%arg12 : memref<128x128xf32, #tpu.memory_space<vmem>>) dst(%dma_wait3A_72 : memref<128x128xf32, #tpu.memory_space<vmem_shared>>)
      tpu.yield
    }) : () -> ()
    %barrier3A = arith.constant 0 : index
    tpu.barrier barrier_id(%barrier3A)
    %mul3A_15 = arith.constant 10000 : i32
    %mul3A_16 = arith.muli %add3A, %mul3A_15 : i32
    %add3A_17 = arith.constant 0 : i32
    %add3A_18 = arith.addi %mul3A_16, %add3A_17 : i32
    %multiple_of3A = tpu.assume_multiple %add3A_18, 80 : i32
    "tpu.region"() ({
      %run_scoped3A = tpu.sem_alloc : memref<!tpu.dma_semaphore, #tpu.memory_space<semaphore_mem>>
      %dma_start3A_65 = tpu.memref_slice %arg2[%multiple_of3A] : memref<320000xi32, #tpu.memory_space<hbm>> -> memref<80xi32, #tpu.memory_space<hbm>>
      %dma_start3A_66 = tpu.memref_slice %arg2[%multiple_of3A] : memref<320000xi32, #tpu.memory_space<hbm>> -> memref<80xi32, #tpu.memory_space<hbm>>
      tpu.enqueue_dma source(%dma_start3A_66 : memref<80xi32, #tpu.memory_space<hbm>>) target(%arg6 : memref<80xi32, #tpu.memory_space<vmem>>) target_semaphore(%run_scoped3A : memref<!tpu.dma_semaphore, #tpu.memory_space<semaphore_mem>>)
      %dma_wait3A_67 = tpu.memref_slice %arg2[%multiple_of3A] : memref<320000xi32, #tpu.memory_space<hbm>> -> memref<80xi32, #tpu.memory_space<hbm>>
      %dma_wait3A_68 = tpu.memref_slice %arg2[%multiple_of3A] : memref<320000xi32, #tpu.memory_space<hbm>> -> memref<80xi32, #tpu.memory_space<hbm>>
      tpu.wait_dma2 semaphore(%run_scoped3A : memref<!tpu.dma_semaphore, #tpu.memory_space<semaphore_mem>>) src(%dma_wait3A_68 : memref<80xi32, #tpu.memory_space<hbm>>) dst(%arg6 : memref<80xi32, #tpu.memory_space<vmem>>)
      tpu.yield
    }) : () -> ()
    "tpu.region"() ({
      %run_scoped3A = tpu.sem_alloc : memref<!tpu.dma_semaphore, #tpu.memory_space<semaphore_mem>>
      %dma_start3A_65 = tpu.memref_slice %arg3[%multiple_of3A] : memref<320000xi32, #tpu.memory_space<hbm>> -> memref<80xi32, #tpu.memory_space<hbm>>
      %dma_start3A_66 = tpu.memref_slice %arg3[%multiple_of3A] : memref<320000xi32, #tpu.memory_space<hbm>> -> memref<80xi32, #tpu.memory_space<hbm>>
      tpu.enqueue_dma source(%dma_start3A_66 : memref<80xi32, #tpu.memory_space<hbm>>) target(%arg8 : memref<80xi32, #tpu.memory_space<vmem>>) target_semaphore(%run_scoped3A : memref<!tpu.dma_semaphore, #tpu.memory_space<semaphore_mem>>)
      %dma_wait3A_67 = tpu.memref_slice %arg3[%multiple_of3A] : memref<320000xi32, #tpu.memory_space<hbm>> -> memref<80xi32, #tpu.memory_space<hbm>>
      %dma_wait3A_68 = tpu.memref_slice %arg3[%multiple_of3A] : memref<320000xi32, #tpu.memory_space<hbm>> -> memref<80xi32, #tpu.memory_space<hbm>>
      tpu.wait_dma2 semaphore(%run_scoped3A : memref<!tpu.dma_semaphore, #tpu.memory_space<semaphore_mem>>) src(%dma_wait3A_68 : memref<80xi32, #tpu.memory_space<hbm>>) dst(%arg8 : memref<80xi32, #tpu.memory_space<vmem>>)
      tpu.yield
    }) : () -> ()
    %dma_start3A = arith.constant 0 : i32
    %dma_start3A_19 = arith.constant 0 : i32
    %dma_start3A_20 = tpu.memref_slice %arg4[%dma_start3A, %dma_start3A_19] : memref<10240x128xf32, #tpu.memory_space<hbm>> -> memref<10240x128xf32, #tpu.memory_space<hbm>>
    tpu.enqueue_indirect_dma source(%dma_start3A_20 : memref<10240x128xf32, #tpu.memory_space<hbm>>) target(%arg10 : memref<80x128xf32, #tpu.memory_space<vmem>>) offsets(%arg6 : memref<80xi32, #tpu.memory_space<vmem>>) semaphore(%arg14 : memref<!tpu.dma_semaphore, #tpu.memory_space<semaphore_mem>>)
    %scan3A_21 = arith.constant 0 : i32
    %scan3A_22 = arith.constant 0 : i32
    %scan3A_23 = arith.constant 61 : i32
    %scan3A_24 = arith.addi %scan3A_22, %scan3A_23 : i32
    %scan3A_25 = arith.constant 1 : i32
    %scan3A_26 = scf.for %scan3A_65 = %scan3A_22 to %scan3A_24 step %scan3A_25 iter_args(%scan3A_66 = %scan3A_21) -> (i32)  : i32 {
      %mul3A_67 = arith.constant 2 : i32
      %mul3A_68 = arith.muli %mul3A_67, %scan3A_65 : i32
      %add3A_69 = arith.constant 1 : i32
      %add3A_70 = arith.addi %mul3A_68, %add3A_69 : i32
      %mul3A_71 = arith.constant 80 : i32
      %mul3A_72 = arith.muli %add3A_70, %mul3A_71 : i32
      %add3A_73 = arith.addi %mul3A_16, %mul3A_72 : i32
      %multiple_of3A_74 = tpu.assume_multiple %add3A_73, 80 : i32
      "tpu.region"() ({
        %run_scoped3A = tpu.sem_alloc : memref<!tpu.dma_semaphore, #tpu.memory_space<semaphore_mem>>
        %dma_start3A_96 = tpu.memref_slice %arg2[%multiple_of3A_74] : memref<320000xi32, #tpu.memory_space<hbm>> -> memref<80xi32, #tpu.memory_space<hbm>>
        %dma_start3A_97 = tpu.memref_slice %arg2[%multiple_of3A_74] : memref<320000xi32, #tpu.memory_space<hbm>> -> memref<80xi32, #tpu.memory_space<hbm>>
        tpu.enqueue_dma source(%dma_start3A_97 : memref<80xi32, #tpu.memory_space<hbm>>) target(%arg7 : memref<80xi32, #tpu.memory_space<vmem>>) target_semaphore(%run_scoped3A : memref<!tpu.dma_semaphore, #tpu.memory_space<semaphore_mem>>)
        %dma_wait3A_98 = tpu.memref_slice %arg2[%multiple_of3A_74] : memref<320000xi32, #tpu.memory_space<hbm>> -> memref<80xi32, #tpu.memory_space<hbm>>
        %dma_wait3A_99 = tpu.memref_slice %arg2[%multiple_of3A_74] : memref<320000xi32, #tpu.memory_space<hbm>> -> memref<80xi32, #tpu.memory_space<hbm>>
        tpu.wait_dma2 semaphore(%run_scoped3A : memref<!tpu.dma_semaphore, #tpu.memory_space<semaphore_mem>>) src(%dma_wait3A_99 : memref<80xi32, #tpu.memory_space<hbm>>) dst(%arg7 : memref<80xi32, #tpu.memory_space<vmem>>)
        tpu.yield
      }) : () -> ()
      "tpu.region"() ({
        %run_scoped3A = tpu.sem_alloc : memref<!tpu.dma_semaphore, #tpu.memory_space<semaphore_mem>>
        %dma_start3A_96 = tpu.memref_slice %arg3[%multiple_of3A_74] : memref<320000xi32, #tpu.memory_space<hbm>> -> memref<80xi32, #tpu.memory_space<hbm>>
        %dma_start3A_97 = tpu.memref_slice %arg3[%multiple_of3A_74] : memref<320000xi32, #tpu.memory_space<hbm>> -> memref<80xi32, #tpu.memory_space<hbm>>
        tpu.enqueue_dma source(%dma_start3A_97 : memref<80xi32, #tpu.memory_space<hbm>>) target(%arg9 : memref<80xi32, #tpu.memory_space<vmem>>) target_semaphore(%run_scoped3A : memref<!tpu.dma_semaphore, #tpu.memory_space<semaphore_mem>>)
        %dma_wait3A_98 = tpu.memref_slice %arg3[%multiple_of3A_74] : memref<320000xi32, #tpu.memory_space<hbm>> -> memref<80xi32, #tpu.memory_space<hbm>>
        %dma_wait3A_99 = tpu.memref_slice %arg3[%multiple_of3A_74] : memref<320000xi32, #tpu.memory_space<hbm>> -> memref<80xi32, #tpu.memory_space<hbm>>
        tpu.wait_dma2 semaphore(%run_scoped3A : memref<!tpu.dma_semaphore, #tpu.memory_space<semaphore_mem>>) src(%dma_wait3A_99 : memref<80xi32, #tpu.memory_space<hbm>>) dst(%arg9 : memref<80xi32, #tpu.memory_space<vmem>>)
        tpu.yield
      }) : () -> ()
      %dma_start3A_75 = arith.constant 0 : i32
      %dma_start3A_76 = arith.constant 0 : i32
      %dma_start3A_77 = tpu.memref_slice %arg4[%dma_start3A_75, %dma_start3A_76] : memref<10240x128xf32, #tpu.memory_space<hbm>> -> memref<10240x128xf32, #tpu.memory_space<hbm>>
      tpu.enqueue_indirect_dma source(%dma_start3A_77 : memref<10240x128xf32, #tpu.memory_space<hbm>>) target(%arg11 : memref<80x128xf32, #tpu.memory_space<vmem>>) offsets(%arg7 : memref<80xi32, #tpu.memory_space<vmem>>) semaphore(%arg15 : memref<!tpu.dma_semaphore, #tpu.memory_space<semaphore_mem>>)
      %dma_wait3A_78 = arith.constant 0 : i32
      %dma_wait3A_79 = arith.constant 0 : i32
      %dma_wait3A_80 = tpu.memref_slice %arg4[%dma_wait3A_78, %dma_wait3A_79] : memref<10240x128xf32, #tpu.memory_space<hbm>> -> memref<10240x128xf32, #tpu.memory_space<hbm>>
      tpu.wait_indirect_dma semaphore(%arg14 : memref<!tpu.dma_semaphore, #tpu.memory_space<semaphore_mem>>) src(%dma_wait3A_80 : memref<10240x128xf32, #tpu.memory_space<hbm>>) dst(%arg10 : memref<80x128xf32, #tpu.memory_space<vmem>>)
      "tpu.region"() ({
        %run_scoped3A = tpu.sem_alloc : memref<!tpu.dma_semaphore, #tpu.memory_space<semaphore_mem>>
        %dma_start3A_96 = arith.constant 0 : i32
        %dma_start3A_97 = arith.constant 0 : i32
        %dma_start3A_98 = tpu.memref_slice %arg13[%dma_start3A_96, %dma_start3A_97] : memref<10240x128xf32, #tpu.memory_space<vmem_shared>> -> memref<10240x128xf32, #tpu.memory_space<vmem_shared>>
        tpu.enqueue_indirect_dma source(%arg10 : memref<80x128xf32, #tpu.memory_space<vmem>>) target(%dma_start3A_98 : memref<10240x128xf32, #tpu.memory_space<vmem_shared>>) offsets(%arg8 : memref<80xi32, #tpu.memory_space<vmem>>) semaphore(%run_scoped3A : memref<!tpu.dma_semaphore, #tpu.memory_space<semaphore_mem>>) {add = true}
        %dma_wait3A_99 = arith.constant 0 : i32
        %dma_wait3A_100 = arith.constant 0 : i32
        %dma_wait3A_101 = tpu.memref_slice %arg13[%dma_wait3A_99, %dma_wait3A_100] : memref<10240x128xf32, #tpu.memory_space<vmem_shared>> -> memref<10240x128xf32, #tpu.memory_space<vmem_shared>>
        tpu.wait_indirect_dma semaphore(%run_scoped3A : memref<!tpu.dma_semaphore, #tpu.memory_space<semaphore_mem>>) src(%arg10 : memref<80x128xf32, #tpu.memory_space<vmem>>) dst(%dma_wait3A_101 : memref<10240x128xf32, #tpu.memory_space<vmem_shared>>)
        tpu.yield
      }) : () -> ()
      %add3A_81 = arith.constant 2 : i32
      %add3A_82 = arith.addi %mul3A_68, %add3A_81 : i32
      %mul3A_83 = arith.constant 80 : i32
      %mul3A_84 = arith.muli %add3A_82, %mul3A_83 : i32
      %add3A_85 = arith.addi %mul3A_16, %mul3A_84 : i32
      %multiple_of3A_86 = tpu.assume_multiple %add3A_85, 80 : i32
      "tpu.region"() ({
        %run_scoped3A = tpu.sem_alloc : memref<!tpu.dma_semaphore, #tpu.memory_space<semaphore_mem>>
        %dma_start3A_96 = tpu.memref_slice %arg2[%multiple_of3A_86] : memref<320000xi32, #tpu.memory_space<hbm>> -> memref<80xi32, #tpu.memory_space<hbm>>
        %dma_start3A_97 = tpu.memref_slice %arg2[%multiple_of3A_86] : memref<320000xi32, #tpu.memory_space<hbm>> -> memref<80xi32, #tpu.memory_space<hbm>>
        tpu.enqueue_dma source(%dma_start3A_97 : memref<80xi32, #tpu.memory_space<hbm>>) target(%arg6 : memref<80xi32, #tpu.memory_space<vmem>>) target_semaphore(%run_scoped3A : memref<!tpu.dma_semaphore, #tpu.memory_space<semaphore_mem>>)
        %dma_wait3A_98 = tpu.memref_slice %arg2[%multiple_of3A_86] : memref<320000xi32, #tpu.memory_space<hbm>> -> memref<80xi32, #tpu.memory_space<hbm>>
        %dma_wait3A_99 = tpu.memref_slice %arg2[%multiple_of3A_86] : memref<320000xi32, #tpu.memory_space<hbm>> -> memref<80xi32, #tpu.memory_space<hbm>>
        tpu.wait_dma2 semaphore(%run_scoped3A : memref<!tpu.dma_semaphore, #tpu.memory_space<semaphore_mem>>) src(%dma_wait3A_99 : memref<80xi32, #tpu.memory_space<hbm>>) dst(%arg6 : memref<80xi32, #tpu.memory_space<vmem>>)
        tpu.yield
      }) : () -> ()
      "tpu.region"() ({
        %run_scoped3A = tpu.sem_alloc : memref<!tpu.dma_semaphore, #tpu.memory_space<semaphore_mem>>
        %dma_start3A_96 = tpu.memref_slice %arg3[%multiple_of3A_86] : memref<320000xi32, #tpu.memory_space<hbm>> -> memref<80xi32, #tpu.memory_space<hbm>>
        %dma_start3A_97 = tpu.memref_slice %arg3[%multiple_of3A_86] : memref<320000xi32, #tpu.memory_space<hbm>> -> memref<80xi32, #tpu.memory_space<hbm>>
        tpu.enqueue_dma source(%dma_start3A_97 : memref<80xi32, #tpu.memory_space<hbm>>) target(%arg8 : memref<80xi32, #tpu.memory_space<vmem>>) target_semaphore(%run_scoped3A : memref<!tpu.dma_semaphore, #tpu.memory_space<semaphore_mem>>)
        %dma_wait3A_98 = tpu.memref_slice %arg3[%multiple_of3A_86] : memref<320000xi32, #tpu.memory_space<hbm>> -> memref<80xi32, #tpu.memory_space<hbm>>
        %dma_wait3A_99 = tpu.memref_slice %arg3[%multiple_of3A_86] : memref<320000xi32, #tpu.memory_space<hbm>> -> memref<80xi32, #tpu.memory_space<hbm>>
        tpu.wait_dma2 semaphore(%run_scoped3A : memref<!tpu.dma_semaphore, #tpu.memory_space<semaphore_mem>>) src(%dma_wait3A_99 : memref<80xi32, #tpu.memory_space<hbm>>) dst(%arg8 : memref<80xi32, #tpu.memory_space<vmem>>)
        tpu.yield
      }) : () -> ()
      %dma_start3A_87 = arith.constant 0 : i32
      %dma_start3A_88 = arith.constant 0 : i32
      %dma_start3A_89 = tpu.memref_slice %arg4[%dma_start3A_87, %dma_start3A_88] : memref<10240x128xf32, #tpu.memory_space<hbm>> -> memref<10240x128xf32, #tpu.memory_space<hbm>>
      tpu.enqueue_indirect_dma source(%dma_start3A_89 : memref<10240x128xf32, #tpu.memory_space<hbm>>) target(%arg10 : memref<80x128xf32, #tpu.memory_space<vmem>>) offsets(%arg6 : memref<80xi32, #tpu.memory_space<vmem>>) semaphore(%arg14 : memref<!tpu.dma_semaphore, #tpu.memory_space<semaphore_mem>>)
      %add3A_90 = arith.constant 1 : i32
      %add3A_91 = arith.addi %mul3A_68, %add3A_90 : i32
      %dma_wait3A_92 = arith.constant 0 : i32
      %dma_wait3A_93 = arith.constant 0 : i32
      %dma_wait3A_94 = tpu.memref_slice %arg4[%dma_wait3A_92, %dma_wait3A_93] : memref<10240x128xf32, #tpu.memory_space<hbm>> -> memref<10240x128xf32, #tpu.memory_space<hbm>>
      tpu.wait_indirect_dma semaphore(%arg15 : memref<!tpu.dma_semaphore, #tpu.memory_space<semaphore_mem>>) src(%dma_wait3A_94 : memref<10240x128xf32, #tpu.memory_space<hbm>>) dst(%arg11 : memref<80x128xf32, #tpu.memory_space<vmem>>)
      "tpu.region"() ({
        %run_scoped3A = tpu.sem_alloc : memref<!tpu.dma_semaphore, #tpu.memory_space<semaphore_mem>>
        %dma_start3A_96 = arith.constant 0 : i32
        %dma_start3A_97 = arith.constant 0 : i32
        %dma_start3A_98 = tpu.memref_slice %arg13[%dma_start3A_96, %dma_start3A_97] : memref<10240x128xf32, #tpu.memory_space<vmem_shared>> -> memref<10240x128xf32, #tpu.memory_space<vmem_shared>>
        tpu.enqueue_indirect_dma source(%arg11 : memref<80x128xf32, #tpu.memory_space<vmem>>) target(%dma_start3A_98 : memref<10240x128xf32, #tpu.memory_space<vmem_shared>>) offsets(%arg9 : memref<80xi32, #tpu.memory_space<vmem>>) semaphore(%run_scoped3A : memref<!tpu.dma_semaphore, #tpu.memory_space<semaphore_mem>>) {add = true}
        %dma_wait3A_99 = arith.constant 0 : i32
        %dma_wait3A_100 = arith.constant 0 : i32
        %dma_wait3A_101 = tpu.memref_slice %arg13[%dma_wait3A_99, %dma_wait3A_100] : memref<10240x128xf32, #tpu.memory_space<vmem_shared>> -> memref<10240x128xf32, #tpu.memory_space<vmem_shared>>
        tpu.wait_indirect_dma semaphore(%run_scoped3A : memref<!tpu.dma_semaphore, #tpu.memory_space<semaphore_mem>>) src(%arg11 : memref<80x128xf32, #tpu.memory_space<vmem>>) dst(%dma_wait3A_101 : memref<10240x128xf32, #tpu.memory_space<vmem_shared>>)
        tpu.yield
      }) : () -> ()
      %scan3A_95 = arith.constant 0 : i32
      scf.yield %scan3A_95 : i32
    }
    %scan3A_27 = arith.constant 61 : i32
    %add3A_28 = arith.constant 9840 : i32
    %add3A_29 = arith.addi %mul3A_16, %add3A_28 : i32
    %multiple_of3A_30 = tpu.assume_multiple %add3A_29, 80 : i32
    "tpu.region"() ({
      %run_scoped3A = tpu.sem_alloc : memref<!tpu.dma_semaphore, #tpu.memory_space<semaphore_mem>>
      %dma_start3A_65 = tpu.memref_slice %arg2[%multiple_of3A_30] : memref<320000xi32, #tpu.memory_space<hbm>> -> memref<80xi32, #tpu.memory_space<hbm>>
      %dma_start3A_66 = tpu.memref_slice %arg2[%multiple_of3A_30] : memref<320000xi32, #tpu.memory_space<hbm>> -> memref<80xi32, #tpu.memory_space<hbm>>
      tpu.enqueue_dma source(%dma_start3A_66 : memref<80xi32, #tpu.memory_space<hbm>>) target(%arg7 : memref<80xi32, #tpu.memory_space<vmem>>) target_semaphore(%run_scoped3A : memref<!tpu.dma_semaphore, #tpu.memory_space<semaphore_mem>>)
      %dma_wait3A_67 = tpu.memref_slice %arg2[%multiple_of3A_30] : memref<320000xi32, #tpu.memory_space<hbm>> -> memref<80xi32, #tpu.memory_space<hbm>>
      %dma_wait3A_68 = tpu.memref_slice %arg2[%multiple_of3A_30] : memref<320000xi32, #tpu.memory_space<hbm>> -> memref<80xi32, #tpu.memory_space<hbm>>
      tpu.wait_dma2 semaphore(%run_scoped3A : memref<!tpu.dma_semaphore, #tpu.memory_space<semaphore_mem>>) src(%dma_wait3A_68 : memref<80xi32, #tpu.memory_space<hbm>>) dst(%arg7 : memref<80xi32, #tpu.memory_space<vmem>>)
      tpu.yield
    }) : () -> ()
    "tpu.region"() ({
      %run_scoped3A = tpu.sem_alloc : memref<!tpu.dma_semaphore, #tpu.memory_space<semaphore_mem>>
      %dma_start3A_65 = tpu.memref_slice %arg3[%multiple_of3A_30] : memref<320000xi32, #tpu.memory_space<hbm>> -> memref<80xi32, #tpu.memory_space<hbm>>
      %dma_start3A_66 = tpu.memref_slice %arg3[%multiple_of3A_30] : memref<320000xi32, #tpu.memory_space<hbm>> -> memref<80xi32, #tpu.memory_space<hbm>>
      tpu.enqueue_dma source(%dma_start3A_66 : memref<80xi32, #tpu.memory_space<hbm>>) target(%arg9 : memref<80xi32, #tpu.memory_space<vmem>>) target_semaphore(%run_scoped3A : memref<!tpu.dma_semaphore, #tpu.memory_space<semaphore_mem>>)
      %dma_wait3A_67 = tpu.memref_slice %arg3[%multiple_of3A_30] : memref<320000xi32, #tpu.memory_space<hbm>> -> memref<80xi32, #tpu.memory_space<hbm>>
      %dma_wait3A_68 = tpu.memref_slice %arg3[%multiple_of3A_30] : memref<320000xi32, #tpu.memory_space<hbm>> -> memref<80xi32, #tpu.memory_space<hbm>>
      tpu.wait_dma2 semaphore(%run_scoped3A : memref<!tpu.dma_semaphore, #tpu.memory_space<semaphore_mem>>) src(%dma_wait3A_68 : memref<80xi32, #tpu.memory_space<hbm>>) dst(%arg9 : memref<80xi32, #tpu.memory_space<vmem>>)
      tpu.yield
    }) : () -> ()
    %dma_start3A_31 = arith.constant 0 : i32
    %dma_start3A_32 = arith.constant 0 : i32
    %dma_start3A_33 = tpu.memref_slice %arg4[%dma_start3A_31, %dma_start3A_32] : memref<10240x128xf32, #tpu.memory_space<hbm>> -> memref<10240x128xf32, #tpu.memory_space<hbm>>
    tpu.enqueue_indirect_dma source(%dma_start3A_33 : memref<10240x128xf32, #tpu.memory_space<hbm>>) target(%arg11 : memref<80x128xf32, #tpu.memory_space<vmem>>) offsets(%arg7 : memref<80xi32, #tpu.memory_space<vmem>>) semaphore(%arg15 : memref<!tpu.dma_semaphore, #tpu.memory_space<semaphore_mem>>)
    %dma_wait3A = arith.constant 0 : i32
    %dma_wait3A_34 = arith.constant 0 : i32
    %dma_wait3A_35 = tpu.memref_slice %arg4[%dma_wait3A, %dma_wait3A_34] : memref<10240x128xf32, #tpu.memory_space<hbm>> -> memref<10240x128xf32, #tpu.memory_space<hbm>>
    tpu.wait_indirect_dma semaphore(%arg14 : memref<!tpu.dma_semaphore, #tpu.memory_space<semaphore_mem>>) src(%dma_wait3A_35 : memref<10240x128xf32, #tpu.memory_space<hbm>>) dst(%arg10 : memref<80x128xf32, #tpu.memory_space<vmem>>)
    "tpu.region"() ({
      %run_scoped3A = tpu.sem_alloc : memref<!tpu.dma_semaphore, #tpu.memory_space<semaphore_mem>>
      %dma_start3A_65 = arith.constant 0 : i32
      %dma_start3A_66 = arith.constant 0 : i32
      %dma_start3A_67 = tpu.memref_slice %arg13[%dma_start3A_65, %dma_start3A_66] : memref<10240x128xf32, #tpu.memory_space<vmem_shared>> -> memref<10240x128xf32, #tpu.memory_space<vmem_shared>>
      tpu.enqueue_indirect_dma source(%arg10 : memref<80x128xf32, #tpu.memory_space<vmem>>) target(%dma_start3A_67 : memref<10240x128xf32, #tpu.memory_space<vmem_shared>>) offsets(%arg8 : memref<80xi32, #tpu.memory_space<vmem>>) semaphore(%run_scoped3A : memref<!tpu.dma_semaphore, #tpu.memory_space<semaphore_mem>>) {add = true}
      %dma_wait3A_68 = arith.constant 0 : i32
      %dma_wait3A_69 = arith.constant 0 : i32
      %dma_wait3A_70 = tpu.memref_slice %arg13[%dma_wait3A_68, %dma_wait3A_69] : memref<10240x128xf32, #tpu.memory_space<vmem_shared>> -> memref<10240x128xf32, #tpu.memory_space<vmem_shared>>
      tpu.wait_indirect_dma semaphore(%run_scoped3A : memref<!tpu.dma_semaphore, #tpu.memory_space<semaphore_mem>>) src(%arg10 : memref<80x128xf32, #tpu.memory_space<vmem>>) dst(%dma_wait3A_70 : memref<10240x128xf32, #tpu.memory_space<vmem_shared>>)
      tpu.yield
    }) : () -> ()
    %add3A_36 = arith.constant 9920 : i32
    %add3A_37 = arith.addi %mul3A_16, %add3A_36 : i32
    %multiple_of3A_38 = tpu.assume_multiple %add3A_37, 80 : i32
    "tpu.region"() ({
      %run_scoped3A = tpu.sem_alloc : memref<!tpu.dma_semaphore, #tpu.memory_space<semaphore_mem>>
      %dma_start3A_65 = tpu.memref_slice %arg2[%multiple_of3A_38] : memref<320000xi32, #tpu.memory_space<hbm>> -> memref<80xi32, #tpu.memory_space<hbm>>
      %dma_start3A_66 = tpu.memref_slice %arg2[%multiple_of3A_38] : memref<320000xi32, #tpu.memory_space<hbm>> -> memref<80xi32, #tpu.memory_space<hbm>>
      tpu.enqueue_dma source(%dma_start3A_66 : memref<80xi32, #tpu.memory_space<hbm>>) target(%arg6 : memref<80xi32, #tpu.memory_space<vmem>>) target_semaphore(%run_scoped3A : memref<!tpu.dma_semaphore, #tpu.memory_space<semaphore_mem>>)
      %dma_wait3A_67 = tpu.memref_slice %arg2[%multiple_of3A_38] : memref<320000xi32, #tpu.memory_space<hbm>> -> memref<80xi32, #tpu.memory_space<hbm>>
      %dma_wait3A_68 = tpu.memref_slice %arg2[%multiple_of3A_38] : memref<320000xi32, #tpu.memory_space<hbm>> -> memref<80xi32, #tpu.memory_space<hbm>>
      tpu.wait_dma2 semaphore(%run_scoped3A : memref<!tpu.dma_semaphore, #tpu.memory_space<semaphore_mem>>) src(%dma_wait3A_68 : memref<80xi32, #tpu.memory_space<hbm>>) dst(%arg6 : memref<80xi32, #tpu.memory_space<vmem>>)
      tpu.yield
    }) : () -> ()
    "tpu.region"() ({
      %run_scoped3A = tpu.sem_alloc : memref<!tpu.dma_semaphore, #tpu.memory_space<semaphore_mem>>
      %dma_start3A_65 = tpu.memref_slice %arg3[%multiple_of3A_38] : memref<320000xi32, #tpu.memory_space<hbm>> -> memref<80xi32, #tpu.memory_space<hbm>>
      %dma_start3A_66 = tpu.memref_slice %arg3[%multiple_of3A_38] : memref<320000xi32, #tpu.memory_space<hbm>> -> memref<80xi32, #tpu.memory_space<hbm>>
      tpu.enqueue_dma source(%dma_start3A_66 : memref<80xi32, #tpu.memory_space<hbm>>) target(%arg8 : memref<80xi32, #tpu.memory_space<vmem>>) target_semaphore(%run_scoped3A : memref<!tpu.dma_semaphore, #tpu.memory_space<semaphore_mem>>)
      %dma_wait3A_67 = tpu.memref_slice %arg3[%multiple_of3A_38] : memref<320000xi32, #tpu.memory_space<hbm>> -> memref<80xi32, #tpu.memory_space<hbm>>
      %dma_wait3A_68 = tpu.memref_slice %arg3[%multiple_of3A_38] : memref<320000xi32, #tpu.memory_space<hbm>> -> memref<80xi32, #tpu.memory_space<hbm>>
      tpu.wait_dma2 semaphore(%run_scoped3A : memref<!tpu.dma_semaphore, #tpu.memory_space<semaphore_mem>>) src(%dma_wait3A_68 : memref<80xi32, #tpu.memory_space<hbm>>) dst(%arg8 : memref<80xi32, #tpu.memory_space<vmem>>)
      tpu.yield
    }) : () -> ()
    %dma_start3A_39 = arith.constant 0 : i32
    %dma_start3A_40 = arith.constant 0 : i32
    %dma_start3A_41 = tpu.memref_slice %arg4[%dma_start3A_39, %dma_start3A_40] : memref<10240x128xf32, #tpu.memory_space<hbm>> -> memref<10240x128xf32, #tpu.memory_space<hbm>>
    tpu.enqueue_indirect_dma source(%dma_start3A_41 : memref<10240x128xf32, #tpu.memory_space<hbm>>) target(%arg10 : memref<80x128xf32, #tpu.memory_space<vmem>>) offsets(%arg6 : memref<80xi32, #tpu.memory_space<vmem>>) semaphore(%arg14 : memref<!tpu.dma_semaphore, #tpu.memory_space<semaphore_mem>>)
    %dma_wait3A_42 = arith.constant 0 : i32
    %dma_wait3A_43 = arith.constant 0 : i32
    %dma_wait3A_44 = tpu.memref_slice %arg4[%dma_wait3A_42, %dma_wait3A_43] : memref<10240x128xf32, #tpu.memory_space<hbm>> -> memref<10240x128xf32, #tpu.memory_space<hbm>>
    tpu.wait_indirect_dma semaphore(%arg15 : memref<!tpu.dma_semaphore, #tpu.memory_space<semaphore_mem>>) src(%dma_wait3A_44 : memref<10240x128xf32, #tpu.memory_space<hbm>>) dst(%arg11 : memref<80x128xf32, #tpu.memory_space<vmem>>)
    "tpu.region"() ({
      %run_scoped3A = tpu.sem_alloc : memref<!tpu.dma_semaphore, #tpu.memory_space<semaphore_mem>>
      %dma_start3A_65 = arith.constant 0 : i32
      %dma_start3A_66 = arith.constant 0 : i32
      %dma_start3A_67 = tpu.memref_slice %arg13[%dma_start3A_65, %dma_start3A_66] : memref<10240x128xf32, #tpu.memory_space<vmem_shared>> -> memref<10240x128xf32, #tpu.memory_space<vmem_shared>>
      tpu.enqueue_indirect_dma source(%arg11 : memref<80x128xf32, #tpu.memory_space<vmem>>) target(%dma_start3A_67 : memref<10240x128xf32, #tpu.memory_space<vmem_shared>>) offsets(%arg9 : memref<80xi32, #tpu.memory_space<vmem>>) semaphore(%run_scoped3A : memref<!tpu.dma_semaphore, #tpu.memory_space<semaphore_mem>>) {add = true}
      %dma_wait3A_68 = arith.constant 0 : i32
      %dma_wait3A_69 = arith.constant 0 : i32
      %dma_wait3A_70 = tpu.memref_slice %arg13[%dma_wait3A_68, %dma_wait3A_69] : memref<10240x128xf32, #tpu.memory_space<vmem_shared>> -> memref<10240x128xf32, #tpu.memory_space<vmem_shared>>
      tpu.wait_indirect_dma semaphore(%run_scoped3A : memref<!tpu.dma_semaphore, #tpu.memory_space<semaphore_mem>>) src(%arg11 : memref<80x128xf32, #tpu.memory_space<vmem>>) dst(%dma_wait3A_70 : memref<10240x128xf32, #tpu.memory_space<vmem_shared>>)
      tpu.yield
    }) : () -> ()
    %dma_wait3A_45 = arith.constant 0 : i32
    %dma_wait3A_46 = arith.constant 0 : i32
    %dma_wait3A_47 = tpu.memref_slice %arg4[%dma_wait3A_45, %dma_wait3A_46] : memref<10240x128xf32, #tpu.memory_space<hbm>> -> memref<10240x128xf32, #tpu.memory_space<hbm>>
    tpu.wait_indirect_dma semaphore(%arg14 : memref<!tpu.dma_semaphore, #tpu.memory_space<semaphore_mem>>) src(%dma_wait3A_47 : memref<10240x128xf32, #tpu.memory_space<hbm>>) dst(%arg10 : memref<80x128xf32, #tpu.memory_space<vmem>>)
    "tpu.region"() ({
      %run_scoped3A = tpu.sem_alloc : memref<!tpu.dma_semaphore, #tpu.memory_space<semaphore_mem>>
      %dma_start3A_65 = arith.constant 0 : i32
      %dma_start3A_66 = arith.constant 0 : i32
      %dma_start3A_67 = tpu.memref_slice %arg13[%dma_start3A_65, %dma_start3A_66] : memref<10240x128xf32, #tpu.memory_space<vmem_shared>> -> memref<10240x128xf32, #tpu.memory_space<vmem_shared>>
      tpu.enqueue_indirect_dma source(%arg10 : memref<80x128xf32, #tpu.memory_space<vmem>>) target(%dma_start3A_67 : memref<10240x128xf32, #tpu.memory_space<vmem_shared>>) offsets(%arg8 : memref<80xi32, #tpu.memory_space<vmem>>) semaphore(%run_scoped3A : memref<!tpu.dma_semaphore, #tpu.memory_space<semaphore_mem>>) {add = true}
      %dma_wait3A_68 = arith.constant 0 : i32
      %dma_wait3A_69 = arith.constant 0 : i32
      %dma_wait3A_70 = tpu.memref_slice %arg13[%dma_wait3A_68, %dma_wait3A_69] : memref<10240x128xf32, #tpu.memory_space<vmem_shared>> -> memref<10240x128xf32, #tpu.memory_space<vmem_shared>>
      tpu.wait_indirect_dma semaphore(%run_scoped3A : memref<!tpu.dma_semaphore, #tpu.memory_space<semaphore_mem>>) src(%arg10 : memref<80x128xf32, #tpu.memory_space<vmem>>) dst(%dma_wait3A_70 : memref<10240x128xf32, #tpu.memory_space<vmem_shared>>)
      tpu.yield
    }) : () -> ()
    %barrier3A_48 = arith.constant 0 : index
    tpu.barrier barrier_id(%barrier3A_48)
    %mul3A_49 = arith.constant 320 : i32
    %mul3A_50 = arith.muli %arg1, %mul3A_49 : i32
    %add3A_51 = arith.constant 0 : i32
    %add3A_52 = arith.addi %mul3A_50, %add3A_51 : i32
    %mul3A_53 = arith.constant 320 : i32
    %mul3A_54 = arith.muli %arg1, %mul3A_53 : i32
    %add3A_55 = arith.constant 0 : i32
    %add3A_56 = arith.addi %mul3A_54, %add3A_55 : i32
    "tpu.region"() ({
      %run_scoped3A = tpu.sem_alloc : memref<!tpu.dma_semaphore, #tpu.memory_space<semaphore_mem>>
      %dma_start3A_65 = arith.constant 0 : i32
      %dma_start3A_66 = tpu.memref_slice %arg5[%arg0, %add3A_56, %dma_start3A_65] : memref<2x10240x128xf32, #tpu.memory_space<hbm>> -> memref<1x128x128xf32, #tpu.memory_space<hbm>>
      %dma_start3A_67 = tpu.memref_squeeze %dma_start3A_66 : memref<1x128x128xf32, #tpu.memory_space<hbm>> -> memref<128x128xf32, #tpu.memory_space<hbm>>
      %dma_start3A_68 = arith.constant 0 : i32
      %dma_start3A_69 = tpu.memref_slice %arg13[%add3A_52, %dma_start3A_68] : memref<10240x128xf32, #tpu.memory_space<vmem_shared>> -> memref<128x128xf32, #tpu.memory_space<vmem_shared>>
      tpu.enqueue_dma source(%dma_start3A_69 : memref<128x128xf32, #tpu.memory_space<vmem_shared>>) target(%dma_start3A_67 : memref<128x128xf32, #tpu.memory_space<hbm>>) target_semaphore(%run_scoped3A : memref<!tpu.dma_semaphore, #tpu.memory_space<semaphore_mem>>)
      %dma_wait3A_70 = arith.constant 0 : i32
      %dma_wait3A_71 = tpu.memref_slice %arg5[%arg0, %add3A_56, %dma_wait3A_70] : memref<2x10240x128xf32, #tpu.memory_space<hbm>> -> memref<1x128x128xf32, #tpu.memory_space<hbm>>
      %dma_wait3A_72 = tpu.memref_squeeze %dma_wait3A_71 : memref<1x128x128xf32, #tpu.memory_space<hbm>> -> memref<128x128xf32, #tpu.memory_space<hbm>>
      %dma_wait3A_73 = arith.constant 0 : i32
      %dma_wait3A_74 = tpu.memref_slice %arg13[%add3A_52, %dma_wait3A_73] : memref<10240x128xf32, #tpu.memory_space<vmem_shared>> -> memref<128x128xf32, #tpu.memory_space<vmem_shared>>
      tpu.wait_dma2 semaphore(%run_scoped3A : memref<!tpu.dma_semaphore, #tpu.memory_space<semaphore_mem>>) src(%dma_wait3A_74 : memref<128x128xf32, #tpu.memory_space<vmem_shared>>) dst(%dma_wait3A_72 : memref<128x128xf32, #tpu.memory_space<hbm>>)
      tpu.yield
    }) : () -> ()
    %mul3A_57 = arith.constant 320 : i32
    %mul3A_58 = arith.muli %arg1, %mul3A_57 : i32
    %add3A_59 = arith.constant 128 : i32
    %add3A_60 = arith.addi %mul3A_58, %add3A_59 : i32
    %mul3A_61 = arith.constant 320 : i32
    %mul3A_62 = arith.muli %arg1, %mul3A_61 : i32
    %add3A_63 = arith.constant 128 : i32
    %add3A_64 = arith.addi %mul3A_62, %add3A_63 : i32
    "tpu.region"() ({
      %run_scoped3A = tpu.sem_alloc : memref<!tpu.dma_semaphore, #tpu.memory_space<semaphore_mem>>
      %dma_start3A_65 = arith.constant 0 : i32
      %dma_start3A_66 = tpu.memref_slice %arg5[%arg0, %add3A_64, %dma_start3A_65] : memref<2x10240x128xf32, #tpu.memory_space<hbm>> -> memref<1x128x128xf32, #tpu.memory_space<hbm>>
      %dma_start3A_67 = tpu.memref_squeeze %dma_start3A_66 : memref<1x128x128xf32, #tpu.memory_space<hbm>> -> memref<128x128xf32, #tpu.memory_space<hbm>>
      %dma_start3A_68 = arith.constant 0 : i32
      %dma_start3A_69 = tpu.memref_slice %arg13[%add3A_60, %dma_start3A_68] : memref<10240x128xf32, #tpu.memory_space<vmem_shared>> -> memref<128x128xf32, #tpu.memory_space<vmem_shared>>
      tpu.enqueue_dma source(%dma_start3A_69 : memref<128x128xf32, #tpu.memory_space<vmem_shared>>) target(%dma_start3A_67 : memref<128x128xf32, #tpu.memory_space<hbm>>) target_semaphore(%run_scoped3A : memref<!tpu.dma_semaphore, #tpu.memory_space<semaphore_mem>>)
      %dma_wait3A_70 = arith.constant 0 : i32
      %dma_wait3A_71 = tpu.memref_slice %arg5[%arg0, %add3A_64, %dma_wait3A_70] : memref<2x10240x128xf32, #tpu.memory_space<hbm>> -> memref<1x128x128xf32, #tpu.memory_space<hbm>>
      %dma_wait3A_72 = tpu.memref_squeeze %dma_wait3A_71 : memref<1x128x128xf32, #tpu.memory_space<hbm>> -> memref<128x128xf32, #tpu.memory_space<hbm>>
      %dma_wait3A_73 = arith.constant 0 : i32
      %dma_wait3A_74 = tpu.memref_slice %arg13[%add3A_60, %dma_wait3A_73] : memref<10240x128xf32, #tpu.memory_space<vmem_shared>> -> memref<128x128xf32, #tpu.memory_space<vmem_shared>>
      tpu.wait_dma2 semaphore(%run_scoped3A : memref<!tpu.dma_semaphore, #tpu.memory_space<semaphore_mem>>) src(%dma_wait3A_74 : memref<128x128xf32, #tpu.memory_space<vmem_shared>>) dst(%dma_wait3A_72 : memref<128x128xf32, #tpu.memory_space<hbm>>)
      tpu.yield
    }) : () -> ()
    return
  }
}

module attributes {stable_mosaic.version = 14 : i64} {
  func.func @_scale_body(%arg0: i32, %arg1: memref<2x1024x16xf32, #tpu.memory_space<vmem>>, %arg2: memref<1024x128xf32, #tpu.memory_space<vmem>>, %arg3: memref<1024x1xf32, #tpu.memory_space<vmem>>, %arg4: memref<1024x128xf32, #tpu.memory_space<vmem>>) attributes {dimension_semantics = [#tpu.dimension_semantics<arbitrary>], iteration_bounds = array<i64: 10>, scalar_prefetch = 0 : i64, scratch_operands = 0 : i64, tpu.core_type = #tpu.core_type<tc>, window_params = [{transform_indices = @transform_0, window_bounds = array<i64: 2, 1024, 16>}, {transform_indices = @transform_1, window_bounds = array<i64: 1024, 128>}, {transform_indices = @transform_2, window_bounds = array<i64: 1024, 1>}, {transform_indices = @transform_3, window_bounds = array<i64: 1024, 128>}]} {
    %get3A = arith.constant 0 : index
    %get3A_0 = arith.constant 0 : index
    %get3A_1 = arith.constant 0 : index
    %get3A_2 = vector.load %arg1[%get3A, %get3A_0, %get3A_1] : memref<2x1024x16xf32, #tpu.memory_space<vmem>>, vector<1x1024x1xf32>
    %get3A_3 = vector.shape_cast %get3A_2 : vector<1x1024x1xf32> to vector<1024x1xf32>
    %get3A_4 = arith.constant 1 : index
    %get3A_5 = arith.constant 0 : index
    %get3A_6 = arith.constant 0 : index
    %get3A_7 = vector.load %arg1[%get3A_4, %get3A_5, %get3A_6] : memref<2x1024x16xf32, #tpu.memory_space<vmem>>, vector<1x1024x1xf32>
    %get3A_8 = vector.shape_cast %get3A_7 : vector<1x1024x1xf32> to vector<1024x1xf32>
    %add3A = arith.addf %get3A_3, %get3A_8 : vector<1024x1xf32>
    %max3A = arith.constant 1.000000e+00 : f32
    %max3A_9 = vector.broadcast %max3A : f32 to vector<1024x1xf32>
    %max3A_10 = arith.maximumf %add3A, %max3A_9 : vector<1024x1xf32>
    %rsqrt3A = math.rsqrt %max3A_10 : vector<1024x1xf32>
    %swap3A = arith.constant 0 : index
    %swap3A_11 = arith.constant 0 : index
    %swap3A_12 = vector.load %arg3[%swap3A, %swap3A_11] : memref<1024x1xf32, #tpu.memory_space<vmem>>, vector<1024x1xf32>
    tpu.vector_store %arg3[%swap3A, %swap3A_11], %rsqrt3A {strides = array<i32>} : memref<1024x1xf32, #tpu.memory_space<vmem>>, vector<1024x1xf32>,
    %get3A_13 = arith.constant 0 : index
    %get3A_14 = arith.constant 0 : index
    %get3A_15 = vector.load %arg2[%get3A_13, %get3A_14] : memref<1024x128xf32, #tpu.memory_space<vmem>>, vector<1024x128xf32>
    %mul3A = vector.broadcast %rsqrt3A : vector<1024x1xf32> to vector<1024x128xf32>
    %mul3A_16 = arith.mulf %get3A_15, %mul3A : vector<1024x128xf32>
    %swap3A_17 = arith.constant 0 : index
    %swap3A_18 = arith.constant 0 : index
    %swap3A_19 = vector.load %arg4[%swap3A_17, %swap3A_18] : memref<1024x128xf32, #tpu.memory_space<vmem>>, vector<1024x128xf32>
    tpu.vector_store %arg4[%swap3A_17, %swap3A_18], %mul3A_16 {strides = array<i32>} : memref<1024x128xf32, #tpu.memory_space<vmem>>, vector<1024x128xf32>,
    return
  }
  func.func @transform_0(%arg0: i32) -> (i32, i32, i32) {
    %c0_i32 = arith.constant 0 : i32
    %c0_i32_0 = arith.constant 0 : i32
    %c0_i32_1 = arith.constant 0 : i32
    return %c0_i32, %arg0, %c0_i32_0 : i32, i32, i32
  }
  func.func @transform_1(%arg0: i32) -> (i32, i32) {
    %c0_i32 = arith.constant 0 : i32
    %c0_i32_0 = arith.constant 0 : i32
    return %arg0, %c0_i32 : i32, i32
  }
  func.func @transform_2(%arg0: i32) -> (i32, i32) {
    %c0_i32 = arith.constant 0 : i32
    %c0_i32_0 = arith.constant 0 : i32
    return %arg0, %c0_i32 : i32, i32
  }
  func.func @transform_3(%arg0: i32) -> (i32, i32) {
    %c0_i32 = arith.constant 0 : i32
    %c0_i32_0 = arith.constant 0 : i32
    return %arg0, %c0_i32 : i32, i32
  }
}

module attributes {stable_mosaic.version = 14 : i64} {
  func.func @_combine_body(%arg0: i32, %arg1: memref<2x1024x128xf32, #tpu.memory_space<vmem>>, %arg2: memref<1024x1xf32, #tpu.memory_space<vmem>>, %arg3: memref<1024x128xf32, #tpu.memory_space<vmem>>, %arg4: memref<1024x128xf32, #tpu.memory_space<vmem>>) attributes {dimension_semantics = [#tpu.dimension_semantics<arbitrary>], iteration_bounds = array<i64: 10>, scalar_prefetch = 0 : i64, scratch_operands = 0 : i64, tpu.core_type = #tpu.core_type<tc>, window_params = [{transform_indices = @transform_0, window_bounds = array<i64: 2, 1024, 128>}, {transform_indices = @transform_1, window_bounds = array<i64: 1024, 1>}, {transform_indices = @transform_2, window_bounds = array<i64: 1024, 128>}, {transform_indices = @transform_3, window_bounds = array<i64: 1024, 128>}]} {
    %get3A = arith.constant 0 : index
    %get3A_0 = arith.constant 0 : index
    %get3A_1 = vector.load %arg2[%get3A, %get3A_0] : memref<1024x1xf32, #tpu.memory_space<vmem>>, vector<1024x1xf32>
    %neg3A = arith.constant 0.000000e+00 : f32
    %neg3A_2 = vector.broadcast %neg3A : f32 to vector<1024x1xf32>
    %neg3A_3 = arith.subf %neg3A_2, %get3A_1 : vector<1024x1xf32>
    %get3A_4 = arith.constant 0 : index
    %get3A_5 = arith.constant 0 : index
    %get3A_6 = arith.constant 0 : index
    %get3A_7 = vector.load %arg1[%get3A_4, %get3A_5, %get3A_6] : memref<2x1024x128xf32, #tpu.memory_space<vmem>>, vector<1x1024x128xf32>
    %get3A_8 = vector.shape_cast %get3A_7 : vector<1x1024x128xf32> to vector<1024x128xf32>
    %get3A_9 = arith.constant 1 : index
    %get3A_10 = arith.constant 0 : index
    %get3A_11 = arith.constant 0 : index
    %get3A_12 = vector.load %arg1[%get3A_9, %get3A_10, %get3A_11] : memref<2x1024x128xf32, #tpu.memory_space<vmem>>, vector<1x1024x128xf32>
    %get3A_13 = vector.shape_cast %get3A_12 : vector<1x1024x128xf32> to vector<1024x128xf32>
    %add3A = arith.addf %get3A_8, %get3A_13 : vector<1024x128xf32>
    %mul3A = vector.broadcast %neg3A_3 : vector<1024x1xf32> to vector<1024x128xf32>
    %mul3A_14 = arith.mulf %mul3A, %add3A : vector<1024x128xf32>
    %swap3A = arith.constant 0 : index
    %swap3A_15 = arith.constant 0 : index
    %swap3A_16 = vector.load %arg3[%swap3A, %swap3A_15] : memref<1024x128xf32, #tpu.memory_space<vmem>>, vector<1024x128xf32>
    tpu.vector_store %arg3[%swap3A, %swap3A_15], %mul3A_14 {strides = array<i32>} : memref<1024x128xf32, #tpu.memory_space<vmem>>, vector<1024x128xf32>,
    %mul3A_17 = vector.broadcast %get3A_1 : vector<1024x1xf32> to vector<1024x128xf32>
    %mul3A_18 = arith.mulf %mul3A_17, %mul3A_14 : vector<1024x128xf32>
    %swap3A_19 = arith.constant 0 : index
    %swap3A_20 = arith.constant 0 : index
    %swap3A_21 = vector.load %arg4[%swap3A_19, %swap3A_20] : memref<1024x128xf32, #tpu.memory_space<vmem>>, vector<1024x128xf32>
    tpu.vector_store %arg4[%swap3A_19, %swap3A_20], %mul3A_18 {strides = array<i32>} : memref<1024x128xf32, #tpu.memory_space<vmem>>, vector<1024x128xf32>,
    return
  }
  func.func @transform_0(%arg0: i32) -> (i32, i32, i32) {
    %c0_i32 = arith.constant 0 : i32
    %c0_i32_0 = arith.constant 0 : i32
    %c0_i32_1 = arith.constant 0 : i32
    return %c0_i32, %arg0, %c0_i32_0 : i32, i32, i32
  }
  func.func @transform_1(%arg0: i32) -> (i32, i32) {
    %c0_i32 = arith.constant 0 : i32
    %c0_i32_0 = arith.constant 0 : i32
    return %arg0, %c0_i32 : i32, i32
  }
  func.func @transform_2(%arg0: i32) -> (i32, i32) {
    %c0_i32 = arith.constant 0 : i32
    %c0_i32_0 = arith.constant 0 : i32
    return %arg0, %c0_i32 : i32, i32
  }
  func.func @transform_3(%arg0: i32) -> (i32, i32) {
    %c0_i32 = arith.constant 0 : i32
    %c0_i32_0 = arith.constant 0 : i32
    return %arg0, %c0_i32 : i32, i32
  }
}

module attributes {stable_mosaic.version = 14 : i64} {
  func.func @_final_body(%arg0: i32, %arg1: memref<1024x128xf32, #tpu.memory_space<vmem>>, %arg2: memref<1024x128xf32, #tpu.memory_space<vmem>>, %arg3: memref<2x1024x128xf32, #tpu.memory_space<vmem>>, %arg4: memref<1024x1xf32, #tpu.memory_space<vmem>>, %arg5: memref<1024x3xf32, #tpu.memory_space<vmem>>, %arg6: memref<3x128x128xf32, #tpu.memory_space<vmem>>, %arg7: memref<1x128xf32, #tpu.memory_space<vmem>>, %arg8: memref<1024x128xf32, #tpu.memory_space<vmem>>) attributes {dimension_semantics = [#tpu.dimension_semantics<arbitrary>], iteration_bounds = array<i64: 10>, scalar_prefetch = 0 : i64, scratch_operands = 0 : i64, tpu.core_type = #tpu.core_type<tc>, window_params = [{transform_indices = @transform_0, window_bounds = array<i64: 1024, 128>}, {transform_indices = @transform_1, window_bounds = array<i64: 1024, 128>}, {transform_indices = @transform_2, window_bounds = array<i64: 2, 1024, 128>}, {transform_indices = @transform_3, window_bounds = array<i64: 1024, 1>}, {transform_indices = @transform_4, window_bounds = array<i64: 1024, 3>}, {pipeline_mode = #tpu.pipeline_mode<synchronous>, transform_indices = @transform_5, window_bounds = array<i64: 3, 128, 128>}, {pipeline_mode = #tpu.pipeline_mode<synchronous>, transform_indices = @transform_6, window_bounds = array<i64: 1, 128>}, {transform_indices = @transform_7, window_bounds = array<i64: 1024, 128>}]} {
    %get3A = arith.constant 0 : index
    %get3A_0 = arith.constant 0 : index
    %get3A_1 = vector.load %arg4[%get3A, %get3A_0] : memref<1024x1xf32, #tpu.memory_space<vmem>>, vector<1024x1xf32>
    %mul3A = arith.constant -2.000000e+00 : f32
    %mul3A_2 = vector.broadcast %mul3A : f32 to vector<1024x1xf32>
    %mul3A_3 = arith.mulf %mul3A_2, %get3A_1 : vector<1024x1xf32>
    %get3A_4 = arith.constant 0 : index
    %get3A_5 = arith.constant 0 : index
    %get3A_6 = arith.constant 0 : index
    %get3A_7 = vector.load %arg3[%get3A_4, %get3A_5, %get3A_6] : memref<2x1024x128xf32, #tpu.memory_space<vmem>>, vector<1x1024x128xf32>
    %get3A_8 = vector.shape_cast %get3A_7 : vector<1x1024x128xf32> to vector<1024x128xf32>
    %get3A_9 = arith.constant 1 : index
    %get3A_10 = arith.constant 0 : index
    %get3A_11 = arith.constant 0 : index
    %get3A_12 = vector.load %arg3[%get3A_9, %get3A_10, %get3A_11] : memref<2x1024x128xf32, #tpu.memory_space<vmem>>, vector<1x1024x128xf32>
    %get3A_13 = vector.shape_cast %get3A_12 : vector<1x1024x128xf32> to vector<1024x128xf32>
    %add3A = arith.addf %get3A_8, %get3A_13 : vector<1024x128xf32>
    %mul3A_14 = vector.broadcast %mul3A_3 : vector<1024x1xf32> to vector<1024x128xf32>
    %mul3A_15 = arith.mulf %mul3A_14, %add3A : vector<1024x128xf32>
    %get3A_16 = arith.constant 0 : index
    %get3A_17 = arith.constant 0 : index
    %get3A_18 = vector.load %arg1[%get3A_16, %get3A_17] : memref<1024x128xf32, #tpu.memory_space<vmem>>, vector<1024x128xf32>
    %sub3A = arith.subf %mul3A_15, %get3A_18 : vector<1024x128xf32>
    %get3A_19 = arith.constant 0 : index
    %get3A_20 = arith.constant 0 : index
    %get3A_21 = vector.load %arg5[%get3A_19, %get3A_20] : memref<1024x3xf32, #tpu.memory_space<vmem>>, vector<1024x1xf32>
    %get3A_22 = arith.constant 0 : index
    %get3A_23 = arith.constant 0 : index
    %get3A_24 = vector.load %arg1[%get3A_22, %get3A_23] : memref<1024x128xf32, #tpu.memory_space<vmem>>, vector<1024x128xf32>
    %mul3A_25 = vector.broadcast %get3A_21 : vector<1024x1xf32> to vector<1024x128xf32>
    %mul3A_26 = arith.mulf %mul3A_25, %get3A_24 : vector<1024x128xf32>
    %get3A_27 = arith.constant 0 : index
    %get3A_28 = arith.constant 0 : index
    %get3A_29 = arith.constant 0 : index
    %get3A_30 = vector.load %arg6[%get3A_27, %get3A_28, %get3A_29] : memref<3x128x128xf32, #tpu.memory_space<vmem>>, vector<1x128x128xf32>
    %get3A_31 = vector.shape_cast %get3A_30 : vector<1x128x128xf32> to vector<128x128xf32>
    %dot_general3A = arith.constant dense<0.000000e+00> : vector<1024x128xf32>
    %dot_general3A_32 = tpu.matmul %mul3A_26, %get3A_31, %dot_general3A {dimension_numbers = #tpu.dot_dimension_numbers<[1], [0], [0], [1], [0, 0, 1, 1], [], []>, transpose_lhs_hint = false} : vector<1024x128xf32>, vector<128x128xf32>, vector<1024x128xf32> -> vector<1024x128xf32>
    %get3A_33 = arith.constant 0 : index
    %get3A_34 = arith.constant 1 : index
    %get3A_35 = vector.load %arg5[%get3A_33, %get3A_34] : memref<1024x3xf32, #tpu.memory_space<vmem>>, vector<1024x1xf32>
    %get3A_36 = arith.constant 0 : index
    %get3A_37 = arith.constant 0 : index
    %get3A_38 = vector.load %arg2[%get3A_36, %get3A_37] : memref<1024x128xf32, #tpu.memory_space<vmem>>, vector<1024x128xf32>
    %mul3A_39 = vector.broadcast %get3A_35 : vector<1024x1xf32> to vector<1024x128xf32>
    %mul3A_40 = arith.mulf %mul3A_39, %get3A_38 : vector<1024x128xf32>
    %get3A_41 = arith.constant 1 : index
    %get3A_42 = arith.constant 0 : index
    %get3A_43 = arith.constant 0 : index
    %get3A_44 = vector.load %arg6[%get3A_41, %get3A_42, %get3A_43] : memref<3x128x128xf32, #tpu.memory_space<vmem>>, vector<1x128x128xf32>
    %get3A_45 = vector.shape_cast %get3A_44 : vector<1x128x128xf32> to vector<128x128xf32>
    %dot_general3A_46 = arith.constant dense<0.000000e+00> : vector<1024x128xf32>
    %dot_general3A_47 = tpu.matmul %mul3A_40, %get3A_45, %dot_general3A_46 {dimension_numbers = #tpu.dot_dimension_numbers<[1], [0], [0], [1], [0, 0, 1, 1], [], []>, transpose_lhs_hint = false} : vector<1024x128xf32>, vector<128x128xf32>, vector<1024x128xf32> -> vector<1024x128xf32>
    %add3A_48 = arith.addf %dot_general3A_32, %dot_general3A_47 : vector<1024x128xf32>
    %get3A_49 = arith.constant 0 : index
    %get3A_50 = arith.constant 2 : index
    %get3A_51 = vector.load %arg5[%get3A_49, %get3A_50] : memref<1024x3xf32, #tpu.memory_space<vmem>>, vector<1024x1xf32>
    %mul3A_52 = vector.broadcast %get3A_51 : vector<1024x1xf32> to vector<1024x128xf32>
    %mul3A_53 = arith.mulf %mul3A_52, %sub3A : vector<1024x128xf32>
    %get3A_54 = arith.constant 2 : index
    %get3A_55 = arith.constant 0 : index
    %get3A_56 = arith.constant 0 : index
    %get3A_57 = vector.load %arg6[%get3A_54, %get3A_55, %get3A_56] : memref<3x128x128xf32, #tpu.memory_space<vmem>>, vector<1x128x128xf32>
    %get3A_58 = vector.shape_cast %get3A_57 : vector<1x128x128xf32> to vector<128x128xf32>
    %dot_general3A_59 = arith.constant dense<0.000000e+00> : vector<1024x128xf32>
    %dot_general3A_60 = tpu.matmul %mul3A_53, %get3A_58, %dot_general3A_59 {dimension_numbers = #tpu.dot_dimension_numbers<[1], [0], [0], [1], [0, 0, 1, 1], [], []>, transpose_lhs_hint = false} : vector<1024x128xf32>, vector<128x128xf32>, vector<1024x128xf32> -> vector<1024x128xf32>
    %add3A_61 = arith.addf %add3A_48, %dot_general3A_60 : vector<1024x128xf32>
    %get3A_62 = arith.constant 0 : index
    %get3A_63 = arith.constant 0 : index
    %get3A_64 = vector.load %arg7[%get3A_62, %get3A_63] : memref<1x128xf32, #tpu.memory_space<vmem>>, vector<1x128xf32>
    %add3A_65 = vector.broadcast %get3A_64 : vector<1x128xf32> to vector<1024x128xf32>
    %add3A_66 = arith.addf %add3A_61, %add3A_65 : vector<1024x128xf32>
    %swap3A = arith.constant 0 : index
    %swap3A_67 = arith.constant 0 : index
    %swap3A_68 = vector.load %arg8[%swap3A, %swap3A_67] : memref<1024x128xf32, #tpu.memory_space<vmem>>, vector<1024x128xf32>
    tpu.vector_store %arg8[%swap3A, %swap3A_67], %add3A_66 {strides = array<i32>} : memref<1024x128xf32, #tpu.memory_space<vmem>>, vector<1024x128xf32>,
    return
  }
  func.func @transform_0(%arg0: i32) -> (i32, i32) {
    %c0_i32 = arith.constant 0 : i32
    %c0_i32_0 = arith.constant 0 : i32
    return %arg0, %c0_i32 : i32, i32
  }
  func.func @transform_1(%arg0: i32) -> (i32, i32) {
    %c0_i32 = arith.constant 0 : i32
    %c0_i32_0 = arith.constant 0 : i32
    return %arg0, %c0_i32 : i32, i32
  }
  func.func @transform_2(%arg0: i32) -> (i32, i32, i32) {
    %c0_i32 = arith.constant 0 : i32
    %c0_i32_0 = arith.constant 0 : i32
    %c0_i32_1 = arith.constant 0 : i32
    return %c0_i32, %arg0, %c0_i32_0 : i32, i32, i32
  }
  func.func @transform_3(%arg0: i32) -> (i32, i32) {
    %c0_i32 = arith.constant 0 : i32
    %c0_i32_0 = arith.constant 0 : i32
    return %arg0, %c0_i32 : i32, i32
  }
  func.func @transform_4(%arg0: i32) -> (i32, i32) {
    %c0_i32 = arith.constant 0 : i32
    %c0_i32_0 = arith.constant 0 : i32
    return %arg0, %c0_i32 : i32, i32
  }
  func.func @transform_5(%arg0: i32) -> (i32, i32, i32) {
    %c0_i32 = arith.constant 0 : i32
    %c0_i32_0 = arith.constant 0 : i32
    %c0_i32_1 = arith.constant 0 : i32
    %c0_i32_2 = arith.constant 0 : i32
    return %c0_i32, %c0_i32_0, %c0_i32_1 : i32, i32, i32
  }
  func.func @transform_6(%arg0: i32) -> (i32, i32) {
    %c0_i32 = arith.constant 0 : i32
    %c0_i32_0 = arith.constant 0 : i32
    %c0_i32_1 = arith.constant 0 : i32
    return %c0_i32, %c0_i32_0 : i32, i32
  }
  func.func @transform_7(%arg0: i32) -> (i32, i32) {
    %c0_i32 = arith.constant 0 : i32
    %c0_i32_0 = arith.constant 0 : i32
    return %arg0, %c0_i32 : i32, i32
  }
}

</mosaic_0001>

<sc_bundles>
// kernel: kernel.11.cloned.1.call-start
scs
__scs_entry_jumppad:
0x0: {  	(pc) =	sbr.rel $0x88, $3  }
0x1: {  	(tag) =	ssettag $0x0;
	lr =	simm.s32 $0x1  }
0x2: {  	[smem:$0x3F9C] =	sst lr;
	_ =	strace $0xD0000000  }
0x3: {  	_ = 	snop  }
0x4: {  	_ = 	snop  }
0x5: {  	_ = 	snop  }
0x6: {  	_ = 	snop  }
0x7: {  	_ = 	snop  }
__scs_overlays_trampoline_lowered:
0x8: {  	[smem:$0x3FAB] =	sst s0  }
0x9: {  	[smem:$0x3FAC] =	sst s1  }
0xa: {  	[smem:$0x3FAD] =	sst s2  }
0xb: {  	[smem:$0x3FAE] =	sst s3  }
0xc: {  	[smem:$0x3FAF] =	sst s4  }
0xd: {  	[smem:$0x3FB0] =	sst s5  }
0xe: {  	[smem:$0x3FB1] =	sst s6  }
0xf: {  	[smem:$0x3FB2] =	sst s7  }
0x10: {  	[smem:$0x3FB3] =	sst s8  }
0x11: {  	[smem:$0x3FB4] =	sst s9;
	s0 =	simm.s32 @!p0 $0x0  }
0x12: {  	s1 =	sld [smem:$0x3F9A];
	s0 =	simm.s32 @p0 $0x1  }
0x13: {  	[smem:$0x3FB5] =	sst s0;
	s0 =	simm.s32 @!p1 $0x0  }
0x14: {  	s2 =	sld [smem:$0x3F99];
	s0 =	simm.s32 @p1 $0x1  }
0x15: {  	[smem:$0x3FB6] =	sst s0;
	s0 =	simm.s32 @!p2 $0x0  }
0x16: {  	s3 =	sld [smem:$0x3FDB];
	s0 =	simm.s32 @p2 $0x1  }
0x17: {  	s4 =	simm.s32 $0x1BF5;
	[smem:$0x3FB8] =	sst s0  }
0x18: {  	s0 =	sld [smem:$0x3F9B];
	_ =	swait.ge [sflag:s4], $0x0  }
0x19: {  	s7 =	sld [smem:$0x3F9C]  }
0x1a: {  	s8 =	sadd.s32 $0xFFFFE003, lr  }
0x1b: {  	s9 =	sadd.s32 $0xFFFFFEF7, lr;
	s5 =	simm.s32 $0xFFFFFFFF;
	p2 =	slt.u32 s8, $0xFFFFF086  }
0x1c: {  	p1 =	slt.u32 s9, $0xF7A;
	s5 =	simm.s32 @!p2 $0x0  }
0x1d: {  	s5 =	simm.s32 @p1 $0x1;
	p0 =	seq.s32 s7, s2  }
0x1e: {  	s7 =	smul.u32 @!p0 $0xF7A, s2;
	p2 =	seq.s32 @!p0 s5, $0x0  }
0x1f: {  	s9 =	smul.u32 $0xF7A, s1;
	s8 =	simm.s32 @!p0 $0x1BF5;
	p2 =	por !p2, p0  }
0x20: {  	[sflag:s8] =	ssyncset.s32 @!p0 $0xFFFFF086;
	s6 =	sadd.s32 @!p0 s3, s7;
	s7 =	simm.s32 @!p0 $0x108  }
0x21: {  	s3 =	sadd.s32 s3, s9;
	s6 =	sadd.s32 @!p0 $0x88, s6;
	s7 =	simm.s32 @p2 $0x1082  }
0x22: {  	[simem:s7], [sflag:s8] =	dma.local @!p0 [hbm:s6], $0xF7A  }
0x23: {  	s9 =	sor.u32 $0xD0000000, s2;
	s6 =	simm.s32 $0x108;
	_ =	swait.ge @!p0 [sflag:s8], $0x0  }
0x24: {  	s3 =	sadd.s32 $0x88, s3;
	s6 =	simm.s32 @!p1 $0x1082;
	[sflag:s4] =	ssyncset.s32 $0xFFFFF086  }
0x25: {  	[simem:s6], [sflag:s4] =	dma.local [hbm:s3], $0xF7A  }
0x26: {  	[smem:$0x3F9C] =	sst s1;
	(tag) =	ssettag s2;
	_ =	strace s9  }
0x27: {  	s1 =	sld [smem:$0x3FAC]  }
0x28: {  	s2 =	sld [smem:$0x3FAD]  }
0x29: {  	s4 =	sld [smem:$0x3FAF]  }
0x2a: {  	p0 =	seq.s32 s5, $0x0;
	s5 =	sld [smem:$0x3FB0]  }
0x2b: {  	s6 =	sld [smem:$0x3FB1]  }
0x2c: {  	s7 =	sld [smem:$0x3FB2]  }
0x2d: {  	s3 =	simm.s32 $0x108;
	s8 =	sld [smem:$0x3FB3]  }
0x2e: {  	s3 =	simm.s32 @!p0 $0x1082;
	s9 =	sld [smem:$0x3FB4]  }
0x2f: {  	lr =	sadd.s32 s0, s3;
	s0 =	sld [smem:$0x3FAB]  }
0x30: {  	s3 =	sld [smem:$0x3FAE]  }
0x31: {  	[smem:$0x3FB7] =	sst s10  }
0x32: {  	s10 =	sld [smem:$0x3FB5];
	_ =	sdelay $0x3  }
0x33: {  	p0 =	seq.s32 s10, $0x1;
	s10 =	sld [smem:$0x3FB7];
	_ =	sdelay $0x3  }
0x34: {  	[smem:$0x3FB7] =	sst s10  }
0x35: {  	s10 =	sld [smem:$0x3FB6];
	_ =	sdelay $0x3  }
0x36: {  	p1 =	seq.s32 s10, $0x1;
	s10 =	sld [smem:$0x3FB7];
	_ =	sdelay $0x3  }
0x37: {  	[smem:$0x3FB7] =	sst s10  }
0x38: {  	s10 =	sld [smem:$0x3FB8]  }
0x39: {  	_ = 	snop;
	(pc) =	sbr.ind lr, $3  }
0x3a: {  	_ = 	snop  }
0x3b: {  	_ = 	snop  }
0x3c: {  	p2 =	seq.s32 s10, $0x1;
	s10 =	sld [smem:$0x3FB7]  }
0x3d: {  	_ =	shalt  }
0x3e: {  	_ =	shalt  }
0x3f: {  	_ =	shalt  }
0x40: {  	_ =	shalt  }
0x41: {  	_ =	shalt  }
0x42: {  	_ =	shalt  }
0x43: {  	_ =	shalt  }
0x44: {  	_ =	shalt  }
0x45: {  	_ =	shalt  }
0x46: {  	_ =	shalt  }
0x47: {  	_ =	shalt  }
0x48: {  	_ =	shalt  }
0x49: {  	_ =	shalt  }
0x4a: {  	_ =	shalt  }
0x4b: {  	_ =	shalt  }
0x4c: {  	_ =	shalt  }
0x4d: {  	_ =	shalt  }
0x4e: {  	_ =	shalt  }
0x4f: {  	_ =	shalt  }
0x50: {  	_ =	shalt  }
0x51: {  	_ =	shalt  }
0x52: {  	_ =	shalt  }
0x53: {  	_ =	shalt  }
0x54: {  	_ =	shalt  }
0x55: {  	_ =	shalt  }
0x56: {  	_ =	shalt  }
0x57: {  	_ =	shalt  }
0x58: {  	_ =	shalt  }
0x59: {  	_ =	shalt  }
0x5a: {  	_ =	shalt  }
0x5b: {  	_ =	shalt  }
0x5c: {  	_ =	shalt  }
0x5d: {  	_ =	shalt  }
0x5e: {  	_ =	shalt  }
0x5f: {  	_ =	shalt  }
0x60: {  	_ =	shalt  }
0x61: {  	_ =	shalt  }
0x62: {  	_ =	shalt  }
0x63: {  	_ =	shalt  }
0x64: {  	_ =	shalt  }
0x65: {  	_ =	shalt  }
0x66: {  	_ =	shalt  }
0x67: {  	_ =	shalt  }
0x68: {  	_ =	shalt  }
0x69: {  	_ =	shalt  }
0x6a: {  	_ =	shalt  }
0x6b: {  	_ =	shalt  }
0x6c: {  	_ =	shalt  }
0x6d: {  	_ =	shalt  }
0x6e: {  	_ =	shalt  }
0x6f: {  	_ =	shalt  }
0x70: {  	_ =	shalt  }
0x71: {  	_ =	shalt  }
0x72: {  	_ =	shalt  }
0x73: {  	_ =	shalt  }
0x74: {  	_ =	shalt  }
0x75: {  	_ =	shalt  }
0x76: {  	_ =	shalt  }
0x77: {  	_ =	shalt  }
0x78: {  	_ =	shalt  }
0x79: {  	_ =	shalt  }
0x7a: {  	_ =	shalt  }
0x7b: {  	_ =	shalt  }
0x7c: {  	_ =	shalt  }
0x7d: {  	_ =	shalt  }
0x7e: {  	_ =	shalt  }
0x7f: {  	_ =	shalt  }
0x80: {  	_ =	shalt  }
0x81: {  	_ =	shalt  }
0x82: {  	_ =	shalt  }
0x83: {  	_ =	shalt  }
0x84: {  	_ =	shalt  }
0x85: {  	_ =	shalt  }
0x86: {  	_ =	shalt  }
0x87: {  	_ =	shalt  }
.Lfunc_end0:
.L_simem_size_0:
called_computation.1_lowered:
.L_overlay_start_0:
0x88: {  	s2 =	sld [smem:$0x3FD9]  }
0x89: {  	s3 =	sld [smem:$0x3FFE];
	_ =	sdelay $0x1  }
0x8a: {  	s1 =	srdreg.scid  }
0x8b: {  	s0 =	sand.u32 $0x1, s1  }
0x8c: {  	s17 =	sshll.u32 s0, $0xA;
	s2 =	sadd.s32 s3, s2  }
0x8d: {  	s2 =	sadd.s32 s2, s17  }
0x8e: {  	[smem:$0x3FC3] =	sst s2  }
0x8f: {  	_ = 	snop  }
0x90: {  	s2 =	sld [smem:$0x3FD0];
	(tm) =	ssettm $0x1  }
0x91: {  	s18 =	sld [smem:$0x3FFB];
	_ =	sdelay $0x3  }
0x92: {  	_ =	strace s18  }
0x93: {  	s3 =	sld [smem:$0x3FFC];
	_ =	sdelay $0x3  }
0x94: {  	_ =	strace s3  }
0x95: {  	s3 =	sld [smem:$0x3FFD];
	_ =	sdelay $0x3  }
0x96: {  	_ =	strace s3  }
0x97: {  	_ =	strace $0x8FFFFFFF  }
0x98: {  	s19 =	sld [smem:$0x3FDB];
	_ =	sdelay $0x1  }
0x99: {  	s4 =	simm.s32 $_scs_section_size  }
0x9a: {  	s5 =	simm.s32 $_size__tile_overlayer_lowered;
	s6 =	simm.s32 $_tile_overlayer_lowered  }
0x9b: {  	s22 =	simm.s32 $0x1BFF;
	s21 =	sshll.u32 s6, $0x1;
	s3 =	sadd.s32 s4, s19  }
0x9c: {  	s7 =	simm.s32 $0x0;
	s20 =	sshll.u32 s5, $0x1;
	s5 =	sadd.s32 s21, s3  }
0x9d: {  	[timem:s7], [sflag:s22] =	dma.local [hbm:s5], s20  }
0x9e: {  	_ =	swait.ge [sflag:s22], s20  }
0x9f: {  	s4 =	ssub.s32 $0x0, s20;
	[sflag:s22] =	ssyncset.done $0x0  }
0xa0: {  	[sflag:s22] =	ssyncadd.s32 s4;
	_ =	sdelay $0x1  }
0xa1: {  	s23 =	simm.s32 $0x1B8B  }
0xa2: {  	_ =	swait.ge [sflag:s23], $0x1  }
0xa3: {  	[sflag:s23] =	ssyncset.done $0x0  }
0xa4: {  	s25 =	simm.s32 $0x1B8E;
	s24 =	sld [smem:$0x3FFE];
	[sflag:s23] =	ssyncadd.s32 $0xFFFFFFFF  }
0xa5: {  	s26 =	simm.s32 $execute0_lowered;
	[smem:$0x3FD2] =	sst s25  }
0xa6: {  	s5 =	sshll.u32 s26, $0x1;
	_ =	strace $0x80000049;
	[dreg:$0x1] =	wrdreg $0xFFFFFFFF  }
0xa7: {  	s28 =	simm.s32 $_size_execute0_lowered;
	s3 =	sadd.s32 s3, s5;
	[dreg:$0x0] =	wrdreg $0x0  }
0xa8: {  	s5 =	sshll.u32 s28, $0x1;
	[dreg:$0x2] =	wrdreg s3  }
0xa9: {  	[dreg:$0x3] =	wrdreg s5  }
0xaa: {  	[dreg:$0x4] =	wrdreg $0xC0  }
0xab: {  	_ =	task [dreg:s7], $0x5FFFF  }
0xac: {  	[dreg:$0x1] =	wrdreg $0xFFFFFFFF  }
0xad: {  	[dreg:$0x0] =	wrdreg $0x60  }
0xae: {  	[dreg:$0x2] =	wrdreg s24  }
0xaf: {  	[dreg:$0x3] =	wrdreg s2  }
0xb0: {  	[dreg:$0x4] =	wrdreg $0x92000  }
0xb1: {  	[dreg:$0x5] =	wrdreg $0x9  }
0xb2: {  	_ =	task.clear_ibuf [dreg:s7], $0x6FFFF;
	_ =	strace $0x90000049  }
0xb3: {  	s29 =	simm.s32 $0x9;
	_ =	strace $0x8000004B  }
0xb4: {  	_ =	swait.ge [sflag:s29], $0x1  }
0xb5: {  	[sflag:s29] =	ssyncadd.s32 $0xFFFFFFFF  }
0xb6: {  	_ =	strace $0x9000004B  }
0xb7: {  	_ =	sfence  }
0xb8: {  	s30 =	sld [smem:$0x0];
	_ =	sdelay $0x2  }
0xb9: {  	s31 =	sshll.u32 s1, $0xD;
	s1 =	sshrl.u32 s1, $0x2  }
0xba: {  	s3 =	sand.u32 $0x4000, s31;
	s1 =	sadd.s32 s1, s30  }
0xbb: {  	s0 =	sor.u32 s3, s0;
	s1 =	sshll.u32 s1, $0x11  }
0xbc: {  	s0 =	sor.u32 s1, s0  }
0xbd: {  	s0 =	sadd.s32 $0x8F2B, s0  }
0xbe: {  	[sflag:s0] =	ssyncadd.remote.s32 $0x1  }
0xbf: {  	_ =	sfence.sel $0xFFFF  }
0xc0: {  	[dreg:$0x0] =	wrdreg $0xFFFFFFFF;
	(pc) =	sbr.abs _section_cstart, $3  }
0xc1: {  	[dreg:$0x1] =	wrdreg $0xFFFFFFFF  }
0xc2: {  	_ =	task.clear_ibuf [dreg:s7], $0x2FFFF;
	_ =	strace $0x9FFFFFFF  }
0xc3: {  	(tm) =	ssettm $0x7FFFFFFF  }
tec
execute0_lowered:
.L_overlay_start_1:
0x0: {  	(tag) =	ssettag $0x1  }
0x1: {  	s0 =	rddreg [dreg:$0x0]  }
0x2: {  	s1 =	rddreg [dreg:$0x1]  }
0x3: {  	s2 =	rddreg [dreg:$0x2];
	s4 =	simm.s32 $0x0;
	s3 =	srdreg.scid  }
0x4: {  	s13 =	stileid.u32;
	s28 =	simm.s32 $0x180;
	s29 =	simm.s32 $0x2A00  }
0x5: {  	s30 =	simm.s32 $0x1;
	s31 =	simm.s32 $0x2;
	s7 =	smul.u32 $0x28000, s13  }
0x6: {  	[smem:$0x7FF] =	sst s4;
	s3 =	sand.u32 $0x1, s3;
	s10 =	smul.u32 $0xA000, s13  }
0x7: {  	s5 =	sadd.s32 $0x1A00, s0;
	s17 =	smul.u32 $0x2710, s13;
	_ =	strace $0x8000004A  }
0x8: {  	s6 =	sshll.u32 s3, $0x4;
	s8 =	ssub.s32 $0x2, s3;
	s16 =	smul.u32 $0x140000, s3  }
0x9: {  	s3 =	smul.u32 $0x27100, s3;
	s9 =	sor.u32 s13, s6;
	s6 =	sadd.s32 $0xB800, s0  }
0xa: {  	s11 =	sshrl.u32 s8, $0x1;
	s0 =	sadd.s32 $0x33800, s0;
	s7 =	sshrl.u32 s7, $0x2  }
0xb: {  	s15 =	sadd.s32 $0x4000, s10;
	s9 =	smul.u32 $0x2710, s9;
	s11 =	ssub.s32 s8, s11  }
0xc: {  	s7 =	sadd.s32 s7, s2;
	s8 =	sadd.s32 s15, s2;
	s25 =	sadd.s32 s16, s15  }
0xd: {  	s24 =	sadd.s32 s10, s16;
	s3 =	sadd.s32 s17, s3;
	s10 =	sshrl.u32 s25, $0x3  }
0xe: {  	s17 =	sadd.s32 $0x50, s3;
	s18 =	sadd.s32 $0xA0, s3;
	s25 =	simm.s32 $0x200  }
0xf: {  	s9 =	sshrl.u32 s9, $0x3;
	s16 =	sadd.s32 s0, s10;
	s26 =	sshrl.u32 s17, $0x3  }
0x10: {  	s17 =	smax.u32 s11, $0x1;
	s12 =	sadd.s32 s5, s9;
	s21 =	sadd.s32 s1, s9  }
0x11: {  	s22 =	sadd.s32 $0x4CE, s9;
	s9 =	sadd.s32 $0x4D8, s9;
	[dreg:$0x4] =	wrdreg s12  }
0x12: {  	s19 =	sadd.s32 s26, s1;
	[dreg:$0x5] =	wrdreg s21;
	s14 =	sadd.s32 s5, s22  }
0x13: {  	s20 =	sadd.s32 s26, s5;
	s12 =	sadd.s32 s1, s22;
	[dreg:$0x6] =	wrdreg s14  }
0x14: {  	s26 =	simm.s32 $0x80;
	s23 =	sadd.s32 s5, s9;
	[dreg:$0x7] =	wrdreg s12  }
0x15: {  	s21 =	simm.s32 $0x5200;
	s22 =	simm.s32 $0x3;
	[dreg:$0x8] =	wrdreg s23  }
0x16: {  	s14 =	sadd.s32 s1, s9;
	s9 =	sshrl.u32 s24, $0x3;
	s23 =	simm.s32 $0x100  }
0x17: {  	v0 =	vimm.f32 $0.0e+00;
	s24 =	simm.s32 $0x50;
	s15 =	sadd.s32 s0, s9;
	s0 =	simm.s32 $0x0  }
.LBB2_1:
0x18: {  	s3 =	simm.s32 $0x0;
	s9 =	simm.s32 $0x200  }
.LBB2_2:
0x19: {  	p0 =	sne.s32 s9, $0xFE00;
	[tilespmem:s3+$0x5270] =	vst v0  }
0x1a: {  	[tilespmem:s3+$0x5200] =	vst v0  }
0x1b: {  	[tilespmem:s3+$0x5210] =	vst v0  }
.Ltmp0:
0x1c: {  	[tilespmem:s3+$0x5220] =	vst v0;
	(pc) =	sbr.rel @p0 .LBB2_2-.Ltmp0, $4  }
0x1d: {  	[tilespmem:s3+$0x5230] =	vst v0  }
0x1e: {  	[tilespmem:s3+$0x5240] =	vst v0  }
0x1f: {  	[tilespmem:s3+$0x5250] =	vst v0  }
0x20: {  	[tilespmem:s3+$0x5260] =	vst v0;
	s3 =	sshra.s32 s9, $0x2;
	s9 =	sadd.s32 $0x200, s9  }
0x21: {  	[tilespmem:s3+$0x5270] =	vst v0  }
0x22: {  	[tilespmem:s3+$0x5200] =	vst v0  }
0x23: {  	[tilespmem:s3+$0x5210] =	vst v0  }
0x24: {  	[tilespmem:s3+$0x5220] =	vst v0  }
0x25: {  	[tilespmem:s3+$0x5230] =	vst v0  }
0x26: {  	[tilespmem:s3+$0x5240] =	vst v0  }
0x27: {  	[tilespmem:s3+$0x5250] =	vst v0  }
0x28: {  	[tilespmem:s3+$0x5260] =	vst v0  }
0x29: {  	[spmem:s7] =	stream.linear.scatter [tilespmem:s21], [sflag:$0x3], $0x4000, $0x38;
	[tilespmem:$0x1D200] =	vst v63  }
0x2a: {  	_ =	swait.ge [sflag:s22], $0x4000  }
0x2b: {  	[sflag:s22] =	ssyncset.done $0x0  }
0x2c: {  	[sflag:s22] =	ssyncadd.s32 $0xFFFFC000  }
0x2d: {  	[spmem:s8] =	stream.linear.scatter [tilespmem:s21], [sflag:$0x3], $0x4000, $0x38;
	[tilespmem:$0x1D200] =	vst v63  }
0x2e: {  	_ =	swait.ge [sflag:s22], $0x4000  }
0x2f: {  	[sflag:s22] =	ssyncset.done $0x0  }
0x30: {  	[sflag:s22] =	ssyncadd.s32 $0xFFFFC000  }
0x31: {  	[bflag:$0x0] =	sbarrier.arrive $0xFFFF  }
0x32: {  	s12 =	simm.s32 $0x0;
	s9 =	rddreg [dreg:$0x4]  }
0x33: {  	[tilespmem:s12], [sflag:$0x3] =	stream.linear.gather [hbm4b:s9+s12], $0x50, $0x38;
	[tilespmem:$0x1D200] =	vst v63  }
0x34: {  	_ =	swait.ge [sflag:s22], $0x50  }
0x35: {  	[sflag:s22] =	ssyncset.done $0x0  }
0x36: {  	s13 =	rddreg [dreg:$0x5];
	[sflag:s22] =	ssyncadd.s32 $0xFFFFFFB0  }
0x37: {  	[tilespmem:s23], [sflag:$0x3] =	stream.linear.gather [hbm4b:s13+s12], $0x50, $0x38;
	[tilespmem:$0x1D200] =	vst v63  }
0x38: {  	_ =	swait.ge [sflag:s22], $0x50  }
0x39: {  	[sflag:s22] =	ssyncset.done $0x0  }
0x3a: {  	[sflag:s22] =	ssyncadd.s32 $0xFFFFFFB0  }
0x3b: {  	[tilespmem:s25], [sflag:$0x1] =	stream.indirect.gather [hbm4b:s6+s24], $0x80, s12, s24, $0xb8;
	[tilespmem:$0x1D200] =	vst v63  }
0x3c: {  	s10 =	sadd.s32 $0x0, s20  }
0x3d: {  	[tilespmem:s26], [sflag:$0x3] =	stream.linear.gather [hbm4b:s10+s4], $0x50, $0x38;
	[tilespmem:$0x1D200] =	vst v63  }
0x3e: {  	_ =	swait.ge [sflag:s22], $0x50  }
0x3f: {  	[sflag:s22] =	ssyncset.done $0x0  }
0x40: {  	s11 =	sadd.s32 $0x0, s19;
	[sflag:s22] =	ssyncadd.s32 $0xFFFFFFB0  }
0x41: {  	[tilespmem:s28], [sflag:$0x3] =	stream.linear.gather [hbm4b:s11+s4], $0x50, $0x38;
	[tilespmem:$0x1D200] =	vst v63  }
0x42: {  	_ =	swait.ge [sflag:s22], $0x50  }
0x43: {  	[sflag:s22] =	ssyncset.done $0x0  }
0x44: {  	[sflag:s22] =	ssyncadd.s32 $0xFFFFFFB0  }
0x45: {  	[tilespmem:s29], [sflag:$0x2] =	stream.indirect.gather [hbm4b:s6+s24], $0x80, s26, s24, $0xb8;
	[tilespmem:$0x1D200] =	vst v63  }
0x46: {  	_ =	swait.ge [sflag:s30], $0x2800  }
0x47: {  	[sflag:s30] =	ssyncset.done $0x0  }
0x48: {  	[sflag:s30] =	ssyncadd.s32 $0xFFFFD800  }
0x49: {  	[spmem:s2] =	stream.indirect.scatter.add.f32 [tilespmem:s25], [sflag:$0x3], $0x80, s23, s24, $0xb8;
	[tilespmem:$0x1D200] =	vst v63  }
0x4a: {  	_ =	swait.ge [sflag:s22], $0x2800  }
0x4b: {  	s12 =	sshrl.u32 s18, $0x3;
	[sflag:s22] =	ssyncset.done $0x0  }
0x4c: {  	s13 =	sadd.s32 s5, s12;
	[sflag:s22] =	ssyncadd.s32 $0xFFFFD800  }
0x4d: {  	[tilespmem:s4], [sflag:$0x3] =	stream.linear.gather [hbm4b:s13+s4], $0x50, $0x38;
	[tilespmem:$0x1D200] =	vst v63  }
0x4e: {  	_ =	swait.ge [sflag:s22], $0x50  }
0x4f: {  	[sflag:s22] =	ssyncset.done $0x0  }
0x50: {  	s3 =	sadd.s32 s1, s12;
	[sflag:s22] =	ssyncadd.s32 $0xFFFFFFB0  }
0x51: {  	[tilespmem:s23], [sflag:$0x3] =	stream.linear.gather [hbm4b:s3+s4], $0x50, $0x38;
	[tilespmem:$0x1D200] =	vst v63  }
0x52: {  	_ =	swait.ge [sflag:s22], $0x50  }
0x53: {  	[sflag:s22] =	ssyncset.done $0x0  }
0x54: {  	[sflag:s22] =	ssyncadd.s32 $0xFFFFFFB0  }
0x55: {  	[tilespmem:s25], [sflag:$0x1] =	stream.indirect.gather [hbm4b:s6+s24], $0x80, s4, s24, $0xb8;
	[tilespmem:$0x1D200] =	vst v63  }
0x56: {  	_ =	swait.ge [sflag:s31], $0x2800  }
0x57: {  	[sflag:s31] =	ssyncset.done $0x0  }
0x58: {  	[sflag:s31] =	ssyncadd.s32 $0xFFFFD800  }
0x59: {  	[spmem:s2] =	stream.indirect.scatter.add.f32 [tilespmem:s29], [sflag:$0x3], $0x80, s28, s24, $0xb8;
	[tilespmem:$0x1D200] =	vst v63  }
0x5a: {  	s9 =	simm.s32 $0x14;
	_ =	swait.ge [sflag:s22], $0x2800  }
0x5b: {  	s10 =	simm.s32 $0x28;
	s3 =	sadd.s32 $0xA0, s18;
	[sflag:s22] =	ssyncset.done $0x0  }
.LBB2_4:
0x5c: {  	s12 =	sadd.s32 s9, s20  }
0x5d: {  	[sflag:s22] =	ssyncadd.s32 $0xFFFFD800;
	s13 =	smov.u32 s10;
	s11 =	sadd.s32 $0x14, s10  }
0x5e: {  	[tilespmem:s26], [sflag:$0x3] =	stream.linear.gather [hbm4b:s12+s4], $0x50, $0x38;
	[tilespmem:$0x1D200] =	vst v63  }
0x5f: {  	p0 =	sne.s32 s10, $0x4B0;
	_ =	swait.ge [sflag:s22], $0x50  }
0x60: {  	[sflag:s22] =	ssyncset.done $0x0  }
0x61: {  	s10 =	sadd.s32 s9, s19;
	s9 =	smov.u32 s13;
	[sflag:s22] =	ssyncadd.s32 $0xFFFFFFB0  }
0x62: {  	[tilespmem:s28], [sflag:$0x3] =	stream.linear.gather [hbm4b:s10+s4], $0x50, $0x38;
	[tilespmem:$0x1D200] =	vst v63  }
0x63: {  	_ =	swait.ge [sflag:s22], $0x50  }
0x64: {  	[sflag:s22] =	ssyncset.done $0x0  }
0x65: {  	[sflag:s22] =	ssyncadd.s32 $0xFFFFFFB0  }
0x66: {  	[tilespmem:s29], [sflag:$0x2] =	stream.indirect.gather [hbm4b:s6+s24], $0x80, s26, s24, $0xb8;
	[tilespmem:$0x1D200] =	vst v63  }
0x67: {  	_ =	swait.ge [sflag:s30], $0x2800  }
0x68: {  	[sflag:s30] =	ssyncset.done $0x0  }
0x69: {  	[sflag:s30] =	ssyncadd.s32 $0xFFFFD800  }
0x6a: {  	[spmem:s2] =	stream.indirect.scatter.add.f32 [tilespmem:s25], [sflag:$0x3], $0x80, s23, s24, $0xb8;
	[tilespmem:$0x1D200] =	vst v63  }
0x6b: {  	_ =	swait.ge [sflag:s22], $0x2800  }
0x6c: {  	s10 =	sshrl.u32 s3, $0x3;
	[sflag:s22] =	ssyncset.done $0x0  }
0x6d: {  	s12 =	sadd.s32 s5, s10;
	[sflag:s22] =	ssyncadd.s32 $0xFFFFD800  }
0x6e: {  	[tilespmem:s4], [sflag:$0x3] =	stream.linear.gather [hbm4b:s12+s4], $0x50, $0x38;
	[tilespmem:$0x1D200] =	vst v63  }
0x6f: {  	_ =	swait.ge [sflag:s22], $0x50  }
0x70: {  	[sflag:s22] =	ssyncset.done $0x0  }
0x71: {  	s10 =	sadd.s32 s1, s10;
	[sflag:s22] =	ssyncadd.s32 $0xFFFFFFB0  }
0x72: {  	[tilespmem:s23], [sflag:$0x3] =	stream.linear.gather [hbm4b:s10+s4], $0x50, $0x38;
	[tilespmem:$0x1D200] =	vst v63  }
0x73: {  	_ =	swait.ge [sflag:s22], $0x50  }
0x74: {  	[sflag:s22] =	ssyncset.done $0x0  }
0x75: {  	[sflag:s22] =	ssyncadd.s32 $0xFFFFFFB0  }
0x76: {  	[tilespmem:s25], [sflag:$0x1] =	stream.indirect.gather [hbm4b:s6+s24], $0x80, s4, s24, $0xb8;
	[tilespmem:$0x1D200] =	vst v63  }
0x77: {  	_ =	swait.ge [sflag:s31], $0x2800  }
.Ltmp1:
0x78: {  	[sflag:s31] =	ssyncset.done $0x0;
	(pc) =	sbr.rel @p0 .LBB2_4-.Ltmp1, $4  }
0x79: {  	[sflag:s31] =	ssyncadd.s32 $0xFFFFD800  }
0x7a: {  	[spmem:s2] =	stream.indirect.scatter.add.f32 [tilespmem:s29], [sflag:$0x3], $0x80, s28, s24, $0xb8;
	[tilespmem:$0x1D200] =	vst v63  }
0x7b: {  	_ =	swait.ge [sflag:s22], $0x2800  }
0x7c: {  	s3 =	sadd.s32 $0xA0, s3;
	s10 =	smov.u32 s11;
	[sflag:s22] =	ssyncset.done $0x0  }
0x7d: {  	s10 =	sadd.s32 s9, s20;
	[sflag:s22] =	ssyncadd.s32 $0xFFFFD800  }
0x7e: {  	[tilespmem:s26], [sflag:$0x3] =	stream.linear.gather [hbm4b:s10+s4], $0x50, $0x38;
	[tilespmem:$0x1D200] =	vst v63  }
0x7f: {  	_ =	swait.ge [sflag:s22], $0x50  }
0x80: {  	[sflag:s22] =	ssyncset.done $0x0  }
0x81: {  	s11 =	sadd.s32 s9, s19;
	[sflag:s22] =	ssyncadd.s32 $0xFFFFFFB0  }
0x82: {  	[tilespmem:s28], [sflag:$0x3] =	stream.linear.gather [hbm4b:s11+s4], $0x50, $0x38;
	[tilespmem:$0x1D200] =	vst v63  }
0x83: {  	_ =	swait.ge [sflag:s22], $0x50  }
0x84: {  	[sflag:s22] =	ssyncset.done $0x0  }
0x85: {  	[sflag:s22] =	ssyncadd.s32 $0xFFFFFFB0  }
0x86: {  	[tilespmem:s29], [sflag:$0x2] =	stream.indirect.gather [hbm4b:s6+s24], $0x80, s26, s24, $0xb8;
	[tilespmem:$0x1D200] =	vst v63  }
0x87: {  	_ =	swait.ge [sflag:s30], $0x2800  }
0x88: {  	[sflag:s30] =	ssyncset.done $0x0  }
0x89: {  	[sflag:s30] =	ssyncadd.s32 $0xFFFFD800  }
0x8a: {  	[spmem:s2] =	stream.indirect.scatter.add.f32 [tilespmem:s25], [sflag:$0x3], $0x80, s23, s24, $0xb8;
	[tilespmem:$0x1D200] =	vst v63  }
0x8b: {  	_ =	swait.ge [sflag:s22], $0x2800  }
0x8c: {  	s3 =	sshrl.u32 s3, $0x3;
	[sflag:s22] =	ssyncset.done $0x0  }
0x8d: {  	s12 =	sadd.s32 s5, s3;
	[sflag:s22] =	ssyncadd.s32 $0xFFFFD800  }
0x8e: {  	[tilespmem:s4], [sflag:$0x3] =	stream.linear.gather [hbm4b:s12+s4], $0x50, $0x38;
	[tilespmem:$0x1D200] =	vst v63  }
0x8f: {  	_ =	swait.ge [sflag:s22], $0x50  }
0x90: {  	[sflag:s22] =	ssyncset.done $0x0  }
0x91: {  	s3 =	sadd.s32 s1, s3;
	[sflag:s22] =	ssyncadd.s32 $0xFFFFFFB0  }
0x92: {  	[tilespmem:s23], [sflag:$0x3] =	stream.linear.gather [hbm4b:s3+s4], $0x50, $0x38;
	[tilespmem:$0x1D200] =	vst v63  }
0x93: {  	_ =	swait.ge [sflag:s22], $0x50  }
0x94: {  	[sflag:s22] =	ssyncset.done $0x0  }
0x95: {  	[sflag:s22] =	ssyncadd.s32 $0xFFFFFFB0  }
0x96: {  	[tilespmem:s25], [sflag:$0x1] =	stream.indirect.gather [hbm4b:s6+s24], $0x80, s4, s24, $0xb8;
	[tilespmem:$0x1D200] =	vst v63  }
0x97: {  	_ =	swait.ge [sflag:s31], $0x2800  }
0x98: {  	[sflag:s31] =	ssyncset.done $0x0  }
0x99: {  	[sflag:s31] =	ssyncadd.s32 $0xFFFFD800  }
0x9a: {  	[spmem:s2] =	stream.indirect.scatter.add.f32 [tilespmem:s29], [sflag:$0x3], $0x80, s28, s24, $0xb8;
	[tilespmem:$0x1D200] =	vst v63  }
0x9b: {  	_ =	swait.ge [sflag:s22], $0x2800  }
0x9c: {  	[sflag:s22] =	ssyncset.done $0x0  }
0x9d: {  	s13 =	rddreg [dreg:$0x6];
	[sflag:s22] =	ssyncadd.s32 $0xFFFFD800  }
0x9e: {  	[tilespmem:s26], [sflag:$0x3] =	stream.linear.gather [hbm4b:s13+s4], $0x50, $0x38;
	[tilespmem:$0x1D200] =	vst v63  }
0x9f: {  	_ =	swait.ge [sflag:s22], $0x50  }
0xa0: {  	[sflag:s22] =	ssyncset.done $0x0  }
0xa1: {  	s9 =	rddreg [dreg:$0x7];
	[sflag:s22] =	ssyncadd.s32 $0xFFFFFFB0  }
0xa2: {  	[tilespmem:s28], [sflag:$0x3] =	stream.linear.gather [hbm4b:s9+s4], $0x50, $0x38;
	[tilespmem:$0x1D200] =	vst v63  }
0xa3: {  	_ =	swait.ge [sflag:s22], $0x50  }
0xa4: {  	[sflag:s22] =	ssyncset.done $0x0  }
0xa5: {  	[sflag:s22] =	ssyncadd.s32 $0xFFFFFFB0  }
0xa6: {  	[tilespmem:s29], [sflag:$0x2] =	stream.indirect.gather [hbm4b:s6+s24], $0x80, s26, s24, $0xb8;
	[tilespmem:$0x1D200] =	vst v63  }
0xa7: {  	_ =	swait.ge [sflag:s30], $0x2800  }
0xa8: {  	[sflag:s30] =	ssyncset.done $0x0  }
0xa9: {  	[sflag:s30] =	ssyncadd.s32 $0xFFFFD800  }
0xaa: {  	[spmem:s2] =	stream.indirect.scatter.add.f32 [tilespmem:s25], [sflag:$0x3], $0x80, s23, s24, $0xb8;
	[tilespmem:$0x1D200] =	vst v63  }
0xab: {  	_ =	swait.ge [sflag:s22], $0x2800  }
0xac: {  	[sflag:s22] =	ssyncset.done $0x0  }
0xad: {  	s10 =	rddreg [dreg:$0x8];
	[sflag:s22] =	ssyncadd.s32 $0xFFFFD800  }
0xae: {  	[tilespmem:s4], [sflag:$0x3] =	stream.linear.gather [hbm4b:s10+s4], $0x50, $0x38;
	[tilespmem:$0x1D200] =	vst v63  }
0xaf: {  	_ =	swait.ge [sflag:s22], $0x50  }
0xb0: {  	[sflag:s22] =	ssyncset.done $0x0  }
0xb1: {  	[sflag:s22] =	ssyncadd.s32 $0xFFFFFFB0  }
0xb2: {  	[tilespmem:s23], [sflag:$0x3] =	stream.linear.gather [hbm4b:s14+s4], $0x50, $0x38;
	[tilespmem:$0x1D200] =	vst v63  }
0xb3: {  	_ =	swait.ge [sflag:s22], $0x50  }
0xb4: {  	[sflag:s22] =	ssyncset.done $0x0  }
0xb5: {  	[sflag:s22] =	ssyncadd.s32 $0xFFFFFFB0  }
0xb6: {  	[tilespmem:s25], [sflag:$0x1] =	stream.indirect.gather [hbm4b:s6+s24], $0x80, s4, s24, $0xb8;
	[tilespmem:$0x1D200] =	vst v63  }
0xb7: {  	_ =	swait.ge [sflag:s31], $0x2800  }
0xb8: {  	[sflag:s31] =	ssyncset.done $0x0  }
0xb9: {  	[sflag:s31] =	ssyncadd.s32 $0xFFFFD800  }
0xba: {  	[spmem:s2] =	stream.indirect.scatter.add.f32 [tilespmem:s29], [sflag:$0x3], $0x80, s28, s24, $0xb8;
	[tilespmem:$0x1D200] =	vst v63  }
0xbb: {  	_ =	swait.ge [sflag:s22], $0x2800  }
0xbc: {  	[sflag:s22] =	ssyncset.done $0x0  }
0xbd: {  	[sflag:s22] =	ssyncadd.s32 $0xFFFFD800  }
0xbe: {  	_ =	swait.ge [sflag:s30], $0x2800  }
0xbf: {  	[sflag:s30] =	ssyncset.done $0x0  }
0xc0: {  	[sflag:s30] =	ssyncadd.s32 $0xFFFFD800  }
0xc1: {  	[spmem:s2] =	stream.indirect.scatter.add.f32 [tilespmem:s25], [sflag:$0x3], $0x80, s23, s24, $0xb8;
	[tilespmem:$0x1D200] =	vst v63  }
0xc2: {  	_ =	swait.ge [sflag:s22], $0x2800  }
0xc3: {  	s11 =	stileid.u32;
	[sflag:s22] =	ssyncset.done $0x0  }
0xc4: {  	s3 =	sshll.u32 s11, $0x6;
	[sflag:s22] =	ssyncadd.s32 $0xFFFFD800  }
0xc5: {  	s12 =	sshrl.u32 s7, $0x3;
	s3 =	sor.u32 $0x1C03, s3;
	[bflag:$0x0] =	sbarrier.arrive $0xFFFF  }
0xc6: {  	[hbm:s15], [sflag:s3] =	dma.local [spmem:s12], $0x800  }
0xc7: {  	s0 =	sadd.s32 $0x1, s0;
	_ =	swait.ge [sflag:s22], $0x800  }
0xc8: {  	p0 =	sne.s32 s0, s17;
	[sflag:s22] =	ssyncset.done $0x0  }
.Ltmp2:
0xc9: {  	s13 =	sshrl.u32 s8, $0x3;
	[sflag:s22] =	ssyncadd.s32 $0xFFFFF800;
	(pc) =	sbr.rel @p0 .LBB2_1-.Ltmp2, $4  }
0xca: {  	[hbm:s16], [sflag:s3] =	dma.local [spmem:s13], $0x800  }
0xcb: {  	_ =	swait.ge [sflag:s22], $0x800  }
0xcc: {  	[sflag:s22] =	ssyncset.done $0x0  }
0xcd: {  	[sflag:s22] =	ssyncadd.s32 $0xFFFFF800  }
0xce: {  	_ =	sfence.sel $0x180000  }
0xcf: {  	[bflag:$0x0] =	sbarrier.arrive $0xFFFF  }
0xd0: {  	_ =	strace $0x9000004A  }
0xd1: {  	s0 =	stileid.u32;
	[bflag:$0x2] =	sbarrier.arrive $0xFFFF  }
0xd2: {  	p0 =	sne.s32 s0, $0x0;
	s0 =	rddreg [dreg:$0x3]  }
0xd3: {  	s0 =	sadd.s32 @!p0 $0x100000, s0  }
0xd4: {  	[sflag:s0] =	ssyncadd.tile.s32 @!p0 $0x1;
	_ =	shalt  }
.Lfunc_end2:
_tile_overlayer_lowered:
.L_overlay_start_2:
0xd5: {  	(tag) =	ssettag $0x2  }
0xd6: {  	s0 =	rddreg [dreg:$0x0];
	s2 =	stileid.u32  }
0xd7: {  	s1 =	rddreg [dreg:$0x1];
	p0 =	sne.s32 s2, $0x0  }
0xd8: {  	s3 =	rddreg [dreg:$0x2];
	[bflag:$0x3] =	sbarrier.arrive $0xFFFF;
	s2 =	simm.s32 @!p0 $0x1C03  }
0xd9: {  	[timem:s3], [sflag:s2] =	dma.local @!p0 [hbm:s0], s1  }
0xda: {  	s0 =	simm.s32 @!p0 $0x3  }
0xdb: {  	_ =	swait.ge @!p0 [sflag:s0], s1  }
0xdc: {  	s1 =	ssub.s32 @!p0 $0x0, s1;
	[sflag:s0] =	ssyncset.done @!p0 $0x0  }
0xdd: {  	[sflag:s0] =	ssyncadd.s32 @!p0 s1  }
0xde: {  	[bflag:$0x3] =	sbarrier.arrive $0xFFFF  }
0xdf: {  	_ =	shalt  }

// kernel: kernel.14.cloned.1.call-start
scs
__scs_entry_jumppad:
0x0: {  	(pc) =	sbr.rel $0x88, $3  }
0x1: {  	(tag) =	ssettag $0x0;
	lr =	simm.s32 $0x1  }
0x2: {  	[smem:$0x3F9C] =	sst lr;
	_ =	strace $0xD0000000  }
0x3: {  	_ = 	snop  }
0x4: {  	_ = 	snop  }
0x5: {  	_ = 	snop  }
0x6: {  	_ = 	snop  }
0x7: {  	_ = 	snop  }
__scs_overlays_trampoline_lowered:
0x8: {  	[smem:$0x3FAB] =	sst s0  }
0x9: {  	[smem:$0x3FAC] =	sst s1  }
0xa: {  	[smem:$0x3FAD] =	sst s2  }
0xb: {  	[smem:$0x3FAE] =	sst s3  }
0xc: {  	[smem:$0x3FAF] =	sst s4  }
0xd: {  	[smem:$0x3FB0] =	sst s5  }
0xe: {  	[smem:$0x3FB1] =	sst s6  }
0xf: {  	[smem:$0x3FB2] =	sst s7  }
0x10: {  	[smem:$0x3FB3] =	sst s8  }
0x11: {  	[smem:$0x3FB4] =	sst s9;
	s0 =	simm.s32 @!p0 $0x0  }
0x12: {  	s1 =	sld [smem:$0x3F9A];
	s0 =	simm.s32 @p0 $0x1  }
0x13: {  	[smem:$0x3FB5] =	sst s0;
	s0 =	simm.s32 @!p1 $0x0  }
0x14: {  	s2 =	sld [smem:$0x3F99];
	s0 =	simm.s32 @p1 $0x1  }
0x15: {  	[smem:$0x3FB6] =	sst s0;
	s0 =	simm.s32 @!p2 $0x0  }
0x16: {  	s3 =	sld [smem:$0x3FDB];
	s0 =	simm.s32 @p2 $0x1  }
0x17: {  	s4 =	simm.s32 $0x1BF5;
	[smem:$0x3FB8] =	sst s0  }
0x18: {  	s0 =	sld [smem:$0x3F9B];
	_ =	swait.ge [sflag:s4], $0x0  }
0x19: {  	s7 =	sld [smem:$0x3F9C]  }
0x1a: {  	s8 =	sadd.s32 $0xFFFFE003, lr  }
0x1b: {  	s9 =	sadd.s32 $0xFFFFFEF7, lr;
	s5 =	simm.s32 $0xFFFFFFFF;
	p2 =	slt.u32 s8, $0xFFFFF086  }
0x1c: {  	p1 =	slt.u32 s9, $0xF7A;
	s5 =	simm.s32 @!p2 $0x0  }
0x1d: {  	s5 =	simm.s32 @p1 $0x1;
	p0 =	seq.s32 s7, s2  }
0x1e: {  	s7 =	smul.u32 @!p0 $0xF7A, s2;
	p2 =	seq.s32 @!p0 s5, $0x0  }
0x1f: {  	s9 =	smul.u32 $0xF7A, s1;
	s8 =	simm.s32 @!p0 $0x1BF5;
	p2 =	por !p2, p0  }
0x20: {  	[sflag:s8] =	ssyncset.s32 @!p0 $0xFFFFF086;
	s6 =	sadd.s32 @!p0 s3, s7;
	s7 =	simm.s32 @!p0 $0x108  }
0x21: {  	s3 =	sadd.s32 s3, s9;
	s6 =	sadd.s32 @!p0 $0x88, s6;
	s7 =	simm.s32 @p2 $0x1082  }
0x22: {  	[simem:s7], [sflag:s8] =	dma.local @!p0 [hbm:s6], $0xF7A  }
0x23: {  	s9 =	sor.u32 $0xD0000000, s2;
	s6 =	simm.s32 $0x108;
	_ =	swait.ge @!p0 [sflag:s8], $0x0  }
0x24: {  	s3 =	sadd.s32 $0x88, s3;
	s6 =	simm.s32 @!p1 $0x1082;
	[sflag:s4] =	ssyncset.s32 $0xFFFFF086  }
0x25: {  	[simem:s6], [sflag:s4] =	dma.local [hbm:s3], $0xF7A  }
0x26: {  	[smem:$0x3F9C] =	sst s1;
	(tag) =	ssettag s2;
	_ =	strace s9  }
0x27: {  	s1 =	sld [smem:$0x3FAC]  }
0x28: {  	s2 =	sld [smem:$0x3FAD]  }
0x29: {  	s4 =	sld [smem:$0x3FAF]  }
0x2a: {  	p0 =	seq.s32 s5, $0x0;
	s5 =	sld [smem:$0x3FB0]  }
0x2b: {  	s6 =	sld [smem:$0x3FB1]  }
0x2c: {  	s7 =	sld [smem:$0x3FB2]  }
0x2d: {  	s3 =	simm.s32 $0x108;
	s8 =	sld [smem:$0x3FB3]  }
0x2e: {  	s3 =	simm.s32 @!p0 $0x1082;
	s9 =	sld [smem:$0x3FB4]  }
0x2f: {  	lr =	sadd.s32 s0, s3;
	s0 =	sld [smem:$0x3FAB]  }
0x30: {  	s3 =	sld [smem:$0x3FAE]  }
0x31: {  	[smem:$0x3FB7] =	sst s10  }
0x32: {  	s10 =	sld [smem:$0x3FB5];
	_ =	sdelay $0x3  }
0x33: {  	p0 =	seq.s32 s10, $0x1;
	s10 =	sld [smem:$0x3FB7];
	_ =	sdelay $0x3  }
0x34: {  	[smem:$0x3FB7] =	sst s10  }
0x35: {  	s10 =	sld [smem:$0x3FB6];
	_ =	sdelay $0x3  }
0x36: {  	p1 =	seq.s32 s10, $0x1;
	s10 =	sld [smem:$0x3FB7];
	_ =	sdelay $0x3  }
0x37: {  	[smem:$0x3FB7] =	sst s10  }
0x38: {  	s10 =	sld [smem:$0x3FB8]  }
0x39: {  	_ = 	snop;
	(pc) =	sbr.ind lr, $3  }
0x3a: {  	_ = 	snop  }
0x3b: {  	_ = 	snop  }
0x3c: {  	p2 =	seq.s32 s10, $0x1;
	s10 =	sld [smem:$0x3FB7]  }
0x3d: {  	_ =	shalt  }
0x3e: {  	_ =	shalt  }
0x3f: {  	_ =	shalt  }
0x40: {  	_ =	shalt  }
0x41: {  	_ =	shalt  }
0x42: {  	_ =	shalt  }
0x43: {  	_ =	shalt  }
0x44: {  	_ =	shalt  }
0x45: {  	_ =	shalt  }
0x46: {  	_ =	shalt  }
0x47: {  	_ =	shalt  }
0x48: {  	_ =	shalt  }
0x49: {  	_ =	shalt  }
0x4a: {  	_ =	shalt  }
0x4b: {  	_ =	shalt  }
0x4c: {  	_ =	shalt  }
0x4d: {  	_ =	shalt  }
0x4e: {  	_ =	shalt  }
0x4f: {  	_ =	shalt  }
0x50: {  	_ =	shalt  }
0x51: {  	_ =	shalt  }
0x52: {  	_ =	shalt  }
0x53: {  	_ =	shalt  }
0x54: {  	_ =	shalt  }
0x55: {  	_ =	shalt  }
0x56: {  	_ =	shalt  }
0x57: {  	_ =	shalt  }
0x58: {  	_ =	shalt  }
0x59: {  	_ =	shalt  }
0x5a: {  	_ =	shalt  }
0x5b: {  	_ =	shalt  }
0x5c: {  	_ =	shalt  }
0x5d: {  	_ =	shalt  }
0x5e: {  	_ =	shalt  }
0x5f: {  	_ =	shalt  }
0x60: {  	_ =	shalt  }
0x61: {  	_ =	shalt  }
0x62: {  	_ =	shalt  }
0x63: {  	_ =	shalt  }
0x64: {  	_ =	shalt  }
0x65: {  	_ =	shalt  }
0x66: {  	_ =	shalt  }
0x67: {  	_ =	shalt  }
0x68: {  	_ =	shalt  }
0x69: {  	_ =	shalt  }
0x6a: {  	_ =	shalt  }
0x6b: {  	_ =	shalt  }
0x6c: {  	_ =	shalt  }
0x6d: {  	_ =	shalt  }
0x6e: {  	_ =	shalt  }
0x6f: {  	_ =	shalt  }
0x70: {  	_ =	shalt  }
0x71: {  	_ =	shalt  }
0x72: {  	_ =	shalt  }
0x73: {  	_ =	shalt  }
0x74: {  	_ =	shalt  }
0x75: {  	_ =	shalt  }
0x76: {  	_ =	shalt  }
0x77: {  	_ =	shalt  }
0x78: {  	_ =	shalt  }
0x79: {  	_ =	shalt  }
0x7a: {  	_ =	shalt  }
0x7b: {  	_ =	shalt  }
0x7c: {  	_ =	shalt  }
0x7d: {  	_ =	shalt  }
0x7e: {  	_ =	shalt  }
0x7f: {  	_ =	shalt  }
0x80: {  	_ =	shalt  }
0x81: {  	_ =	shalt  }
0x82: {  	_ =	shalt  }
0x83: {  	_ =	shalt  }
0x84: {  	_ =	shalt  }
0x85: {  	_ =	shalt  }
0x86: {  	_ =	shalt  }
0x87: {  	_ =	shalt  }
.Lfunc_end0:
.L_simem_size_0:
called_computation.2_lowered:
.L_overlay_start_0:
0x88: {  	s2 =	sld [smem:$0x3FD9]  }
0x89: {  	s3 =	sld [smem:$0x3FFE];
	_ =	sdelay $0x1  }
0x8a: {  	s1 =	srdreg.scid  }
0x8b: {  	s0 =	sand.u32 $0x1, s1  }
0x8c: {  	s17 =	sshll.u32 s0, $0xA;
	s2 =	sadd.s32 s3, s2  }
0x8d: {  	s2 =	sadd.s32 s2, s17  }
0x8e: {  	[smem:$0x3FC3] =	sst s2  }
0x8f: {  	_ = 	snop  }
0x90: {  	s2 =	sld [smem:$0x3FD0];
	(tm) =	ssettm $0x1  }
0x91: {  	s18 =	sld [smem:$0x3FFB];
	_ =	sdelay $0x3  }
0x92: {  	_ =	strace s18  }
0x93: {  	s3 =	sld [smem:$0x3FFC];
	_ =	sdelay $0x3  }
0x94: {  	_ =	strace s3  }
0x95: {  	s3 =	sld [smem:$0x3FFD];
	_ =	sdelay $0x3  }
0x96: {  	_ =	strace s3  }
0x97: {  	_ =	strace $0x8FFFFFFF  }
0x98: {  	s19 =	sld [smem:$0x3FDB];
	_ =	sdelay $0x1  }
0x99: {  	s4 =	simm.s32 $_scs_section_size  }
0x9a: {  	s5 =	simm.s32 $_size__tile_overlayer_lowered;
	s6 =	simm.s32 $_tile_overlayer_lowered  }
0x9b: {  	s22 =	simm.s32 $0x1BFF;
	s21 =	sshll.u32 s6, $0x1;
	s3 =	sadd.s32 s4, s19  }
0x9c: {  	s7 =	simm.s32 $0x0;
	s20 =	sshll.u32 s5, $0x1;
	s5 =	sadd.s32 s21, s3  }
0x9d: {  	[timem:s7], [sflag:s22] =	dma.local [hbm:s5], s20  }
0x9e: {  	_ =	swait.ge [sflag:s22], s20  }
0x9f: {  	s4 =	ssub.s32 $0x0, s20;
	[sflag:s22] =	ssyncset.done $0x0  }
0xa0: {  	[sflag:s22] =	ssyncadd.s32 s4;
	_ =	sdelay $0x1  }
0xa1: {  	s23 =	simm.s32 $0x1B8B  }
0xa2: {  	_ =	swait.ge [sflag:s23], $0x1  }
0xa3: {  	[sflag:s23] =	ssyncset.done $0x0  }
0xa4: {  	s25 =	simm.s32 $0x1B8E;
	s24 =	sld [smem:$0x3FFE];
	[sflag:s23] =	ssyncadd.s32 $0xFFFFFFFF  }
0xa5: {  	s26 =	simm.s32 $execute0_lowered;
	[smem:$0x3FD2] =	sst s25  }
0xa6: {  	s5 =	sshll.u32 s26, $0x1;
	_ =	strace $0x8000004C;
	[dreg:$0x1] =	wrdreg $0xFFFFFFFF  }
0xa7: {  	s28 =	simm.s32 $_size_execute0_lowered;
	s3 =	sadd.s32 s3, s5;
	[dreg:$0x0] =	wrdreg $0x0  }
0xa8: {  	s5 =	sshll.u32 s28, $0x1;
	[dreg:$0x2] =	wrdreg s3  }
0xa9: {  	[dreg:$0x3] =	wrdreg s5  }
0xaa: {  	[dreg:$0x4] =	wrdreg $0xC0  }
0xab: {  	_ =	task [dreg:s7], $0x5FFFF  }
0xac: {  	[dreg:$0x1] =	wrdreg $0xFFFFFFFF  }
0xad: {  	[dreg:$0x0] =	wrdreg $0x60  }
0xae: {  	[dreg:$0x2] =	wrdreg s24  }
0xaf: {  	[dreg:$0x3] =	wrdreg s2  }
0xb0: {  	[dreg:$0x4] =	wrdreg $0x92000  }
0xb1: {  	[dreg:$0x5] =	wrdreg $0x9  }
0xb2: {  	_ =	task.clear_ibuf [dreg:s7], $0x6FFFF;
	_ =	strace $0x9000004C  }
0xb3: {  	s29 =	simm.s32 $0x9;
	_ =	strace $0x8000004E  }
0xb4: {  	_ =	swait.ge [sflag:s29], $0x1  }
0xb5: {  	[sflag:s29] =	ssyncadd.s32 $0xFFFFFFFF  }
0xb6: {  	_ =	strace $0x9000004E  }
0xb7: {  	_ =	sfence  }
0xb8: {  	s30 =	sld [smem:$0x0];
	_ =	sdelay $0x2  }
0xb9: {  	s31 =	sshll.u32 s1, $0xD;
	s1 =	sshrl.u32 s1, $0x2  }
0xba: {  	s3 =	sand.u32 $0x4000, s31;
	s1 =	sadd.s32 s1, s30  }
0xbb: {  	s0 =	sor.u32 s3, s0;
	s1 =	sshll.u32 s1, $0x11  }
0xbc: {  	s0 =	sor.u32 s1, s0  }
0xbd: {  	s0 =	sadd.s32 $0x8F2B, s0  }
0xbe: {  	[sflag:s0] =	ssyncadd.remote.s32 $0x1  }
0xbf: {  	_ =	sfence.sel $0xFFFF  }
0xc0: {  	[dreg:$0x0] =	wrdreg $0xFFFFFFFF;
	(pc) =	sbr.abs _section_cstart, $3  }
0xc1: {  	[dreg:$0x1] =	wrdreg $0xFFFFFFFF  }
0xc2: {  	_ =	task.clear_ibuf [dreg:s7], $0x2FFFF;
	_ =	strace $0x9FFFFFFF  }
0xc3: {  	(tm) =	ssettm $0x7FFFFFFF  }
tec
execute0_lowered:
.L_overlay_start_1:
0x0: {  	(tag) =	ssettag $0x1  }
0x1: {  	s0 =	rddreg [dreg:$0x0]  }
0x2: {  	s1 =	rddreg [dreg:$0x1]  }
0x3: {  	s2 =	rddreg [dreg:$0x2];
	s4 =	simm.s32 $0x0;
	s3 =	srdreg.scid  }
0x4: {  	s13 =	stileid.u32;
	s28 =	simm.s32 $0x180;
	s29 =	simm.s32 $0x2A00  }
0x5: {  	s30 =	simm.s32 $0x1;
	s31 =	simm.s32 $0x2;
	s7 =	smul.u32 $0x28000, s13  }
0x6: {  	[smem:$0x7FF] =	sst s4;
	s3 =	sand.u32 $0x1, s3;
	s10 =	smul.u32 $0xA000, s13  }
0x7: {  	s5 =	sadd.s32 $0x1A00, s0;
	s17 =	smul.u32 $0x2710, s13;
	_ =	strace $0x8000004D  }
0x8: {  	s6 =	sshll.u32 s3, $0x4;
	s8 =	ssub.s32 $0x2, s3;
	s16 =	smul.u32 $0x140000, s3  }
0x9: {  	s3 =	smul.u32 $0x27100, s3;
	s9 =	sor.u32 s13, s6;
	s6 =	sadd.s32 $0xB800, s0  }
0xa: {  	s11 =	sshrl.u32 s8, $0x1;
	s0 =	sadd.s32 $0x33800, s0;
	s7 =	sshrl.u32 s7, $0x2  }
0xb: {  	s15 =	sadd.s32 $0x4000, s10;
	s9 =	smul.u32 $0x2710, s9;
	s11 =	ssub.s32 s8, s11  }
0xc: {  	s7 =	sadd.s32 s7, s2;
	s8 =	sadd.s32 s15, s2;
	s25 =	sadd.s32 s16, s15  }
0xd: {  	s24 =	sadd.s32 s10, s16;
	s3 =	sadd.s32 s17, s3;
	s10 =	sshrl.u32 s25, $0x3  }
0xe: {  	s17 =	sadd.s32 $0x50, s3;
	s18 =	sadd.s32 $0xA0, s3;
	s25 =	simm.s32 $0x200  }
0xf: {  	s9 =	sshrl.u32 s9, $0x3;
	s16 =	sadd.s32 s0, s10;
	s26 =	sshrl.u32 s17, $0x3  }
0x10: {  	s17 =	smax.u32 s11, $0x1;
	s12 =	sadd.s32 s5, s9;
	s21 =	sadd.s32 s1, s9  }
0x11: {  	s22 =	sadd.s32 $0x4CE, s9;
	s9 =	sadd.s32 $0x4D8, s9;
	[dreg:$0x4] =	wrdreg s12  }
0x12: {  	s19 =	sadd.s32 s26, s1;
	[dreg:$0x5] =	wrdreg s21;
	s14 =	sadd.s32 s5, s22  }
0x13: {  	s20 =	sadd.s32 s26, s5;
	s12 =	sadd.s32 s1, s22;
	[dreg:$0x6] =	wrdreg s14  }
0x14: {  	s26 =	simm.s32 $0x80;
	s23 =	sadd.s32 s5, s9;
	[dreg:$0x7] =	wrdreg s12  }
0x15: {  	s21 =	simm.s32 $0x5200;
	s22 =	simm.s32 $0x3;
	[dreg:$0x8] =	wrdreg s23  }
0x16: {  	s14 =	sadd.s32 s1, s9;
	s9 =	sshrl.u32 s24, $0x3;
	s23 =	simm.s32 $0x100  }
0x17: {  	v0 =	vimm.f32 $0.0e+00;
	s24 =	simm.s32 $0x50;
	s15 =	sadd.s32 s0, s9;
	s0 =	simm.s32 $0x0  }
.LBB2_1:
0x18: {  	s3 =	simm.s32 $0x0;
	s9 =	simm.s32 $0x200  }
.LBB2_2:
0x19: {  	p0 =	sne.s32 s9, $0xFE00;
	[tilespmem:s3+$0x5270] =	vst v0  }
0x1a: {  	[tilespmem:s3+$0x5200] =	vst v0  }
0x1b: {  	[tilespmem:s3+$0x5210] =	vst v0  }
.Ltmp0:
0x1c: {  	[tilespmem:s3+$0x5220] =	vst v0;
	(pc) =	sbr.rel @p0 .LBB2_2-.Ltmp0, $4  }
0x1d: {  	[tilespmem:s3+$0x5230] =	vst v0  }
0x1e: {  	[tilespmem:s3+$0x5240] =	vst v0  }
0x1f: {  	[tilespmem:s3+$0x5250] =	vst v0  }
0x20: {  	[tilespmem:s3+$0x5260] =	vst v0;
	s3 =	sshra.s32 s9, $0x2;
	s9 =	sadd.s32 $0x200, s9  }
0x21: {  	[tilespmem:s3+$0x5270] =	vst v0  }
0x22: {  	[tilespmem:s3+$0x5200] =	vst v0  }
0x23: {  	[tilespmem:s3+$0x5210] =	vst v0  }
0x24: {  	[tilespmem:s3+$0x5220] =	vst v0  }
0x25: {  	[tilespmem:s3+$0x5230] =	vst v0  }
0x26: {  	[tilespmem:s3+$0x5240] =	vst v0  }
0x27: {  	[tilespmem:s3+$0x5250] =	vst v0  }
0x28: {  	[tilespmem:s3+$0x5260] =	vst v0  }
0x29: {  	[spmem:s7] =	stream.linear.scatter [tilespmem:s21], [sflag:$0x3], $0x4000, $0x38;
	[tilespmem:$0x1D200] =	vst v63  }
0x2a: {  	_ =	swait.ge [sflag:s22], $0x4000  }
0x2b: {  	[sflag:s22] =	ssyncset.done $0x0  }
0x2c: {  	[sflag:s22] =	ssyncadd.s32 $0xFFFFC000  }
0x2d: {  	[spmem:s8] =	stream.linear.scatter [tilespmem:s21], [sflag:$0x3], $0x4000, $0x38;
	[tilespmem:$0x1D200] =	vst v63  }
0x2e: {  	_ =	swait.ge [sflag:s22], $0x4000  }
0x2f: {  	[sflag:s22] =	ssyncset.done $0x0  }
0x30: {  	[sflag:s22] =	ssyncadd.s32 $0xFFFFC000  }
0x31: {  	[bflag:$0x0] =	sbarrier.arrive $0xFFFF  }
0x32: {  	s12 =	simm.s32 $0x0;
	s9 =	rddreg [dreg:$0x4]  }
0x33: {  	[tilespmem:s12], [sflag:$0x3] =	stream.linear.gather [hbm4b:s9+s12], $0x50, $0x38;
	[tilespmem:$0x1D200] =	vst v63  }
0x34: {  	_ =	swait.ge [sflag:s22], $0x50  }
0x35: {  	[sflag:s22] =	ssyncset.done $0x0  }
0x36: {  	s13 =	rddreg [dreg:$0x5];
	[sflag:s22] =	ssyncadd.s32 $0xFFFFFFB0  }
0x37: {  	[tilespmem:s23], [sflag:$0x3] =	stream.linear.gather [hbm4b:s13+s12], $0x50, $0x38;
	[tilespmem:$0x1D200] =	vst v63  }
0x38: {  	_ =	swait.ge [sflag:s22], $0x50  }
0x39: {  	[sflag:s22] =	ssyncset.done $0x0  }
0x3a: {  	[sflag:s22] =	ssyncadd.s32 $0xFFFFFFB0  }
0x3b: {  	[tilespmem:s25], [sflag:$0x1] =	stream.indirect.gather [hbm4b:s6+s24], $0x80, s12, s24, $0xb8;
	[tilespmem:$0x1D200] =	vst v63  }
0x3c: {  	s10 =	sadd.s32 $0x0, s20  }
0x3d: {  	[tilespmem:s26], [sflag:$0x3] =	stream.linear.gather [hbm4b:s10+s4], $0x50, $0x38;
	[tilespmem:$0x1D200] =	vst v63  }
0x3e: {  	_ =	swait.ge [sflag:s22], $0x50  }
0x3f: {  	[sflag:s22] =	ssyncset.done $0x0  }
0x40: {  	s11 =	sadd.s32 $0x0, s19;
	[sflag:s22] =	ssyncadd.s32 $0xFFFFFFB0  }
0x41: {  	[tilespmem:s28], [sflag:$0x3] =	stream.linear.gather [hbm4b:s11+s4], $0x50, $0x38;
	[tilespmem:$0x1D200] =	vst v63  }
0x42: {  	_ =	swait.ge [sflag:s22], $0x50  }
0x43: {  	[sflag:s22] =	ssyncset.done $0x0  }
0x44: {  	[sflag:s22] =	ssyncadd.s32 $0xFFFFFFB0  }
0x45: {  	[tilespmem:s29], [sflag:$0x2] =	stream.indirect.gather [hbm4b:s6+s24], $0x80, s26, s24, $0xb8;
	[tilespmem:$0x1D200] =	vst v63  }
0x46: {  	_ =	swait.ge [sflag:s30], $0x2800  }
0x47: {  	[sflag:s30] =	ssyncset.done $0x0  }
0x48: {  	[sflag:s30] =	ssyncadd.s32 $0xFFFFD800  }
0x49: {  	[spmem:s2] =	stream.indirect.scatter.add.f32 [tilespmem:s25], [sflag:$0x3], $0x80, s23, s24, $0xb8;
	[tilespmem:$0x1D200] =	vst v63  }
0x4a: {  	_ =	swait.ge [sflag:s22], $0x2800  }
0x4b: {  	s12 =	sshrl.u32 s18, $0x3;
	[sflag:s22] =	ssyncset.done $0x0  }
0x4c: {  	s13 =	sadd.s32 s5, s12;
	[sflag:s22] =	ssyncadd.s32 $0xFFFFD800  }
0x4d: {  	[tilespmem:s4], [sflag:$0x3] =	stream.linear.gather [hbm4b:s13+s4], $0x50, $0x38;
	[tilespmem:$0x1D200] =	vst v63  }
0x4e: {  	_ =	swait.ge [sflag:s22], $0x50  }
0x4f: {  	[sflag:s22] =	ssyncset.done $0x0  }
0x50: {  	s3 =	sadd.s32 s1, s12;
	[sflag:s22] =	ssyncadd.s32 $0xFFFFFFB0  }
0x51: {  	[tilespmem:s23], [sflag:$0x3] =	stream.linear.gather [hbm4b:s3+s4], $0x50, $0x38;
	[tilespmem:$0x1D200] =	vst v63  }
0x52: {  	_ =	swait.ge [sflag:s22], $0x50  }
0x53: {  	[sflag:s22] =	ssyncset.done $0x0  }
0x54: {  	[sflag:s22] =	ssyncadd.s32 $0xFFFFFFB0  }
0x55: {  	[tilespmem:s25], [sflag:$0x1] =	stream.indirect.gather [hbm4b:s6+s24], $0x80, s4, s24, $0xb8;
	[tilespmem:$0x1D200] =	vst v63  }
0x56: {  	_ =	swait.ge [sflag:s31], $0x2800  }
0x57: {  	[sflag:s31] =	ssyncset.done $0x0  }
0x58: {  	[sflag:s31] =	ssyncadd.s32 $0xFFFFD800  }
0x59: {  	[spmem:s2] =	stream.indirect.scatter.add.f32 [tilespmem:s29], [sflag:$0x3], $0x80, s28, s24, $0xb8;
	[tilespmem:$0x1D200] =	vst v63  }
0x5a: {  	s9 =	simm.s32 $0x14;
	_ =	swait.ge [sflag:s22], $0x2800  }
0x5b: {  	s10 =	simm.s32 $0x28;
	s3 =	sadd.s32 $0xA0, s18;
	[sflag:s22] =	ssyncset.done $0x0  }
.LBB2_4:
0x5c: {  	s12 =	sadd.s32 s9, s20  }
0x5d: {  	[sflag:s22] =	ssyncadd.s32 $0xFFFFD800;
	s13 =	smov.u32 s10;
	s11 =	sadd.s32 $0x14, s10  }
0x5e: {  	[tilespmem:s26], [sflag:$0x3] =	stream.linear.gather [hbm4b:s12+s4], $0x50, $0x38;
	[tilespmem:$0x1D200] =	vst v63  }
0x5f: {  	p0 =	sne.s32 s10, $0x4B0;
	_ =	swait.ge [sflag:s22], $0x50  }
0x60: {  	[sflag:s22] =	ssyncset.done $0x0  }
0x61: {  	s10 =	sadd.s32 s9, s19;
	s9 =	smov.u32 s13;
	[sflag:s22] =	ssyncadd.s32 $0xFFFFFFB0  }
0x62: {  	[tilespmem:s28], [sflag:$0x3] =	stream.linear.gather [hbm4b:s10+s4], $0x50, $0x38;
	[tilespmem:$0x1D200] =	vst v63  }
0x63: {  	_ =	swait.ge [sflag:s22], $0x50  }
0x64: {  	[sflag:s22] =	ssyncset.done $0x0  }
0x65: {  	[sflag:s22] =	ssyncadd.s32 $0xFFFFFFB0  }
0x66: {  	[tilespmem:s29], [sflag:$0x2] =	stream.indirect.gather [hbm4b:s6+s24], $0x80, s26, s24, $0xb8;
	[tilespmem:$0x1D200] =	vst v63  }
0x67: {  	_ =	swait.ge [sflag:s30], $0x2800  }
0x68: {  	[sflag:s30] =	ssyncset.done $0x0  }
0x69: {  	[sflag:s30] =	ssyncadd.s32 $0xFFFFD800  }
0x6a: {  	[spmem:s2] =	stream.indirect.scatter.add.f32 [tilespmem:s25], [sflag:$0x3], $0x80, s23, s24, $0xb8;
	[tilespmem:$0x1D200] =	vst v63  }
0x6b: {  	_ =	swait.ge [sflag:s22], $0x2800  }
0x6c: {  	s10 =	sshrl.u32 s3, $0x3;
	[sflag:s22] =	ssyncset.done $0x0  }
0x6d: {  	s12 =	sadd.s32 s5, s10;
	[sflag:s22] =	ssyncadd.s32 $0xFFFFD800  }
0x6e: {  	[tilespmem:s4], [sflag:$0x3] =	stream.linear.gather [hbm4b:s12+s4], $0x50, $0x38;
	[tilespmem:$0x1D200] =	vst v63  }
0x6f: {  	_ =	swait.ge [sflag:s22], $0x50  }
0x70: {  	[sflag:s22] =	ssyncset.done $0x0  }
0x71: {  	s10 =	sadd.s32 s1, s10;
	[sflag:s22] =	ssyncadd.s32 $0xFFFFFFB0  }
0x72: {  	[tilespmem:s23], [sflag:$0x3] =	stream.linear.gather [hbm4b:s10+s4], $0x50, $0x38;
	[tilespmem:$0x1D200] =	vst v63  }
0x73: {  	_ =	swait.ge [sflag:s22], $0x50  }
0x74: {  	[sflag:s22] =	ssyncset.done $0x0  }
0x75: {  	[sflag:s22] =	ssyncadd.s32 $0xFFFFFFB0  }
0x76: {  	[tilespmem:s25], [sflag:$0x1] =	stream.indirect.gather [hbm4b:s6+s24], $0x80, s4, s24, $0xb8;
	[tilespmem:$0x1D200] =	vst v63  }
0x77: {  	_ =	swait.ge [sflag:s31], $0x2800  }
.Ltmp1:
0x78: {  	[sflag:s31] =	ssyncset.done $0x0;
	(pc) =	sbr.rel @p0 .LBB2_4-.Ltmp1, $4  }
0x79: {  	[sflag:s31] =	ssyncadd.s32 $0xFFFFD800  }
0x7a: {  	[spmem:s2] =	stream.indirect.scatter.add.f32 [tilespmem:s29], [sflag:$0x3], $0x80, s28, s24, $0xb8;
	[tilespmem:$0x1D200] =	vst v63  }
0x7b: {  	_ =	swait.ge [sflag:s22], $0x2800  }
0x7c: {  	s3 =	sadd.s32 $0xA0, s3;
	s10 =	smov.u32 s11;
	[sflag:s22] =	ssyncset.done $0x0  }
0x7d: {  	s10 =	sadd.s32 s9, s20;
	[sflag:s22] =	ssyncadd.s32 $0xFFFFD800  }
0x7e: {  	[tilespmem:s26], [sflag:$0x3] =	stream.linear.gather [hbm4b:s10+s4], $0x50, $0x38;
	[tilespmem:$0x1D200] =	vst v63  }
0x7f: {  	_ =	swait.ge [sflag:s22], $0x50  }
0x80: {  	[sflag:s22] =	ssyncset.done $0x0  }
0x81: {  	s11 =	sadd.s32 s9, s19;
	[sflag:s22] =	ssyncadd.s32 $0xFFFFFFB0  }
0x82: {  	[tilespmem:s28], [sflag:$0x3] =	stream.linear.gather [hbm4b:s11+s4], $0x50, $0x38;
	[tilespmem:$0x1D200] =	vst v63  }
0x83: {  	_ =	swait.ge [sflag:s22], $0x50  }
0x84: {  	[sflag:s22] =	ssyncset.done $0x0  }
0x85: {  	[sflag:s22] =	ssyncadd.s32 $0xFFFFFFB0  }
0x86: {  	[tilespmem:s29], [sflag:$0x2] =	stream.indirect.gather [hbm4b:s6+s24], $0x80, s26, s24, $0xb8;
	[tilespmem:$0x1D200] =	vst v63  }
0x87: {  	_ =	swait.ge [sflag:s30], $0x2800  }
0x88: {  	[sflag:s30] =	ssyncset.done $0x0  }
0x89: {  	[sflag:s30] =	ssyncadd.s32 $0xFFFFD800  }
0x8a: {  	[spmem:s2] =	stream.indirect.scatter.add.f32 [tilespmem:s25], [sflag:$0x3], $0x80, s23, s24, $0xb8;
	[tilespmem:$0x1D200] =	vst v63  }
0x8b: {  	_ =	swait.ge [sflag:s22], $0x2800  }
0x8c: {  	s3 =	sshrl.u32 s3, $0x3;
	[sflag:s22] =	ssyncset.done $0x0  }
0x8d: {  	s12 =	sadd.s32 s5, s3;
	[sflag:s22] =	ssyncadd.s32 $0xFFFFD800  }
0x8e: {  	[tilespmem:s4], [sflag:$0x3] =	stream.linear.gather [hbm4b:s12+s4], $0x50, $0x38;
	[tilespmem:$0x1D200] =	vst v63  }
0x8f: {  	_ =	swait.ge [sflag:s22], $0x50  }
0x90: {  	[sflag:s22] =	ssyncset.done $0x0  }
0x91: {  	s3 =	sadd.s32 s1, s3;
	[sflag:s22] =	ssyncadd.s32 $0xFFFFFFB0  }
0x92: {  	[tilespmem:s23], [sflag:$0x3] =	stream.linear.gather [hbm4b:s3+s4], $0x50, $0x38;
	[tilespmem:$0x1D200] =	vst v63  }
0x93: {  	_ =	swait.ge [sflag:s22], $0x50  }
0x94: {  	[sflag:s22] =	ssyncset.done $0x0  }
0x95: {  	[sflag:s22] =	ssyncadd.s32 $0xFFFFFFB0  }
0x96: {  	[tilespmem:s25], [sflag:$0x1] =	stream.indirect.gather [hbm4b:s6+s24], $0x80, s4, s24, $0xb8;
	[tilespmem:$0x1D200] =	vst v63  }
0x97: {  	_ =	swait.ge [sflag:s31], $0x2800  }
0x98: {  	[sflag:s31] =	ssyncset.done $0x0  }
0x99: {  	[sflag:s31] =	ssyncadd.s32 $0xFFFFD800  }
0x9a: {  	[spmem:s2] =	stream.indirect.scatter.add.f32 [tilespmem:s29], [sflag:$0x3], $0x80, s28, s24, $0xb8;
	[tilespmem:$0x1D200] =	vst v63  }
0x9b: {  	_ =	swait.ge [sflag:s22], $0x2800  }
0x9c: {  	[sflag:s22] =	ssyncset.done $0x0  }
0x9d: {  	s13 =	rddreg [dreg:$0x6];
	[sflag:s22] =	ssyncadd.s32 $0xFFFFD800  }
0x9e: {  	[tilespmem:s26], [sflag:$0x3] =	stream.linear.gather [hbm4b:s13+s4], $0x50, $0x38;
	[tilespmem:$0x1D200] =	vst v63  }
0x9f: {  	_ =	swait.ge [sflag:s22], $0x50  }
0xa0: {  	[sflag:s22] =	ssyncset.done $0x0  }
0xa1: {  	s9 =	rddreg [dreg:$0x7];
	[sflag:s22] =	ssyncadd.s32 $0xFFFFFFB0  }
0xa2: {  	[tilespmem:s28], [sflag:$0x3] =	stream.linear.gather [hbm4b:s9+s4], $0x50, $0x38;
	[tilespmem:$0x1D200] =	vst v63  }
0xa3: {  	_ =	swait.ge [sflag:s22], $0x50  }
0xa4: {  	[sflag:s22] =	ssyncset.done $0x0  }
0xa5: {  	[sflag:s22] =	ssyncadd.s32 $0xFFFFFFB0  }
0xa6: {  	[tilespmem:s29], [sflag:$0x2] =	stream.indirect.gather [hbm4b:s6+s24], $0x80, s26, s24, $0xb8;
	[tilespmem:$0x1D200] =	vst v63  }
0xa7: {  	_ =	swait.ge [sflag:s30], $0x2800  }
0xa8: {  	[sflag:s30] =	ssyncset.done $0x0  }
0xa9: {  	[sflag:s30] =	ssyncadd.s32 $0xFFFFD800  }
0xaa: {  	[spmem:s2] =	stream.indirect.scatter.add.f32 [tilespmem:s25], [sflag:$0x3], $0x80, s23, s24, $0xb8;
	[tilespmem:$0x1D200] =	vst v63  }
0xab: {  	_ =	swait.ge [sflag:s22], $0x2800  }
0xac: {  	[sflag:s22] =	ssyncset.done $0x0  }
0xad: {  	s10 =	rddreg [dreg:$0x8];
	[sflag:s22] =	ssyncadd.s32 $0xFFFFD800  }
0xae: {  	[tilespmem:s4], [sflag:$0x3] =	stream.linear.gather [hbm4b:s10+s4], $0x50, $0x38;
	[tilespmem:$0x1D200] =	vst v63  }
0xaf: {  	_ =	swait.ge [sflag:s22], $0x50  }
0xb0: {  	[sflag:s22] =	ssyncset.done $0x0  }
0xb1: {  	[sflag:s22] =	ssyncadd.s32 $0xFFFFFFB0  }
0xb2: {  	[tilespmem:s23], [sflag:$0x3] =	stream.linear.gather [hbm4b:s14+s4], $0x50, $0x38;
	[tilespmem:$0x1D200] =	vst v63  }
0xb3: {  	_ =	swait.ge [sflag:s22], $0x50  }
0xb4: {  	[sflag:s22] =	ssyncset.done $0x0  }
0xb5: {  	[sflag:s22] =	ssyncadd.s32 $0xFFFFFFB0  }
0xb6: {  	[tilespmem:s25], [sflag:$0x1] =	stream.indirect.gather [hbm4b:s6+s24], $0x80, s4, s24, $0xb8;
	[tilespmem:$0x1D200] =	vst v63  }
0xb7: {  	_ =	swait.ge [sflag:s31], $0x2800  }
0xb8: {  	[sflag:s31] =	ssyncset.done $0x0  }
0xb9: {  	[sflag:s31] =	ssyncadd.s32 $0xFFFFD800  }
0xba: {  	[spmem:s2] =	stream.indirect.scatter.add.f32 [tilespmem:s29], [sflag:$0x3], $0x80, s28, s24, $0xb8;
	[tilespmem:$0x1D200] =	vst v63  }
0xbb: {  	_ =	swait.ge [sflag:s22], $0x2800  }
0xbc: {  	[sflag:s22] =	ssyncset.done $0x0  }
0xbd: {  	[sflag:s22] =	ssyncadd.s32 $0xFFFFD800  }
0xbe: {  	_ =	swait.ge [sflag:s30], $0x2800  }
0xbf: {  	[sflag:s30] =	ssyncset.done $0x0  }
0xc0: {  	[sflag:s30] =	ssyncadd.s32 $0xFFFFD800  }
0xc1: {  	[spmem:s2] =	stream.indirect.scatter.add.f32 [tilespmem:s25], [sflag:$0x3], $0x80, s23, s24, $0xb8;
	[tilespmem:$0x1D200] =	vst v63  }
0xc2: {  	_ =	swait.ge [sflag:s22], $0x2800  }
0xc3: {  	s11 =	stileid.u32;
	[sflag:s22] =	ssyncset.done $0x0  }
0xc4: {  	s3 =	sshll.u32 s11, $0x6;
	[sflag:s22] =	ssyncadd.s32 $0xFFFFD800  }
0xc5: {  	s12 =	sshrl.u32 s7, $0x3;
	s3 =	sor.u32 $0x1C03, s3;
	[bflag:$0x0] =	sbarrier.arrive $0xFFFF  }
0xc6: {  	[hbm:s15], [sflag:s3] =	dma.local [spmem:s12], $0x800  }
0xc7: {  	s0 =	sadd.s32 $0x1, s0;
	_ =	swait.ge [sflag:s22], $0x800  }
0xc8: {  	p0 =	sne.s32 s0, s17;
	[sflag:s22] =	ssyncset.done $0x0  }
.Ltmp2:
0xc9: {  	s13 =	sshrl.u32 s8, $0x3;
	[sflag:s22] =	ssyncadd.s32 $0xFFFFF800;
	(pc) =	sbr.rel @p0 .LBB2_1-.Ltmp2, $4  }
0xca: {  	[hbm:s16], [sflag:s3] =	dma.local [spmem:s13], $0x800  }
0xcb: {  	_ =	swait.ge [sflag:s22], $0x800  }
0xcc: {  	[sflag:s22] =	ssyncset.done $0x0  }
0xcd: {  	[sflag:s22] =	ssyncadd.s32 $0xFFFFF800  }
0xce: {  	_ =	sfence.sel $0x180000  }
0xcf: {  	[bflag:$0x0] =	sbarrier.arrive $0xFFFF  }
0xd0: {  	_ =	strace $0x9000004D  }
0xd1: {  	s0 =	stileid.u32;
	[bflag:$0x2] =	sbarrier.arrive $0xFFFF  }
0xd2: {  	p0 =	sne.s32 s0, $0x0;
	s0 =	rddreg [dreg:$0x3]  }
0xd3: {  	s0 =	sadd.s32 @!p0 $0x100000, s0  }
0xd4: {  	[sflag:s0] =	ssyncadd.tile.s32 @!p0 $0x1;
	_ =	shalt  }
.Lfunc_end2:
_tile_overlayer_lowered:
.L_overlay_start_2:
0xd5: {  	(tag) =	ssettag $0x2  }
0xd6: {  	s0 =	rddreg [dreg:$0x0];
	s2 =	stileid.u32  }
0xd7: {  	s1 =	rddreg [dreg:$0x1];
	p0 =	sne.s32 s2, $0x0  }
0xd8: {  	s3 =	rddreg [dreg:$0x2];
	[bflag:$0x3] =	sbarrier.arrive $0xFFFF;
	s2 =	simm.s32 @!p0 $0x1C03  }
0xd9: {  	[timem:s3], [sflag:s2] =	dma.local @!p0 [hbm:s0], s1  }
0xda: {  	s0 =	simm.s32 @!p0 $0x3  }
0xdb: {  	_ =	swait.ge @!p0 [sflag:s0], s1  }
0xdc: {  	s1 =	ssub.s32 @!p0 $0x0, s1;
	[sflag:s0] =	ssyncset.done @!p0 $0x0  }
0xdd: {  	[sflag:s0] =	ssyncadd.s32 @!p0 s1  }
0xde: {  	[bflag:$0x3] =	sbarrier.arrive $0xFFFF  }
0xdf: {  	_ =	shalt  }

// kernel: kernel.8.cloned.1.call-start
scs
__scs_entry_jumppad:
0x0: {  	(pc) =	sbr.rel $0x88, $3  }
0x1: {  	(tag) =	ssettag $0x0;
	lr =	simm.s32 $0x1  }
0x2: {  	[smem:$0x3F9C] =	sst lr;
	_ =	strace $0xD0000000  }
0x3: {  	_ = 	snop  }
0x4: {  	_ = 	snop  }
0x5: {  	_ = 	snop  }
0x6: {  	_ = 	snop  }
0x7: {  	_ = 	snop  }
__scs_overlays_trampoline_lowered:
0x8: {  	[smem:$0x3FAB] =	sst s0  }
0x9: {  	[smem:$0x3FAC] =	sst s1  }
0xa: {  	[smem:$0x3FAD] =	sst s2  }
0xb: {  	[smem:$0x3FAE] =	sst s3  }
0xc: {  	[smem:$0x3FAF] =	sst s4  }
0xd: {  	[smem:$0x3FB0] =	sst s5  }
0xe: {  	[smem:$0x3FB1] =	sst s6  }
0xf: {  	[smem:$0x3FB2] =	sst s7  }
0x10: {  	[smem:$0x3FB3] =	sst s8  }
0x11: {  	[smem:$0x3FB4] =	sst s9;
	s0 =	simm.s32 @!p0 $0x0  }
0x12: {  	s1 =	sld [smem:$0x3F9A];
	s0 =	simm.s32 @p0 $0x1  }
0x13: {  	[smem:$0x3FB5] =	sst s0;
	s0 =	simm.s32 @!p1 $0x0  }
0x14: {  	s2 =	sld [smem:$0x3F99];
	s0 =	simm.s32 @p1 $0x1  }
0x15: {  	[smem:$0x3FB6] =	sst s0;
	s0 =	simm.s32 @!p2 $0x0  }
0x16: {  	s3 =	sld [smem:$0x3FDB];
	s0 =	simm.s32 @p2 $0x1  }
0x17: {  	s4 =	simm.s32 $0x1BF5;
	[smem:$0x3FB8] =	sst s0  }
0x18: {  	s0 =	sld [smem:$0x3F9B];
	_ =	swait.ge [sflag:s4], $0x0  }
0x19: {  	s7 =	sld [smem:$0x3F9C]  }
0x1a: {  	s8 =	sadd.s32 $0xFFFFE003, lr  }
0x1b: {  	s9 =	sadd.s32 $0xFFFFFEF7, lr;
	s5 =	simm.s32 $0xFFFFFFFF;
	p2 =	slt.u32 s8, $0xFFFFF086  }
0x1c: {  	p1 =	slt.u32 s9, $0xF7A;
	s5 =	simm.s32 @!p2 $0x0  }
0x1d: {  	s5 =	simm.s32 @p1 $0x1;
	p0 =	seq.s32 s7, s2  }
0x1e: {  	s7 =	smul.u32 @!p0 $0xF7A, s2;
	p2 =	seq.s32 @!p0 s5, $0x0  }
0x1f: {  	s9 =	smul.u32 $0xF7A, s1;
	s8 =	simm.s32 @!p0 $0x1BF5;
	p2 =	por !p2, p0  }
0x20: {  	[sflag:s8] =	ssyncset.s32 @!p0 $0xFFFFF086;
	s6 =	sadd.s32 @!p0 s3, s7;
	s7 =	simm.s32 @!p0 $0x108  }
0x21: {  	s3 =	sadd.s32 s3, s9;
	s6 =	sadd.s32 @!p0 $0x88, s6;
	s7 =	simm.s32 @p2 $0x1082  }
0x22: {  	[simem:s7], [sflag:s8] =	dma.local @!p0 [hbm:s6], $0xF7A  }
0x23: {  	s9 =	sor.u32 $0xD0000000, s2;
	s6 =	simm.s32 $0x108;
	_ =	swait.ge @!p0 [sflag:s8], $0x0  }
0x24: {  	s3 =	sadd.s32 $0x88, s3;
	s6 =	simm.s32 @!p1 $0x1082;
	[sflag:s4] =	ssyncset.s32 $0xFFFFF086  }
0x25: {  	[simem:s6], [sflag:s4] =	dma.local [hbm:s3], $0xF7A  }
0x26: {  	[smem:$0x3F9C] =	sst s1;
	(tag) =	ssettag s2;
	_ =	strace s9  }
0x27: {  	s1 =	sld [smem:$0x3FAC]  }
0x28: {  	s2 =	sld [smem:$0x3FAD]  }
0x29: {  	s4 =	sld [smem:$0x3FAF]  }
0x2a: {  	p0 =	seq.s32 s5, $0x0;
	s5 =	sld [smem:$0x3FB0]  }
0x2b: {  	s6 =	sld [smem:$0x3FB1]  }
0x2c: {  	s7 =	sld [smem:$0x3FB2]  }
0x2d: {  	s3 =	simm.s32 $0x108;
	s8 =	sld [smem:$0x3FB3]  }
0x2e: {  	s3 =	simm.s32 @!p0 $0x1082;
	s9 =	sld [smem:$0x3FB4]  }
0x2f: {  	lr =	sadd.s32 s0, s3;
	s0 =	sld [smem:$0x3FAB]  }
0x30: {  	s3 =	sld [smem:$0x3FAE]  }
0x31: {  	[smem:$0x3FB7] =	sst s10  }
0x32: {  	s10 =	sld [smem:$0x3FB5];
	_ =	sdelay $0x3  }
0x33: {  	p0 =	seq.s32 s10, $0x1;
	s10 =	sld [smem:$0x3FB7];
	_ =	sdelay $0x3  }
0x34: {  	[smem:$0x3FB7] =	sst s10  }
0x35: {  	s10 =	sld [smem:$0x3FB6];
	_ =	sdelay $0x3  }
0x36: {  	p1 =	seq.s32 s10, $0x1;
	s10 =	sld [smem:$0x3FB7];
	_ =	sdelay $0x3  }
0x37: {  	[smem:$0x3FB7] =	sst s10  }
0x38: {  	s10 =	sld [smem:$0x3FB8]  }
0x39: {  	_ = 	snop;
	(pc) =	sbr.ind lr, $3  }
0x3a: {  	_ = 	snop  }
0x3b: {  	_ = 	snop  }
0x3c: {  	p2 =	seq.s32 s10, $0x1;
	s10 =	sld [smem:$0x3FB7]  }
0x3d: {  	_ =	shalt  }
0x3e: {  	_ =	shalt  }
0x3f: {  	_ =	shalt  }
0x40: {  	_ =	shalt  }
0x41: {  	_ =	shalt  }
0x42: {  	_ =	shalt  }
0x43: {  	_ =	shalt  }
0x44: {  	_ =	shalt  }
0x45: {  	_ =	shalt  }
0x46: {  	_ =	shalt  }
0x47: {  	_ =	shalt  }
0x48: {  	_ =	shalt  }
0x49: {  	_ =	shalt  }
0x4a: {  	_ =	shalt  }
0x4b: {  	_ =	shalt  }
0x4c: {  	_ =	shalt  }
0x4d: {  	_ =	shalt  }
0x4e: {  	_ =	shalt  }
0x4f: {  	_ =	shalt  }
0x50: {  	_ =	shalt  }
0x51: {  	_ =	shalt  }
0x52: {  	_ =	shalt  }
0x53: {  	_ =	shalt  }
0x54: {  	_ =	shalt  }
0x55: {  	_ =	shalt  }
0x56: {  	_ =	shalt  }
0x57: {  	_ =	shalt  }
0x58: {  	_ =	shalt  }
0x59: {  	_ =	shalt  }
0x5a: {  	_ =	shalt  }
0x5b: {  	_ =	shalt  }
0x5c: {  	_ =	shalt  }
0x5d: {  	_ =	shalt  }
0x5e: {  	_ =	shalt  }
0x5f: {  	_ =	shalt  }
0x60: {  	_ =	shalt  }
0x61: {  	_ =	shalt  }
0x62: {  	_ =	shalt  }
0x63: {  	_ =	shalt  }
0x64: {  	_ =	shalt  }
0x65: {  	_ =	shalt  }
0x66: {  	_ =	shalt  }
0x67: {  	_ =	shalt  }
0x68: {  	_ =	shalt  }
0x69: {  	_ =	shalt  }
0x6a: {  	_ =	shalt  }
0x6b: {  	_ =	shalt  }
0x6c: {  	_ =	shalt  }
0x6d: {  	_ =	shalt  }
0x6e: {  	_ =	shalt  }
0x6f: {  	_ =	shalt  }
0x70: {  	_ =	shalt  }
0x71: {  	_ =	shalt  }
0x72: {  	_ =	shalt  }
0x73: {  	_ =	shalt  }
0x74: {  	_ =	shalt  }
0x75: {  	_ =	shalt  }
0x76: {  	_ =	shalt  }
0x77: {  	_ =	shalt  }
0x78: {  	_ =	shalt  }
0x79: {  	_ =	shalt  }
0x7a: {  	_ =	shalt  }
0x7b: {  	_ =	shalt  }
0x7c: {  	_ =	shalt  }
0x7d: {  	_ =	shalt  }
0x7e: {  	_ =	shalt  }
0x7f: {  	_ =	shalt  }
0x80: {  	_ =	shalt  }
0x81: {  	_ =	shalt  }
0x82: {  	_ =	shalt  }
0x83: {  	_ =	shalt  }
0x84: {  	_ =	shalt  }
0x85: {  	_ =	shalt  }
0x86: {  	_ =	shalt  }
0x87: {  	_ =	shalt  }
.Lfunc_end0:
.L_simem_size_0:
called_computation_lowered:
.L_overlay_start_0:
0x88: {  	s2 =	sld [smem:$0x3FD9]  }
0x89: {  	s3 =	sld [smem:$0x3FFE];
	_ =	sdelay $0x1  }
0x8a: {  	s1 =	srdreg.scid  }
0x8b: {  	s0 =	sand.u32 $0x1, s1  }
0x8c: {  	s17 =	sshll.u32 s0, $0xA;
	s2 =	sadd.s32 s3, s2  }
0x8d: {  	s2 =	sadd.s32 s2, s17  }
0x8e: {  	[smem:$0x3FC3] =	sst s2  }
0x8f: {  	_ = 	snop  }
0x90: {  	s2 =	sld [smem:$0x3FD0];
	(tm) =	ssettm $0x1  }
0x91: {  	s18 =	sld [smem:$0x3FFB];
	_ =	sdelay $0x3  }
0x92: {  	_ =	strace s18  }
0x93: {  	s3 =	sld [smem:$0x3FFC];
	_ =	sdelay $0x3  }
0x94: {  	_ =	strace s3  }
0x95: {  	s3 =	sld [smem:$0x3FFD];
	_ =	sdelay $0x3  }
0x96: {  	_ =	strace s3  }
0x97: {  	_ =	strace $0x8FFFFFFF  }
0x98: {  	s19 =	sld [smem:$0x3FDB];
	_ =	sdelay $0x1  }
0x99: {  	s4 =	simm.s32 $_scs_section_size  }
0x9a: {  	s5 =	simm.s32 $_size__tile_overlayer_lowered;
	s6 =	simm.s32 $_tile_overlayer_lowered  }
0x9b: {  	s22 =	simm.s32 $0x1BFF;
	s21 =	sshll.u32 s6, $0x1;
	s3 =	sadd.s32 s4, s19  }
0x9c: {  	s7 =	simm.s32 $0x0;
	s20 =	sshll.u32 s5, $0x1;
	s5 =	sadd.s32 s21, s3  }
0x9d: {  	[timem:s7], [sflag:s22] =	dma.local [hbm:s5], s20  }
0x9e: {  	_ =	swait.ge [sflag:s22], s20  }
0x9f: {  	s4 =	ssub.s32 $0x0, s20;
	[sflag:s22] =	ssyncset.done $0x0  }
0xa0: {  	[sflag:s22] =	ssyncadd.s32 s4;
	_ =	sdelay $0x1  }
0xa1: {  	s23 =	simm.s32 $0x1B8B  }
0xa2: {  	_ =	swait.ge [sflag:s23], $0x1  }
0xa3: {  	[sflag:s23] =	ssyncset.done $0x0  }
0xa4: {  	s25 =	simm.s32 $0x1B8E;
	s24 =	sld [smem:$0x3FFE];
	[sflag:s23] =	ssyncadd.s32 $0xFFFFFFFF  }
0xa5: {  	s26 =	simm.s32 $execute0_lowered;
	[smem:$0x3FD2] =	sst s25  }
0xa6: {  	s5 =	sshll.u32 s26, $0x1;
	_ =	strace $0x80000046;
	[dreg:$0x1] =	wrdreg $0xFFFFFFFF  }
0xa7: {  	s28 =	simm.s32 $_size_execute0_lowered;
	s3 =	sadd.s32 s3, s5;
	[dreg:$0x0] =	wrdreg $0x0  }
0xa8: {  	s5 =	sshll.u32 s28, $0x1;
	[dreg:$0x2] =	wrdreg s3  }
0xa9: {  	[dreg:$0x3] =	wrdreg s5  }
0xaa: {  	[dreg:$0x4] =	wrdreg $0xC0  }
0xab: {  	_ =	task [dreg:s7], $0x5FFFF  }
0xac: {  	[dreg:$0x1] =	wrdreg $0xFFFFFFFF  }
0xad: {  	[dreg:$0x0] =	wrdreg $0x60  }
0xae: {  	[dreg:$0x2] =	wrdreg s2  }
0xaf: {  	[dreg:$0x3] =	wrdreg s24  }
0xb0: {  	[dreg:$0x4] =	wrdreg $0xC9000  }
0xb1: {  	[dreg:$0x5] =	wrdreg $0x9  }
0xb2: {  	_ =	task.clear_ibuf [dreg:s7], $0x6FFFF;
	_ =	strace $0x90000046  }
0xb3: {  	s29 =	simm.s32 $0x9;
	_ =	strace $0x80000048  }
0xb4: {  	_ =	swait.ge [sflag:s29], $0x1  }
0xb5: {  	[sflag:s29] =	ssyncadd.s32 $0xFFFFFFFF  }
0xb6: {  	_ =	strace $0x90000048  }
0xb7: {  	_ =	sfence  }
0xb8: {  	s30 =	sld [smem:$0x0];
	_ =	sdelay $0x2  }
0xb9: {  	s31 =	sshll.u32 s1, $0xD;
	s1 =	sshrl.u32 s1, $0x2  }
0xba: {  	s3 =	sand.u32 $0x4000, s31;
	s1 =	sadd.s32 s1, s30  }
0xbb: {  	s0 =	sor.u32 s3, s0;
	s1 =	sshll.u32 s1, $0x11  }
0xbc: {  	s0 =	sor.u32 s1, s0  }
0xbd: {  	s0 =	sadd.s32 $0x8F2B, s0  }
0xbe: {  	[sflag:s0] =	ssyncadd.remote.s32 $0x1  }
0xbf: {  	_ =	sfence.sel $0xFFFF  }
0xc0: {  	[dreg:$0x0] =	wrdreg $0xFFFFFFFF;
	(pc) =	sbr.abs _section_cstart, $3  }
0xc1: {  	[dreg:$0x1] =	wrdreg $0xFFFFFFFF  }
0xc2: {  	_ =	task.clear_ibuf [dreg:s7], $0x2FFFF;
	_ =	strace $0x9FFFFFFF  }
0xc3: {  	(tm) =	ssettm $0x7FFFFFFF  }
tec
execute0_lowered:
.L_overlay_start_1:
0x0: {  	(tag) =	ssettag $0x1  }
0x1: {  	s0 =	rddreg [dreg:$0x0]  }
0x2: {  	s5 =	rddreg [dreg:$0x1];
	s1 =	srdreg.scid  }
0x3: {  	s3 =	rddreg [dreg:$0x2];
	s2 =	stileid.u32;
	s4 =	simm.s32 $0x0  }
0x4: {  	s14 =	simm.s32 $0x3;
	s15 =	simm.s32 $0x80;
	s16 =	simm.s32 $0x1  }
0x5: {  	s17 =	simm.s32 $0x50;
	s18 =	simm.s32 $0x100;
	s8 =	smul.u32 $0xA000, s2  }
0x6: {  	s19 =	simm.s32 $0x2;
	s20 =	simm.s32 $0x0;
	s24 =	smul.u32 $0x28000, s2  }
0x7: {  	s6 =	sand.u32 $0x1, s1;
	s1 =	rddreg [dreg:$0x3];
	s29 =	smul.u32 $0x2710, s2  }
0x8: {  	[smem:$0x7FF] =	sst s4;
	s7 =	smul.u32 $0x140000, s6;
	s9 =	sshll.u32 s6, $0x4  }
0x9: {  	_ =	strace $0x80000047;
	s25 =	ssub.s32 $0x2, s6;
	s11 =	smul.u32 $0x27100, s6  }
0xa: {  	s23 =	sor.u32 s2, s9;
	s26 =	sshrl.u32 s25, $0x1;
	s30 =	sshrl.u32 s24, $0x2  }
0xb: {  	s7 =	sadd.s32 s8, s7;
	s8 =	smul.u32 $0x2710, s23;
	s12 =	ssub.s32 s25, s26  }
0xc: {  	s6 =	sadd.s32 s30, s3;
	s11 =	sadd.s32 s29, s11;
	s7 =	sshrl.u32 s7, $0x3  }
0xd: {  	s13 =	sadd.s32 $0x50, s11;
	s11 =	sadd.s32 $0xA0, s11;
	s10 =	sadd.s32 s7, s5  }
0xe: {  	s28 =	sshrl.u32 s8, $0x3;
	s31 =	sshrl.u32 s13, $0x3;
	s13 =	simm.s32 $0x2900  }
0xf: {  	s5 =	sadd.s32 s0, s28;
	s9 =	sadd.s32 $0xB800, s10;
	s10 =	smax.u32 s12, $0x1  }
0x10: {  	v0 =	vimm.f32 $0.0e+00;
	v1 =	vimm.f32 $1.000000000e+00;
	s12 =	sadd.s32 s31, s0;
	s7 =	sadd.s32 $0x4CE, s5;
	s8 =	sadd.s32 $0x4D8, s5  }
.LBB2_1:
0x11: {  	s21 =	simm.s32 $0x0  }
.LBB2_2:
0x12: {  	p0 =	sne.s32 s21, $0x27E00  }
.Ltmp0:
0x13: {  	_ = 	snop;
	(pc) =	sbr.rel @p0 .LBB2_2-.Ltmp0, $3  }
0x14: {  	_ =	sdelay $0x1  }
0x15: {  	s22 =	sshra.s32 s21, $0x2  }
0x16: {  	s21 =	sadd.s32 $0x200, s21;
	[tilespmem:s22+$0x2900] =	vst v0  }
0x17: {  	s21 =	simm.s32 $0x200;
	s22 =	simm.s32 $0x0  }
.LBB2_4:
0x18: {  	p0 =	sne.s32 s21, $0x9E00;
	[tilespmem:s22+$0x100] =	vst v1;
	s22 =	smov.u32 s21;
	s21 =	sadd.s32 $0x200, s21  }
.Ltmp1:
0x19: {  	(pc) =	sbr.rel @p0 .LBB2_4-.Ltmp1, $2  }
0x1a: {  	_ =	sdelay $0x2  }
0x1b: {  	s22 =	sshra.s32 s22, $0x2  }
0x1c: {  	[tilespmem:s22+$0x100] =	vst v1  }
0x1d: {  	[spmem:s6] =	stream.linear.scatter [tilespmem:s13], [sflag:$0x3], $0xA000, $0x38;
	[tilespmem:$0xF100] =	vst v63  }
0x1e: {  	_ =	swait.ge [sflag:s14], $0xA000  }
0x1f: {  	[sflag:s14] =	ssyncset.done $0x0  }
0x20: {  	[sflag:s14] =	ssyncadd.s32 $0xFFFF6000  }
0x21: {  	s21 =	simm.s32 $0x0;
	[bflag:$0x0] =	sbarrier.arrive $0xFFFF  }
0x22: {  	[tilespmem:s21], [sflag:$0x1] =	stream.linear.gather [hbm4b:s5+s21], $0x50, $0x38;
	[tilespmem:$0xF100] =	vst v63  }
0x23: {  	s30 =	sadd.s32 $0x0, s12  }
0x24: {  	[tilespmem:s15], [sflag:$0x2] =	stream.linear.gather [hbm4b:s30+s4], $0x50, $0x38;
	[tilespmem:$0xF100] =	vst v63  }
0x25: {  	_ =	swait.ge [sflag:s16], $0x50  }
0x26: {  	[sflag:s16] =	ssyncset.done $0x0  }
0x27: {  	[sflag:s16] =	ssyncadd.s32 $0xFFFFFFB0  }
0x28: {  	[spmem:s3] =	stream.indirect.scatter.add.f32 [tilespmem:s18], [sflag:$0x3], $0x10, s4, s17, $0xb8;
	[tilespmem:$0xF100] =	vst v63  }
0x29: {  	_ =	swait.ge [sflag:s14], $0x500  }
0x2a: {  	s31 =	sshrl.u32 s11, $0x3;
	[sflag:s14] =	ssyncset.done $0x0  }
0x2b: {  	s21 =	sadd.s32 s0, s31;
	[sflag:s14] =	ssyncadd.s32 $0xFFFFFB00  }
0x2c: {  	[tilespmem:s4], [sflag:$0x1] =	stream.linear.gather [hbm4b:s21+s4], $0x50, $0x38;
	[tilespmem:$0xF100] =	vst v63  }
0x2d: {  	_ =	swait.ge [sflag:s19], $0x50  }
0x2e: {  	[sflag:s19] =	ssyncset.done $0x0  }
0x2f: {  	[sflag:s19] =	ssyncadd.s32 $0xFFFFFFB0  }
0x30: {  	[spmem:s3] =	stream.indirect.scatter.add.f32 [tilespmem:s18], [sflag:$0x3], $0x10, s15, s17, $0xb8;
	[tilespmem:$0xF100] =	vst v63  }
0x31: {  	s22 =	simm.s32 $0x14;
	_ =	swait.ge [sflag:s14], $0x500  }
0x32: {  	s23 =	simm.s32 $0x28;
	s21 =	sadd.s32 $0xA0, s11;
	[sflag:s14] =	ssyncset.done $0x0  }
.LBB2_6:
0x33: {  	s24 =	sadd.s32 s22, s12  }
0x34: {  	[sflag:s14] =	ssyncadd.s32 $0xFFFFFB00;
	s22 =	smov.u32 s23;
	s25 =	sadd.s32 $0x14, s23  }
0x35: {  	[tilespmem:s15], [sflag:$0x2] =	stream.linear.gather [hbm4b:s24+s4], $0x50, $0x38;
	[tilespmem:$0xF100] =	vst v63  }
0x36: {  	p0 =	sne.s32 s23, $0x4B0;
	_ =	swait.ge [sflag:s16], $0x50  }
0x37: {  	[sflag:s16] =	ssyncset.done $0x0  }
0x38: {  	[sflag:s16] =	ssyncadd.s32 $0xFFFFFFB0  }
0x39: {  	[spmem:s3] =	stream.indirect.scatter.add.f32 [tilespmem:s18], [sflag:$0x3], $0x10, s4, s17, $0xb8;
	[tilespmem:$0xF100] =	vst v63  }
0x3a: {  	_ =	swait.ge [sflag:s14], $0x500  }
0x3b: {  	s23 =	sshrl.u32 s21, $0x3;
	[sflag:s14] =	ssyncset.done $0x0  }
0x3c: {  	s23 =	sadd.s32 s0, s23;
	[sflag:s14] =	ssyncadd.s32 $0xFFFFFB00  }
0x3d: {  	[tilespmem:s4], [sflag:$0x1] =	stream.linear.gather [hbm4b:s23+s4], $0x50, $0x38;
	[tilespmem:$0xF100] =	vst v63  }
0x3e: {  	_ =	swait.ge [sflag:s19], $0x50  }
.Ltmp2:
0x3f: {  	[sflag:s19] =	ssyncset.done $0x0;
	(pc) =	sbr.rel @p0 .LBB2_6-.Ltmp2, $4  }
0x40: {  	[sflag:s19] =	ssyncadd.s32 $0xFFFFFFB0  }
0x41: {  	[spmem:s3] =	stream.indirect.scatter.add.f32 [tilespmem:s18], [sflag:$0x3], $0x10, s15, s17, $0xb8;
	[tilespmem:$0xF100] =	vst v63  }
0x42: {  	_ =	swait.ge [sflag:s14], $0x500  }
0x43: {  	s21 =	sadd.s32 $0xA0, s21;
	s23 =	smov.u32 s25;
	[sflag:s14] =	ssyncset.done $0x0  }
0x44: {  	s22 =	sadd.s32 s22, s12;
	[sflag:s14] =	ssyncadd.s32 $0xFFFFFB00  }
0x45: {  	[tilespmem:s15], [sflag:$0x2] =	stream.linear.gather [hbm4b:s22+s4], $0x50, $0x38;
	[tilespmem:$0xF100] =	vst v63  }
0x46: {  	_ =	swait.ge [sflag:s16], $0x50  }
0x47: {  	[sflag:s16] =	ssyncset.done $0x0  }
0x48: {  	[sflag:s16] =	ssyncadd.s32 $0xFFFFFFB0  }
0x49: {  	[spmem:s3] =	stream.indirect.scatter.add.f32 [tilespmem:s18], [sflag:$0x3], $0x10, s4, s17, $0xb8;
	[tilespmem:$0xF100] =	vst v63  }
0x4a: {  	_ =	swait.ge [sflag:s14], $0x500  }
0x4b: {  	s21 =	sshrl.u32 s21, $0x3;
	[sflag:s14] =	ssyncset.done $0x0  }
0x4c: {  	s21 =	sadd.s32 s0, s21;
	[sflag:s14] =	ssyncadd.s32 $0xFFFFFB00  }
0x4d: {  	[tilespmem:s4], [sflag:$0x1] =	stream.linear.gather [hbm4b:s21+s4], $0x50, $0x38;
	[tilespmem:$0xF100] =	vst v63  }
0x4e: {  	_ =	swait.ge [sflag:s19], $0x50  }
0x4f: {  	[sflag:s19] =	ssyncset.done $0x0  }
0x50: {  	[sflag:s19] =	ssyncadd.s32 $0xFFFFFFB0  }
0x51: {  	[spmem:s3] =	stream.indirect.scatter.add.f32 [tilespmem:s18], [sflag:$0x3], $0x10, s15, s17, $0xb8;
	[tilespmem:$0xF100] =	vst v63  }
0x52: {  	_ =	swait.ge [sflag:s14], $0x500  }
0x53: {  	[sflag:s14] =	ssyncset.done $0x0  }
0x54: {  	[sflag:s14] =	ssyncadd.s32 $0xFFFFFB00  }
0x55: {  	[tilespmem:s15], [sflag:$0x2] =	stream.linear.gather [hbm4b:s7+s4], $0x50, $0x38;
	[tilespmem:$0xF100] =	vst v63  }
0x56: {  	_ =	swait.ge [sflag:s16], $0x50  }
0x57: {  	[sflag:s16] =	ssyncset.done $0x0  }
0x58: {  	[sflag:s16] =	ssyncadd.s32 $0xFFFFFFB0  }
0x59: {  	[spmem:s3] =	stream.indirect.scatter.add.f32 [tilespmem:s18], [sflag:$0x3], $0x10, s4, s17, $0xb8;
	[tilespmem:$0xF100] =	vst v63  }
0x5a: {  	_ =	swait.ge [sflag:s14], $0x500  }
0x5b: {  	[sflag:s14] =	ssyncset.done $0x0  }
0x5c: {  	[sflag:s14] =	ssyncadd.s32 $0xFFFFFB00  }
0x5d: {  	[tilespmem:s4], [sflag:$0x1] =	stream.linear.gather [hbm4b:s8+s4], $0x50, $0x38;
	[tilespmem:$0xF100] =	vst v63  }
0x5e: {  	_ =	swait.ge [sflag:s19], $0x50  }
0x5f: {  	[sflag:s19] =	ssyncset.done $0x0  }
0x60: {  	[sflag:s19] =	ssyncadd.s32 $0xFFFFFFB0  }
0x61: {  	[spmem:s3] =	stream.indirect.scatter.add.f32 [tilespmem:s18], [sflag:$0x3], $0x10, s15, s17, $0xb8;
	[tilespmem:$0xF100] =	vst v63  }
0x62: {  	_ =	swait.ge [sflag:s14], $0x500  }
0x63: {  	[sflag:s14] =	ssyncset.done $0x0  }
0x64: {  	[sflag:s14] =	ssyncadd.s32 $0xFFFFFB00  }
0x65: {  	_ =	swait.ge [sflag:s16], $0x50  }
0x66: {  	[sflag:s16] =	ssyncset.done $0x0  }
0x67: {  	[sflag:s16] =	ssyncadd.s32 $0xFFFFFFB0  }
0x68: {  	[spmem:s3] =	stream.indirect.scatter.add.f32 [tilespmem:s18], [sflag:$0x3], $0x10, s4, s17, $0xb8;
	[tilespmem:$0xF100] =	vst v63  }
0x69: {  	_ =	swait.ge [sflag:s14], $0x500  }
0x6a: {  	s30 =	sshll.u32 s2, $0x6;
	s20 =	sadd.s32 $0x1, s20;
	[sflag:s14] =	ssyncset.done $0x0  }
0x6b: {  	s31 =	sshrl.u32 s6, $0x3;
	p0 =	sne.s32 s20, s10;
	[sflag:s14] =	ssyncadd.s32 $0xFFFFFB00  }
.Ltmp3:
0x6c: {  	s21 =	sor.u32 $0x1C03, s30;
	[bflag:$0x0] =	sbarrier.arrive $0xFFFF;
	(pc) =	sbr.rel @p0 .LBB2_1-.Ltmp3, $4  }
0x6d: {  	[hbm:s9], [sflag:s21] =	dma.local [spmem:s31], $0x1400  }
0x6e: {  	_ =	swait.ge [sflag:s14], $0x1400  }
0x6f: {  	[sflag:s14] =	ssyncset.done $0x0  }
0x70: {  	[sflag:s14] =	ssyncadd.s32 $0xFFFFEC00  }
0x71: {  	_ =	sfence.sel $0x180000  }
0x72: {  	[bflag:$0x0] =	sbarrier.arrive $0xFFFF  }
0x73: {  	p0 =	sne.s32 s2, $0x0;
	_ =	strace $0x90000047  }
0x74: {  	s0 =	sadd.s32 @!p0 $0x100000, s1;
	[bflag:$0x2] =	sbarrier.arrive $0xFFFF  }
0x75: {  	[sflag:s0] =	ssyncadd.tile.s32 @!p0 $0x1;
	_ =	shalt  }
.Lfunc_end2:
_tile_overlayer_lowered:
.L_overlay_start_2:
0x76: {  	(tag) =	ssettag $0x2  }
0x77: {  	s0 =	rddreg [dreg:$0x0];
	s2 =	stileid.u32  }
0x78: {  	s1 =	rddreg [dreg:$0x1];
	p0 =	sne.s32 s2, $0x0  }
0x79: {  	s3 =	rddreg [dreg:$0x2];
	[bflag:$0x3] =	sbarrier.arrive $0xFFFF;
	s2 =	simm.s32 @!p0 $0x1C03  }
0x7a: {  	[timem:s3], [sflag:s2] =	dma.local @!p0 [hbm:s0], s1  }
0x7b: {  	s0 =	simm.s32 @!p0 $0x3  }
0x7c: {  	_ =	swait.ge @!p0 [sflag:s0], s1  }
0x7d: {  	s1 =	ssub.s32 @!p0 $0x0, s1;
	[sflag:s0] =	ssyncset.done @!p0 $0x0  }
0x7e: {  	[sflag:s0] =	ssyncadd.s32 @!p0 s1  }
0x7f: {  	[bflag:$0x3] =	sbarrier.arrive $0xFFFF  }
0x80: {  	_ =	shalt  }

</sc_bundles>
